<compile_context>
chip_gen: v7x
topology: tpu7x:2x2x1
jax: 0.10.2.dev20260603
libtpu: 0.0.44.dev20260713+nightly
codegen_flags: <defaults>
</compile_context>

<pallas_src>
import functools

import jax
import jax.numpy as jnp
from jax import lax
from jax.experimental import pallas as pl
from jax.experimental.pallas import tpu as pltpu
from jax.experimental.pallas import tpu_sc as plsc

ALPHA = 200.0
B, N, M = 16, 512, 512
LANES = 16
CHUNK = 16
NCH = N // CHUNK
CVECS = M // LANES
UNROLL = 4
NEG = -3.0e38


def _sm_body(s_hbm, nrow_hbm, ncol_hbm, out_hbm,
             buf_a, buf_b, obuf_a, obuf_b, zbuf, nrow_v, ncol_v,
             semi_a, semi_b, semo_a, semo_b, semz):
    wid = lax.axis_index("s") * 2 + lax.axis_index("c")

    pltpu.sync_copy(nrow_hbm, nrow_v)
    pltpu.sync_copy(ncol_hbm, ncol_v)

    lanes = lax.iota(jnp.int32, LANES)
    zvec = jnp.zeros((LANES,), jnp.float32)
    czero = jnp.zeros((LANES,), jnp.int32)
    acc0 = jnp.full((LANES,), NEG, jnp.float32)

    def _tree(v, op):
        for s in (8, 4, 2, 1):
            idx = jnp.bitwise_xor(lanes, s)
            v = op(v, v.at[idx].get(mode="promise_in_bounds"))
        return v

    def _zinit(j, carry):
        zbuf[j // CVECS, pl.ds((j % CVECS) * LANES, LANES)] = zvec
        return carry

    lax.fori_loop(0, CHUNK * CVECS, _zinit, 0)

    nv = nrow_v[...]
    mv = ncol_v[...]

    def _nm(b):
        bf = jnp.full((LANES,), b, jnp.int32)
        n = nv.at[bf].get(mode="promise_in_bounds")[0]
        m = mv.at[bf].get(mode="promise_in_bounds")[0]
        return n, m

    def _r0(b):
        return lax.rem(wid + 2 * b, NCH) * CHUNK

    def _valid(b):
        n, _ = _nm(b)
        return _r0(b) < n

    def _in_copy(b, buf, sem):
        return pltpu.make_async_copy(
            s_hbm.at[b, pl.ds(_r0(b), CHUNK), :], buf, sem)

    def _out_copy(b, obuf, sem):
        return pltpu.make_async_copy(
            obuf, out_hbm.at[b, pl.ds(_r0(b), CHUNK), :], sem)

    @pl.when(_valid(0))
    def _pre0():
        _in_copy(0, buf_a, semi_a).start()

    @pl.when(_valid(1))
    def _pre1():
        _in_copy(1, buf_b, semi_b).start()

    def _step(b, buf, obuf, semi, semo, pend, zc):
        n, m = _nm(b)
        r0 = _r0(b)
        val = r0 < n
        mfull = m // LANES
        rem = m - mfull * LANES
        cdiv = mfull + jnp.where(rem > 0, 1, 0)
        m4 = (mfull // UNROLL) * UNROLL
        jt = jnp.minimum(mfull, CVECS - 1)
        t0 = jt * LANES
        tcols = t0 + lanes

        @pl.when(val)
        def _compute():
            _in_copy(b, buf, semi).wait()

            @pl.when(pend != 0)
            def _drain():
                _out_copy(b, obuf, semo).wait()

            def _row(r, carry):
                def _p1(g, accs):
                    off = g * UNROLL * LANES
                    new = []
                    for u in range(UNROLL):
                        x = buf[r, pl.ds(off + u * LANES, LANES)]
                        new.append(jnp.maximum(accs[u], x))
                    return tuple(new)

                def _p1v(j, acc):
                    x = buf[r, pl.ds(j * LANES, LANES)]
                    return jnp.maximum(acc, x)

                accs = lax.fori_loop(
                    0, mfull // UNROLL, _p1, (acc0,) * UNROLL)
                acc = functools.reduce(jnp.maximum, accs)
                acc = lax.fori_loop(m4, mfull, _p1v, acc)
                xt = buf[r, pl.ds(t0, LANES)]
                acc = jnp.maximum(acc, jnp.where(tcols < m, xt, acc0))
                mrv = _tree(acc, jnp.maximum)

                def _p2(g, sums):
                    off = g * UNROLL * LANES
                    new = []
                    for u in range(UNROLL):
                        x = buf[r, pl.ds(off + u * LANES, LANES)]
                        new.append(sums[u] + jnp.exp((x - mrv) * ALPHA))
                    return tuple(new)

                def _p2v(j, sacc):
                    x = buf[r, pl.ds(j * LANES, LANES)]
                    return sacc + jnp.exp((x - mrv) * ALPHA)

                sums = lax.fori_loop(
                    0, mfull // UNROLL, _p2, (zvec,) * UNROLL)
                sacc = functools.reduce(jnp.add, sums)
                sacc = lax.fori_loop(m4, mfull, _p2v, sacc)
                xt2 = buf[r, pl.ds(t0, LANES)]
                et = jnp.exp((xt2 - mrv) * ALPHA)
                tmask = (tcols >= mfull * LANES) & (tcols < m)
                sacc = sacc + jnp.where(tmask, et, zvec)

                dv = _tree(sacc, jnp.add)
                rvv = (r0 + r + czero) < n
                srv = jnp.where(rvv, 1.0 / dv, zvec)

                def _p3(g, c):
                    off = g * UNROLL * LANES
                    for u in range(UNROLL):
                        x = buf[r, pl.ds(off + u * LANES, LANES)]
                        e = jnp.exp((x - mrv) * ALPHA)
                        obuf[r, pl.ds(off + u * LANES, LANES)] = e * srv
                    return c

                def _p3v(j, c):
                    x = buf[r, pl.ds(j * LANES, LANES)]
                    e = jnp.exp((x - mrv) * ALPHA)
                    obuf[r, pl.ds(j * LANES, LANES)] = e * srv
                    return c

                lax.fori_loop(0, mfull // UNROLL, _p3, 0)
                lax.fori_loop(m4, mfull, _p3v, 0)

                @pl.when(rem > 0)
                def _p3tail():
                    obuf[r, pl.ds(t0, LANES)] = jnp.where(
                        tcols < m, et * srv, zvec)

                def _pz(j, c):
                    obuf[r, pl.ds(j * LANES, LANES)] = zvec
                    return c

                lax.fori_loop(cdiv, CVECS, _pz, 0)
                return carry

            lax.fori_loop(0, CHUNK, _row, 0)
            _out_copy(b, obuf, semo).start()

        @pl.when(jnp.logical_not(val))
        def _zero():
            pltpu.make_async_copy(
                zbuf, out_hbm.at[b, pl.ds(r0, CHUNK), :], semz).start()

        bq = jnp.minimum(b + 2, B - 1)

        @pl.when((b + 2 < B) & _valid(bq))
        def _prefetch():
            _in_copy(bq, buf, semi).start()

        pend_new = jnp.where(val, 1, pend)
        zc_new = jnp.where(val, zc, zc + 1)
        return pend_new, zc_new

    def _pair(p, carry):
        pend_a, pend_b, zc = carry
        pend_a, zc = _step(2 * p, buf_a, obuf_a, semi_a, semo_a, pend_a, zc)
        pend_b, zc = _step(2 * p + 1, buf_b, obuf_b, semi_b, semo_b,
                           pend_b, zc)
        return pend_a, pend_b, zc

    pend_a, pend_b, zc = lax.fori_loop(
        0, B // 2, _pair, (jnp.int32(0), jnp.int32(0), jnp.int32(0)))

    @pl.when(pend_a != 0)
    def _fin_a():
        _out_copy(0, obuf_a, semo_a).wait()

    @pl.when(pend_b != 0)
    def _fin_b():
        _out_copy(0, obuf_b, semo_b).wait()

    def _zdrain(i, carry):
        pltpu.make_async_copy(
            zbuf, out_hbm.at[0, pl.ds(0, CHUNK), :], semz).wait()
        return carry

    lax.fori_loop(0, zc, _zdrain, 0)


@jax.jit
def _sm_call(s, nrow_gt, ncol_gt):
    mesh = plsc.VectorSubcoreMesh(core_axis_name="c", subcore_axis_name="s")
    return pl.kernel(
        _sm_body,
        mesh=mesh,
        compiler_params=pltpu.CompilerParams(needs_layout_passes=False),
        out_type=jax.ShapeDtypeStruct((B, N, M), jnp.float32),
        scratch_types=[
            pltpu.VMEM((CHUNK, M), jnp.float32),
            pltpu.VMEM((CHUNK, M), jnp.float32),
            pltpu.VMEM((CHUNK, M), jnp.float32),
            pltpu.VMEM((CHUNK, M), jnp.float32),
            pltpu.VMEM((CHUNK, M), jnp.float32),
            pltpu.VMEM((LANES,), jnp.int32),
            pltpu.VMEM((LANES,), jnp.int32),
            pltpu.SemaphoreType.DMA,
            pltpu.SemaphoreType.DMA,
            pltpu.SemaphoreType.DMA,
            pltpu.SemaphoreType.DMA,
            pltpu.SemaphoreType.DMA,
        ],
    )(s, nrow_gt, ncol_gt)


def kernel(s, nrow_gt, ncol_gt):
    return _sm_call(s, nrow_gt, ncol_gt)

# --- scband reference (transcript-rebuilt; emitter-appended) ---
"""Pipeline reference for scband-sm-45535243272719 (READ-ONLY COPY).

The authoritative reference and input builder live on the scoring server;
editing this copy changes nothing except your own understanding.
"""

import jax, jax.numpy as jnp
import numpy as np

ALPHA = 200.0
B, N, M = 16, 512, 512


def setup_inputs(seed: int = 0) -> dict:
    key = jax.random.key(seed)
    k1, k2, k3 = jax.random.split(key, 3)
    s = jax.random.normal(k1, (B, N, M), dtype=jnp.float32)
    nrow_gt = jax.random.randint(k2, (B,), 1, N + 1, dtype=jnp.int32)
    ncol_gt = jax.random.randint(k3, (B,), 1, M + 1, dtype=jnp.int32)
    return {"s": s, "nrow_gt": nrow_gt, "ncol_gt": ncol_gt}


def _masked_softmax(s, nrow_gt, ncol_gt):
    # Faithful translation of the per-batch loop:
    #   ret_s[b, 0:n, 0:ncol] = softmax(alpha * s[b, 0:n, 0:ncol], dim=-1)
    # vectorized via row/col validity masks. Entries outside the valid
    # (n x ncol) block are exactly zero, matching torch.zeros_like init.
    rows = jnp.arange(N)[None, :, None]          # [1, N, 1]
    cols = jnp.arange(M)[None, None, :]          # [1, 1, M]
    row_mask = rows < nrow_gt[:, None, None]     # [B, N, 1]
    col_mask = cols < ncol_gt[:, None, None]     # [B, 1, M]

    logits = ALPHA * s
    masked_logits = jnp.where(col_mask, logits, -1e30)
    m = jnp.max(masked_logits, axis=-1, keepdims=True)
    e = jnp.exp(masked_logits - m)
    e = jnp.where(col_mask, e, 0.0)
    denom = jnp.sum(e, axis=-1, keepdims=True)
    sm = e / jnp.where(denom == 0, 1.0, denom)
    out = jnp.where(row_mask, sm, 0.0)
    return out


def reference(s, nrow_gt, ncol_gt):
    return _masked_softmax(s, nrow_gt, ncol_gt)

if __name__ == "__main__":
    import jax
    _d = setup_inputs()
    print(jax.jit(kernel)(*tuple(_d.values())))

</pallas_src>

<mosaic_0001>
#map = affine_map<(d0, d1) -> (0, 0, 0)>
#map1 = affine_map<(d0, d1) -> (0)>
module attributes {stable_mosaic.version = 14 : i64} {
  func.func @_sm_body(%arg0: i32, %arg1: i32, %arg2: memref<16x512x512xf32, #tpu.memory_space<hbm>>, %arg3: memref<16xi32, #tpu.memory_space<hbm>>, %arg4: memref<16xi32, #tpu.memory_space<hbm>>, %arg5: memref<16x512x512xf32, #tpu.memory_space<hbm>>, %arg6: memref<16x512xf32, #tpu.memory_space<vmem>>, %arg7: memref<16x512xf32, #tpu.memory_space<vmem>>, %arg8: memref<16x512xf32, #tpu.memory_space<vmem>>, %arg9: memref<16x512xf32, #tpu.memory_space<vmem>>, %arg10: memref<16x512xf32, #tpu.memory_space<vmem>>, %arg11: memref<16xi32, #tpu.memory_space<vmem>>, %arg12: memref<16xi32, #tpu.memory_space<vmem>>, %arg13: memref<!tpu.dma_semaphore, #tpu.memory_space<semaphore_mem>>, %arg14: memref<!tpu.dma_semaphore, #tpu.memory_space<semaphore_mem>>, %arg15: memref<!tpu.dma_semaphore, #tpu.memory_space<semaphore_mem>>, %arg16: memref<!tpu.dma_semaphore, #tpu.memory_space<semaphore_mem>>, %arg17: memref<!tpu.dma_semaphore, #tpu.memory_space<semaphore_mem>>) attributes {dimension_semantics = [#tpu.dimension_semantics<core_parallel>, #tpu.dimension_semantics<subcore_parallel>], iteration_bounds = array<i64: 2, 16>, scalar_prefetch = 0 : i64, scratch_operands = 12 : i64, tpu.core_type = #tpu.core_type<sc_vector_subcore>, window_params = [{transform_indices = #map}, {transform_indices = #map1}, {transform_indices = #map1}, {transform_indices = #map}]} {
    %mul3A = arith.constant 2 : i32
    %mul3A_0 = arith.muli %arg1, %mul3A : i32
    %add3A = arith.addi %mul3A_0, %arg0 : i32
    "tpu.region"() ({
      %run_scoped3A = tpu.sem_alloc : memref<!tpu.dma_semaphore, #tpu.memory_space<semaphore_mem>>
      tpu.enqueue_dma source(%arg3 : memref<16xi32, #tpu.memory_space<hbm>>) target(%arg11 : memref<16xi32, #tpu.memory_space<vmem>>) target_semaphore(%run_scoped3A : memref<!tpu.dma_semaphore, #tpu.memory_space<semaphore_mem>>)
      tpu.wait_dma2 semaphore(%run_scoped3A : memref<!tpu.dma_semaphore, #tpu.memory_space<semaphore_mem>>) src(%arg3 : memref<16xi32, #tpu.memory_space<hbm>>) dst(%arg11 : memref<16xi32, #tpu.memory_space<vmem>>)
      tpu.yield
    }) : () -> ()
    "tpu.region"() ({
      %run_scoped3A = tpu.sem_alloc : memref<!tpu.dma_semaphore, #tpu.memory_space<semaphore_mem>>
      tpu.enqueue_dma source(%arg4 : memref<16xi32, #tpu.memory_space<hbm>>) target(%arg12 : memref<16xi32, #tpu.memory_space<vmem>>) target_semaphore(%run_scoped3A : memref<!tpu.dma_semaphore, #tpu.memory_space<semaphore_mem>>)
      tpu.wait_dma2 semaphore(%run_scoped3A : memref<!tpu.dma_semaphore, #tpu.memory_space<semaphore_mem>>) src(%arg4 : memref<16xi32, #tpu.memory_space<hbm>>) dst(%arg12 : memref<16xi32, #tpu.memory_space<vmem>>)
      tpu.yield
    }) : () -> ()
    %iota3A = tpu.iota {dimensions = array<i32: 0>} : vector<16xi32>
    %broadcast_in_dim3A = arith.constant 0.000000e+00 : f32
    %broadcast_in_dim3A_1 = vector.broadcast %broadcast_in_dim3A : f32 to vector<16xf32>
    %broadcast_in_dim3A_2 = arith.constant 0 : i32
    %broadcast_in_dim3A_3 = vector.broadcast %broadcast_in_dim3A_2 : i32 to vector<16xi32>
    %broadcast_in_dim3A_4 = arith.constant -3.000000e+38 : f32
    %broadcast_in_dim3A_5 = vector.broadcast %broadcast_in_dim3A_4 : f32 to vector<16xf32>
    %scan3A = arith.constant 0 : i32
    %scan3A_6 = arith.constant 0 : i32
    %scan3A_7 = arith.constant 512 : i32
    %scan3A_8 = arith.addi %scan3A_6, %scan3A_7 : i32
    %scan3A_9 = arith.constant 1 : i32
    scf.for %scan3A_105 = %scan3A_6 to %scan3A_8 step %scan3A_9  : i32 {
      %jit3A = arith.constant 32 : i32
      %div3A = arith.divsi %scan3A_105, %jit3A : i32
      %sign3A = arith.constant 0 : i32
      %sign3A_106 = arith.cmpi sgt, %scan3A_105, %sign3A : i32
      %sign3A_107 = arith.extui %sign3A_106 : i1 to i32
      %sign3A_108 = arith.constant 0 : i32
      %sign3A_109 = arith.cmpi slt, %scan3A_105, %sign3A_108 : i32
      %sign3A_110 = arith.extui %sign3A_109 : i1 to i32
      %sign3A_111 = arith.subi %sign3A_107, %sign3A_110 : i32
      %sign3A_112 = arith.constant 0 : i32
      %sign3A_113 = arith.cmpi sgt, %jit3A, %sign3A_112 : i32
      %sign3A_114 = arith.extui %sign3A_113 : i1 to i32
      %sign3A_115 = arith.constant 0 : i32
      %sign3A_116 = arith.cmpi slt, %jit3A, %sign3A_115 : i32
      %sign3A_117 = arith.extui %sign3A_116 : i1 to i32
      %sign3A_118 = arith.subi %sign3A_114, %sign3A_117 : i32
      %ne3A_119 = arith.cmpi ne, %sign3A_111, %sign3A_118 : i32
      %rem3A_120 = arith.remsi %scan3A_105, %jit3A : i32
      %ne3A_121 = arith.constant 0 : i32
      %ne3A_122 = arith.cmpi ne, %rem3A_120, %ne3A_121 : i32
      %and3A = arith.andi %ne3A_119, %ne3A_122 : i1
      %sub3A = arith.constant 1 : i32
      %sub3A_123 = arith.subi %div3A, %sub3A : i32
      %select_n3A_124 = arith.select %and3A, %sub3A_123, %div3A : i32
      %jit3A_125 = arith.constant 32 : i32
      %eq3A = arith.constant 0 : i32
      %eq3A_126 = arith.cmpi eq, %jit3A_125, %eq3A : i32
      %jit3A_127 = arith.constant 1 : i32
      %select_n3A_128 = arith.select %eq3A_126, %jit3A_127, %jit3A_125 : i32
      %rem3A_129 = arith.remsi %scan3A_105, %select_n3A_128 : i32
      %ne3A_130 = arith.constant 0 : i32
      %ne3A_131 = arith.cmpi ne, %rem3A_129, %ne3A_130 : i32
      %lt3A_132 = arith.constant 0 : i32
      %lt3A_133 = arith.cmpi slt, %rem3A_129, %lt3A_132 : i32
      %lt3A_134 = arith.constant 0 : i32
      %lt3A_135 = arith.cmpi slt, %select_n3A_128, %lt3A_134 : i32
      %ne3A_136 = arith.xori %lt3A_133, %lt3A_135 : i1
      %and3A_137 = arith.andi %ne3A_136, %ne3A_131 : i1
      %add3A_138 = arith.addi %rem3A_129, %select_n3A_128 : i32
      %select_n3A_139 = arith.select %and3A_137, %add3A_138, %rem3A_129 : i32
      %mul3A_140 = arith.constant 16 : i32
      %mul3A_141 = arith.muli %select_n3A_139, %mul3A_140 : i32
      %swap3A = arith.index_cast %select_n3A_124 : i32 to index
      %swap3A_142 = arith.index_cast %mul3A_141 : i32 to index
      %swap3A_143 = tpu.vector_load %arg10[%swap3A, %swap3A_142] {strides = array<i32>} : memref<16x512xf32, #tpu.memory_space<vmem>>, vector<16xf32>,
      tpu.vector_store %arg10[%swap3A, %swap3A_142], %broadcast_in_dim3A_1 {strides = array<i32>} : memref<16x512xf32, #tpu.memory_space<vmem>>, vector<16xf32>,
    }
    %scan3A_10 = arith.constant 512 : i32
    %get3A = arith.constant 0 : index
    %get3A_11 = tpu.vector_load %arg11[%get3A] {strides = array<i32>} : memref<16xi32, #tpu.memory_space<vmem>>, vector<16xi32>,
    %get3A_12 = arith.constant 0 : index
    %get3A_13 = tpu.vector_load %arg12[%get3A_12] {strides = array<i32>} : memref<16xi32, #tpu.memory_space<vmem>>, vector<16xi32>,
    %broadcast_in_dim3A_14 = arith.constant 0 : i32
    %broadcast_in_dim3A_15 = vector.broadcast %broadcast_in_dim3A_14 : i32 to vector<16xi32>
    %lt3A = arith.constant 0 : i32
    %lt3A_16 = vector.broadcast %lt3A : i32 to vector<16xi32>
    %lt3A_17 = arith.cmpi slt, %broadcast_in_dim3A_15, %lt3A_16 : vector<16xi32>
    %add3A_18 = arith.constant 16 : i32
    %add3A_19 = vector.broadcast %add3A_18 : i32 to vector<16xi32>
    %add3A_20 = arith.addi %broadcast_in_dim3A_15, %add3A_19 : vector<16xi32>
    %select_n3A = arith.select %lt3A_17, %add3A_20, %broadcast_in_dim3A_15 : vector<16xi1>, vector<16xi32>
    %broadcast_in_dim3A_21 = vector.shape_cast %select_n3A : vector<16xi32> to vector<16x1xi32>
    %gather3A = vector.shape_cast %broadcast_in_dim3A_21 : vector<16x1xi32> to vector<16xi32>
    %gather3A_22 = tpu.dynamic_gather %get3A_11[%gather3A] in [0] : vector<16xi32>, vector<16xi32> -> vector<16xi32>
    %slice3A = vector.extract_strided_slice %gather3A_22 {offsets = [0], sizes = [1], strides = [1]} : vector<16xi32> to vector<1xi32>
    %squeeze3A = vector.extract %slice3A[0] : i32 from vector<1xi32>
    %lt3A_23 = arith.constant 0 : i32
    %lt3A_24 = vector.broadcast %lt3A_23 : i32 to vector<16xi32>
    %lt3A_25 = arith.cmpi slt, %broadcast_in_dim3A_15, %lt3A_24 : vector<16xi32>
    %add3A_26 = arith.constant 16 : i32
    %add3A_27 = vector.broadcast %add3A_26 : i32 to vector<16xi32>
    %add3A_28 = arith.addi %broadcast_in_dim3A_15, %add3A_27 : vector<16xi32>
    %select_n3A_29 = arith.select %lt3A_25, %add3A_28, %broadcast_in_dim3A_15 : vector<16xi1>, vector<16xi32>
    %broadcast_in_dim3A_30 = vector.shape_cast %select_n3A_29 : vector<16xi32> to vector<16x1xi32>
    %gather3A_31 = vector.shape_cast %broadcast_in_dim3A_30 : vector<16x1xi32> to vector<16xi32>
    %gather3A_32 = tpu.dynamic_gather %get3A_13[%gather3A_31] in [0] : vector<16xi32>, vector<16xi32> -> vector<16xi32>
    %slice3A_33 = vector.extract_strided_slice %gather3A_32 {offsets = [0], sizes = [1], strides = [1]} : vector<16xi32> to vector<1xi32>
    %squeeze3A_34 = vector.extract %slice3A_33[0] : i32 from vector<1xi32>
    %add3A_35 = arith.constant 0 : i32
    %add3A_36 = arith.addi %add3A, %add3A_35 : i32
    %rem3A = arith.constant 32 : i32
    %rem3A_37 = arith.remsi %add3A_36, %rem3A : i32
    %mul3A_38 = arith.constant 16 : i32
    %mul3A_39 = arith.muli %rem3A_37, %mul3A_38 : i32
    %lt3A_40 = arith.cmpi slt, %mul3A_39, %squeeze3A : i32
    %convert_element_type3A = arith.extui %lt3A_40 : i1 to i32
    %cond3A = arith.constant 0 : i32
    %cond3A_41 = arith.cmpi ne, %convert_element_type3A, %cond3A : i32
    scf.if %cond3A_41 {
      %add3A_105 = arith.constant 0 : i32
      %add3A_106 = arith.addi %add3A, %add3A_105 : i32
      %rem3A_107 = arith.constant 32 : i32
      %rem3A_108 = arith.remsi %add3A_106, %rem3A_107 : i32
      %mul3A_109 = arith.constant 16 : i32
      %mul3A_110 = arith.muli %rem3A_108, %mul3A_109 : i32
      %dma_start3A = arith.constant 0 : i32
      %dma_start3A_111 = arith.constant 0 : i32
      %dma_start3A_112 = tpu.memref_slice %arg2[%dma_start3A, %mul3A_110, %dma_start3A_111] : memref<16x512x512xf32, #tpu.memory_space<hbm>> -> memref<1x16x512xf32, #tpu.memory_space<hbm>>
      %dma_start3A_113 = tpu.memref_squeeze %dma_start3A_112 : memref<1x16x512xf32, #tpu.memory_space<hbm>> -> memref<16x512xf32, #tpu.memory_space<hbm>>
      %dma_start3A_114 = arith.constant 0 : i32
      %dma_start3A_115 = tpu.memref_slice %arg2[%dma_start3A, %mul3A_110, %dma_start3A_114] : memref<16x512x512xf32, #tpu.memory_space<hbm>> -> memref<1x16x512xf32, #tpu.memory_space<hbm>>
      %dma_start3A_116 = tpu.memref_squeeze %dma_start3A_115 : memref<1x16x512xf32, #tpu.memory_space<hbm>> -> memref<16x512xf32, #tpu.memory_space<hbm>>
      tpu.enqueue_dma source(%dma_start3A_116 : memref<16x512xf32, #tpu.memory_space<hbm>>) target(%arg6 : memref<16x512xf32, #tpu.memory_space<vmem>>) target_semaphore(%arg13 : memref<!tpu.dma_semaphore, #tpu.memory_space<semaphore_mem>>)
    } else {
    }
    %broadcast_in_dim3A_42 = arith.constant 1 : i32
    %broadcast_in_dim3A_43 = vector.broadcast %broadcast_in_dim3A_42 : i32 to vector<16xi32>
    %lt3A_44 = arith.constant 0 : i32
    %lt3A_45 = vector.broadcast %lt3A_44 : i32 to vector<16xi32>
    %lt3A_46 = arith.cmpi slt, %broadcast_in_dim3A_43, %lt3A_45 : vector<16xi32>
    %add3A_47 = arith.constant 16 : i32
    %add3A_48 = vector.broadcast %add3A_47 : i32 to vector<16xi32>
    %add3A_49 = arith.addi %broadcast_in_dim3A_43, %add3A_48 : vector<16xi32>
    %select_n3A_50 = arith.select %lt3A_46, %add3A_49, %broadcast_in_dim3A_43 : vector<16xi1>, vector<16xi32>
    %broadcast_in_dim3A_51 = vector.shape_cast %select_n3A_50 : vector<16xi32> to vector<16x1xi32>
    %gather3A_52 = vector.shape_cast %broadcast_in_dim3A_51 : vector<16x1xi32> to vector<16xi32>
    %gather3A_53 = tpu.dynamic_gather %get3A_11[%gather3A_52] in [0] : vector<16xi32>, vector<16xi32> -> vector<16xi32>
    %slice3A_54 = vector.extract_strided_slice %gather3A_53 {offsets = [0], sizes = [1], strides = [1]} : vector<16xi32> to vector<1xi32>
    %squeeze3A_55 = vector.extract %slice3A_54[0] : i32 from vector<1xi32>
    %lt3A_56 = arith.constant 0 : i32
    %lt3A_57 = vector.broadcast %lt3A_56 : i32 to vector<16xi32>
    %lt3A_58 = arith.cmpi slt, %broadcast_in_dim3A_43, %lt3A_57 : vector<16xi32>
    %add3A_59 = arith.constant 16 : i32
    %add3A_60 = vector.broadcast %add3A_59 : i32 to vector<16xi32>
    %add3A_61 = arith.addi %broadcast_in_dim3A_43, %add3A_60 : vector<16xi32>
    %select_n3A_62 = arith.select %lt3A_58, %add3A_61, %broadcast_in_dim3A_43 : vector<16xi1>, vector<16xi32>
    %broadcast_in_dim3A_63 = vector.shape_cast %select_n3A_62 : vector<16xi32> to vector<16x1xi32>
    %gather3A_64 = vector.shape_cast %broadcast_in_dim3A_63 : vector<16x1xi32> to vector<16xi32>
    %gather3A_65 = tpu.dynamic_gather %get3A_13[%gather3A_64] in [0] : vector<16xi32>, vector<16xi32> -> vector<16xi32>
    %slice3A_66 = vector.extract_strided_slice %gather3A_65 {offsets = [0], sizes = [1], strides = [1]} : vector<16xi32> to vector<1xi32>
    %squeeze3A_67 = vector.extract %slice3A_66[0] : i32 from vector<1xi32>
    %add3A_68 = arith.constant 2 : i32
    %add3A_69 = arith.addi %add3A, %add3A_68 : i32
    %rem3A_70 = arith.constant 32 : i32
    %rem3A_71 = arith.remsi %add3A_69, %rem3A_70 : i32
    %mul3A_72 = arith.constant 16 : i32
    %mul3A_73 = arith.muli %rem3A_71, %mul3A_72 : i32
    %lt3A_74 = arith.cmpi slt, %mul3A_73, %squeeze3A_55 : i32
    %convert_element_type3A_75 = arith.extui %lt3A_74 : i1 to i32
    %cond3A_76 = arith.constant 0 : i32
    %cond3A_77 = arith.cmpi ne, %convert_element_type3A_75, %cond3A_76 : i32
    scf.if %cond3A_77 {
      %add3A_105 = arith.constant 2 : i32
      %add3A_106 = arith.addi %add3A, %add3A_105 : i32
      %rem3A_107 = arith.constant 32 : i32
      %rem3A_108 = arith.remsi %add3A_106, %rem3A_107 : i32
      %mul3A_109 = arith.constant 16 : i32
      %mul3A_110 = arith.muli %rem3A_108, %mul3A_109 : i32
      %dma_start3A = arith.constant 1 : i32
      %dma_start3A_111 = arith.constant 0 : i32
      %dma_start3A_112 = tpu.memref_slice %arg2[%dma_start3A, %mul3A_110, %dma_start3A_111] : memref<16x512x512xf32, #tpu.memory_space<hbm>> -> memref<1x16x512xf32, #tpu.memory_space<hbm>>
      %dma_start3A_113 = tpu.memref_squeeze %dma_start3A_112 : memref<1x16x512xf32, #tpu.memory_space<hbm>> -> memref<16x512xf32, #tpu.memory_space<hbm>>
      %dma_start3A_114 = arith.constant 0 : i32
      %dma_start3A_115 = tpu.memref_slice %arg2[%dma_start3A, %mul3A_110, %dma_start3A_114] : memref<16x512x512xf32, #tpu.memory_space<hbm>> -> memref<1x16x512xf32, #tpu.memory_space<hbm>>
      %dma_start3A_116 = tpu.memref_squeeze %dma_start3A_115 : memref<1x16x512xf32, #tpu.memory_space<hbm>> -> memref<16x512xf32, #tpu.memory_space<hbm>>
      tpu.enqueue_dma source(%dma_start3A_116 : memref<16x512xf32, #tpu.memory_space<hbm>>) target(%arg7 : memref<16x512xf32, #tpu.memory_space<vmem>>) target_semaphore(%arg14 : memref<!tpu.dma_semaphore, #tpu.memory_space<semaphore_mem>>)
    } else {
    }
    %scan3A_78 = arith.constant 0 : i32
    %scan3A_79 = arith.constant 0 : i32
    %scan3A_80 = arith.constant 0 : i32
    %scan3A_81 = arith.constant 0 : i32
    %scan3A_82 = arith.constant 8 : i32
    %scan3A_83 = arith.addi %scan3A_81, %scan3A_82 : i32
    %scan3A_84 = arith.constant 1 : i32
    %scan3A_85:3 = scf.for %scan3A_105 = %scan3A_81 to %scan3A_83 step %scan3A_84 iter_args(%scan3A_106 = %scan3A_78, %scan3A_107 = %scan3A_79, %scan3A_108 = %scan3A_80) -> (i32, i32, i32)  : i32 {
      %mul3A_109 = arith.constant 2 : i32
      %mul3A_110 = arith.muli %mul3A_109, %scan3A_105 : i32
      %broadcast_in_dim3A_111 = vector.broadcast %mul3A_110 : i32 to vector<16xi32>
      %lt3A_112 = arith.constant 0 : i32
      %lt3A_113 = vector.broadcast %lt3A_112 : i32 to vector<16xi32>
      %lt3A_114 = arith.cmpi slt, %broadcast_in_dim3A_111, %lt3A_113 : vector<16xi32>
      %add3A_115 = arith.constant 16 : i32
      %add3A_116 = vector.broadcast %add3A_115 : i32 to vector<16xi32>
      %add3A_117 = arith.addi %broadcast_in_dim3A_111, %add3A_116 : vector<16xi32>
      %select_n3A_118 = arith.select %lt3A_114, %add3A_117, %broadcast_in_dim3A_111 : vector<16xi1>, vector<16xi32>
      %broadcast_in_dim3A_119 = vector.shape_cast %select_n3A_118 : vector<16xi32> to vector<16x1xi32>
      %gather3A_120 = vector.shape_cast %broadcast_in_dim3A_119 : vector<16x1xi32> to vector<16xi32>
      %gather3A_121 = tpu.dynamic_gather %get3A_11[%gather3A_120] in [0] : vector<16xi32>, vector<16xi32> -> vector<16xi32>
      %slice3A_122 = vector.extract_strided_slice %gather3A_121 {offsets = [0], sizes = [1], strides = [1]} : vector<16xi32> to vector<1xi32>
      %squeeze3A_123 = vector.extract %slice3A_122[0] : i32 from vector<1xi32>
      %lt3A_124 = arith.constant 0 : i32
      %lt3A_125 = vector.broadcast %lt3A_124 : i32 to vector<16xi32>
      %lt3A_126 = arith.cmpi slt, %broadcast_in_dim3A_111, %lt3A_125 : vector<16xi32>
      %add3A_127 = arith.constant 16 : i32
      %add3A_128 = vector.broadcast %add3A_127 : i32 to vector<16xi32>
      %add3A_129 = arith.addi %broadcast_in_dim3A_111, %add3A_128 : vector<16xi32>
      %select_n3A_130 = arith.select %lt3A_126, %add3A_129, %broadcast_in_dim3A_111 : vector<16xi1>, vector<16xi32>
      %broadcast_in_dim3A_131 = vector.shape_cast %select_n3A_130 : vector<16xi32> to vector<16x1xi32>
      %gather3A_132 = vector.shape_cast %broadcast_in_dim3A_131 : vector<16x1xi32> to vector<16xi32>
      %gather3A_133 = tpu.dynamic_gather %get3A_13[%gather3A_132] in [0] : vector<16xi32>, vector<16xi32> -> vector<16xi32>
      %slice3A_134 = vector.extract_strided_slice %gather3A_133 {offsets = [0], sizes = [1], strides = [1]} : vector<16xi32> to vector<1xi32>
      %squeeze3A_135 = vector.extract %slice3A_134[0] : i32 from vector<1xi32>
      %mul3A_136 = arith.constant 2 : i32
      %mul3A_137 = arith.muli %mul3A_136, %mul3A_110 : i32
      %add3A_138 = arith.addi %add3A, %mul3A_137 : i32
      %rem3A_139 = arith.constant 32 : i32
      %rem3A_140 = arith.remsi %add3A_138, %rem3A_139 : i32
      %mul3A_141 = arith.constant 16 : i32
      %mul3A_142 = arith.muli %rem3A_140, %mul3A_141 : i32
      %lt3A_143 = arith.cmpi slt, %mul3A_142, %squeeze3A_123 : i32
      %jit3A = arith.constant 16 : i32
      %div3A = arith.divsi %squeeze3A_135, %jit3A : i32
      %sign3A = arith.constant 0 : i32
      %sign3A_144 = arith.cmpi sgt, %squeeze3A_135, %sign3A : i32
      %sign3A_145 = arith.extui %sign3A_144 : i1 to i32
      %sign3A_146 = arith.constant 0 : i32
      %sign3A_147 = arith.cmpi slt, %squeeze3A_135, %sign3A_146 : i32
      %sign3A_148 = arith.extui %sign3A_147 : i1 to i32
      %sign3A_149 = arith.subi %sign3A_145, %sign3A_148 : i32
      %sign3A_150 = arith.constant 0 : i32
      %sign3A_151 = arith.cmpi sgt, %jit3A, %sign3A_150 : i32
      %sign3A_152 = arith.extui %sign3A_151 : i1 to i32
      %sign3A_153 = arith.constant 0 : i32
      %sign3A_154 = arith.cmpi slt, %jit3A, %sign3A_153 : i32
      %sign3A_155 = arith.extui %sign3A_154 : i1 to i32
      %sign3A_156 = arith.subi %sign3A_152, %sign3A_155 : i32
      %ne3A_157 = arith.cmpi ne, %sign3A_149, %sign3A_156 : i32
      %rem3A_158 = arith.remsi %squeeze3A_135, %jit3A : i32
      %ne3A_159 = arith.constant 0 : i32
      %ne3A_160 = arith.cmpi ne, %rem3A_158, %ne3A_159 : i32
      %and3A = arith.andi %ne3A_157, %ne3A_160 : i1
      %sub3A = arith.constant 1 : i32
      %sub3A_161 = arith.subi %div3A, %sub3A : i32
      %select_n3A_162 = arith.select %and3A, %sub3A_161, %div3A : i32
      %mul3A_163 = arith.constant 16 : i32
      %mul3A_164 = arith.muli %select_n3A_162, %mul3A_163 : i32
      %sub3A_165 = arith.subi %squeeze3A_135, %mul3A_164 : i32
      %gt3A = arith.constant 0 : i32
      %gt3A_166 = arith.cmpi sgt, %sub3A_165, %gt3A : i32
      %jit3A_167 = arith.constant 1 : i32
      %jit3A_168 = arith.constant 0 : i32
      %select_n3A_169 = arith.select %gt3A_166, %jit3A_167, %jit3A_168 : i32
      %add3A_170 = arith.addi %select_n3A_162, %select_n3A_169 : i32
      %jit3A_171 = arith.constant 4 : i32
      %div3A_172 = arith.divsi %select_n3A_162, %jit3A_171 : i32
      %sign3A_173 = arith.constant 0 : i32
      %sign3A_174 = arith.cmpi sgt, %select_n3A_162, %sign3A_173 : i32
      %sign3A_175 = arith.extui %sign3A_174 : i1 to i32
      %sign3A_176 = arith.constant 0 : i32
      %sign3A_177 = arith.cmpi slt, %select_n3A_162, %sign3A_176 : i32
      %sign3A_178 = arith.extui %sign3A_177 : i1 to i32
      %sign3A_179 = arith.subi %sign3A_175, %sign3A_178 : i32
      %sign3A_180 = arith.constant 0 : i32
      %sign3A_181 = arith.cmpi sgt, %jit3A_171, %sign3A_180 : i32
      %sign3A_182 = arith.extui %sign3A_181 : i1 to i32
      %sign3A_183 = arith.constant 0 : i32
      %sign3A_184 = arith.cmpi slt, %jit3A_171, %sign3A_183 : i32
      %sign3A_185 = arith.extui %sign3A_184 : i1 to i32
      %sign3A_186 = arith.subi %sign3A_182, %sign3A_185 : i32
      %ne3A_187 = arith.cmpi ne, %sign3A_179, %sign3A_186 : i32
      %rem3A_188 = arith.remsi %select_n3A_162, %jit3A_171 : i32
      %ne3A_189 = arith.constant 0 : i32
      %ne3A_190 = arith.cmpi ne, %rem3A_188, %ne3A_189 : i32
      %and3A_191 = arith.andi %ne3A_187, %ne3A_190 : i1
      %sub3A_192 = arith.constant 1 : i32
      %sub3A_193 = arith.subi %div3A_172, %sub3A_192 : i32
      %select_n3A_194 = arith.select %and3A_191, %sub3A_193, %div3A_172 : i32
      %mul3A_195 = arith.constant 4 : i32
      %mul3A_196 = arith.muli %select_n3A_194, %mul3A_195 : i32
      %min3A = arith.constant 31 : i32
      %min3A_197 = arith.minsi %select_n3A_162, %min3A : i32
      %mul3A_198 = arith.constant 16 : i32
      %mul3A_199 = arith.muli %min3A_197, %mul3A_198 : i32
      %add3A_200 = vector.broadcast %mul3A_199 : i32 to vector<16xi32>
      %add3A_201 = arith.addi %add3A_200, %iota3A : vector<16xi32>
      %convert_element_type3A_202 = arith.extui %lt3A_143 : i1 to i32
      %cond3A_203 = arith.constant 0 : i32
      %cond3A_204 = arith.cmpi ne, %convert_element_type3A_202, %cond3A_203 : i32
      scf.if %cond3A_204 {
        %mul3A_419 = arith.constant 2 : i32
        %mul3A_420 = arith.muli %mul3A_419, %mul3A_110 : i32
        %add3A_421 = arith.addi %add3A, %mul3A_420 : i32
        %rem3A_422 = arith.constant 32 : i32
        %rem3A_423 = arith.remsi %add3A_421, %rem3A_422 : i32
        %mul3A_424 = arith.constant 16 : i32
        %mul3A_425 = arith.muli %rem3A_423, %mul3A_424 : i32
        %dma_wait3A = arith.constant 0 : i32
        %dma_wait3A_426 = tpu.memref_slice %arg2[%mul3A_110, %mul3A_425, %dma_wait3A] : memref<16x512x512xf32, #tpu.memory_space<hbm>> -> memref<1x16x512xf32, #tpu.memory_space<hbm>>
        %dma_wait3A_427 = tpu.memref_squeeze %dma_wait3A_426 : memref<1x16x512xf32, #tpu.memory_space<hbm>> -> memref<16x512xf32, #tpu.memory_space<hbm>>
        %dma_wait3A_428 = arith.constant 0 : i32
        %dma_wait3A_429 = tpu.memref_slice %arg2[%mul3A_110, %mul3A_425, %dma_wait3A_428] : memref<16x512x512xf32, #tpu.memory_space<hbm>> -> memref<1x16x512xf32, #tpu.memory_space<hbm>>
        %dma_wait3A_430 = tpu.memref_squeeze %dma_wait3A_429 : memref<1x16x512xf32, #tpu.memory_space<hbm>> -> memref<16x512xf32, #tpu.memory_space<hbm>>
        tpu.wait_dma2 semaphore(%arg13 : memref<!tpu.dma_semaphore, #tpu.memory_space<semaphore_mem>>) src(%dma_wait3A_430 : memref<16x512xf32, #tpu.memory_space<hbm>>) dst(%arg6 : memref<16x512xf32, #tpu.memory_space<vmem>>)
        %ne3A_431 = arith.constant 0 : i32
        %ne3A_432 = arith.cmpi ne, %scan3A_106, %ne3A_431 : i32
        %convert_element_type3A_433 = arith.extui %ne3A_432 : i1 to i32
        %cond3A_434 = arith.constant 0 : i32
        %cond3A_435 = arith.cmpi ne, %convert_element_type3A_433, %cond3A_434 : i32
        scf.if %cond3A_435 {
          %mul3A_454 = arith.constant 2 : i32
          %mul3A_455 = arith.muli %mul3A_454, %mul3A_110 : i32
          %add3A_456 = arith.addi %add3A, %mul3A_455 : i32
          %rem3A_457 = arith.constant 32 : i32
          %rem3A_458 = arith.remsi %add3A_456, %rem3A_457 : i32
          %mul3A_459 = arith.constant 16 : i32
          %mul3A_460 = arith.muli %rem3A_458, %mul3A_459 : i32
          %dma_wait3A_461 = arith.constant 0 : i32
          %dma_wait3A_462 = tpu.memref_slice %arg5[%mul3A_110, %mul3A_460, %dma_wait3A_461] : memref<16x512x512xf32, #tpu.memory_space<hbm>> -> memref<1x16x512xf32, #tpu.memory_space<hbm>>
          %dma_wait3A_463 = tpu.memref_squeeze %dma_wait3A_462 : memref<1x16x512xf32, #tpu.memory_space<hbm>> -> memref<16x512xf32, #tpu.memory_space<hbm>>
          %dma_wait3A_464 = arith.constant 0 : i32
          %dma_wait3A_465 = tpu.memref_slice %arg5[%mul3A_110, %mul3A_460, %dma_wait3A_464] : memref<16x512x512xf32, #tpu.memory_space<hbm>> -> memref<1x16x512xf32, #tpu.memory_space<hbm>>
          %dma_wait3A_466 = tpu.memref_squeeze %dma_wait3A_465 : memref<1x16x512xf32, #tpu.memory_space<hbm>> -> memref<16x512xf32, #tpu.memory_space<hbm>>
          tpu.wait_dma2 semaphore(%arg15 : memref<!tpu.dma_semaphore, #tpu.memory_space<semaphore_mem>>) src(%arg8 : memref<16x512xf32, #tpu.memory_space<vmem>>) dst(%dma_wait3A_466 : memref<16x512xf32, #tpu.memory_space<hbm>>)
        } else {
        }
        %scan3A_436 = arith.constant 0 : i32
        %scan3A_437 = arith.constant 0 : i32
        %scan3A_438 = arith.constant 16 : i32
        %scan3A_439 = arith.addi %scan3A_437, %scan3A_438 : i32
        %scan3A_440 = arith.constant 1 : i32
        scf.for %scan3A_454 = %scan3A_437 to %scan3A_439 step %scan3A_440  : i32 {
          %jit3A_455 = arith.constant 4 : i32
          %div3A_456 = arith.divsi %select_n3A_162, %jit3A_455 : i32
          %sign3A_457 = arith.constant 0 : i32
          %sign3A_458 = arith.cmpi sgt, %select_n3A_162, %sign3A_457 : i32
          %sign3A_459 = arith.extui %sign3A_458 : i1 to i32
          %sign3A_460 = arith.constant 0 : i32
          %sign3A_461 = arith.cmpi slt, %select_n3A_162, %sign3A_460 : i32
          %sign3A_462 = arith.extui %sign3A_461 : i1 to i32
          %sign3A_463 = arith.subi %sign3A_459, %sign3A_462 : i32
          %sign3A_464 = arith.constant 0 : i32
          %sign3A_465 = arith.cmpi sgt, %jit3A_455, %sign3A_464 : i32
          %sign3A_466 = arith.extui %sign3A_465 : i1 to i32
          %sign3A_467 = arith.constant 0 : i32
          %sign3A_468 = arith.cmpi slt, %jit3A_455, %sign3A_467 : i32
          %sign3A_469 = arith.extui %sign3A_468 : i1 to i32
          %sign3A_470 = arith.subi %sign3A_466, %sign3A_469 : i32
          %ne3A_471 = arith.cmpi ne, %sign3A_463, %sign3A_470 : i32
          %rem3A_472 = arith.remsi %select_n3A_162, %jit3A_455 : i32
          %ne3A_473 = arith.constant 0 : i32
          %ne3A_474 = arith.cmpi ne, %rem3A_472, %ne3A_473 : i32
          %and3A_475 = arith.andi %ne3A_471, %ne3A_474 : i1
          %sub3A_476 = arith.constant 1 : i32
          %sub3A_477 = arith.subi %div3A_456, %sub3A_476 : i32
          %select_n3A_478 = arith.select %and3A_475, %sub3A_477, %div3A_456 : i32
          %while3A_479 = arith.constant 0 : i32
          %while3A_480 = arith.subi %select_n3A_478, %while3A_479 : i32
          %while3A_481 = arith.addi %while3A_479, %while3A_480 : i32
          %while3A_482 = arith.constant 1 : i32
          %while3A_483 = arith.divsi %while3A_480, %while3A_482 : i32
          %while3A_484 = arith.muli %while3A_483, %while3A_482 : i32
          %while3A_485 = arith.addi %while3A_479, %while3A_484 : i32
          %while3A_486 = arith.constant 1 : i32
          %while3A_487:4 = scf.for %while3A_750 = %while3A_479 to %while3A_485 step %while3A_486 iter_args(%while3A_751 = %broadcast_in_dim3A_5, %while3A_752 = %broadcast_in_dim3A_5, %while3A_753 = %broadcast_in_dim3A_5, %while3A_754 = %broadcast_in_dim3A_5) -> (vector<16xf32>, vector<16xf32>, vector<16xf32>, vector<16xf32>)  : i32 {
            %mul3A_755 = arith.constant 4 : i32
            %mul3A_756 = arith.muli %while3A_750, %mul3A_755 : i32
            %mul3A_757 = arith.constant 16 : i32
            %mul3A_758 = arith.muli %mul3A_756, %mul3A_757 : i32
            %add3A_759 = arith.constant 0 : i32
            %add3A_760 = arith.addi %mul3A_758, %add3A_759 : i32
            %get3A_761 = arith.index_cast %scan3A_454 : i32 to index
            %get3A_762 = arith.index_cast %add3A_760 : i32 to index
            %get3A_763 = tpu.vector_load %arg6[%get3A_761, %get3A_762] {strides = array<i32>} : memref<16x512xf32, #tpu.memory_space<vmem>>, vector<16xf32>,
            %max3A_764 = arith.maximumf %while3A_751, %get3A_763 : vector<16xf32>
            %add3A_765 = arith.constant 16 : i32
            %add3A_766 = arith.addi %mul3A_758, %add3A_765 : i32
            %get3A_767 = arith.index_cast %scan3A_454 : i32 to index
            %get3A_768 = arith.index_cast %add3A_766 : i32 to index
            %get3A_769 = tpu.vector_load %arg6[%get3A_767, %get3A_768] {strides = array<i32>} : memref<16x512xf32, #tpu.memory_space<vmem>>, vector<16xf32>,
            %max3A_770 = arith.maximumf %while3A_752, %get3A_769 : vector<16xf32>
            %add3A_771 = arith.constant 32 : i32
            %add3A_772 = arith.addi %mul3A_758, %add3A_771 : i32
            %get3A_773 = arith.index_cast %scan3A_454 : i32 to index
            %get3A_774 = arith.index_cast %add3A_772 : i32 to index
            %get3A_775 = tpu.vector_load %arg6[%get3A_773, %get3A_774] {strides = array<i32>} : memref<16x512xf32, #tpu.memory_space<vmem>>, vector<16xf32>,
            %max3A_776 = arith.maximumf %while3A_753, %get3A_775 : vector<16xf32>
            %add3A_777 = arith.constant 48 : i32
            %add3A_778 = arith.addi %mul3A_758, %add3A_777 : i32
            %get3A_779 = arith.index_cast %scan3A_454 : i32 to index
            %get3A_780 = arith.index_cast %add3A_778 : i32 to index
            %get3A_781 = tpu.vector_load %arg6[%get3A_779, %get3A_780] {strides = array<i32>} : memref<16x512xf32, #tpu.memory_space<vmem>>, vector<16xf32>,
            %max3A_782 = arith.maximumf %while3A_754, %get3A_781 : vector<16xf32>
            scf.yield %max3A_764, %max3A_770, %max3A_776, %max3A_782 : vector<16xf32>, vector<16xf32>, vector<16xf32>, vector<16xf32>
          }
          %while3A_488 = arith.constant 1 : i32
          %while3A_489:4 = scf.for %while3A_750 = %while3A_485 to %while3A_481 step %while3A_488 iter_args(%while3A_751 = %while3A_487#0, %while3A_752 = %while3A_487#1, %while3A_753 = %while3A_487#2, %while3A_754 = %while3A_487#3) -> (vector<16xf32>, vector<16xf32>, vector<16xf32>, vector<16xf32>)  : i32 {
            %mul3A_755 = arith.constant 4 : i32
            %mul3A_756 = arith.muli %while3A_750, %mul3A_755 : i32
            %mul3A_757 = arith.constant 16 : i32
            %mul3A_758 = arith.muli %mul3A_756, %mul3A_757 : i32
            %add3A_759 = arith.constant 0 : i32
            %add3A_760 = arith.addi %mul3A_758, %add3A_759 : i32
            %get3A_761 = arith.index_cast %scan3A_454 : i32 to index
            %get3A_762 = arith.index_cast %add3A_760 : i32 to index
            %get3A_763 = tpu.vector_load %arg6[%get3A_761, %get3A_762] {strides = array<i32>} : memref<16x512xf32, #tpu.memory_space<vmem>>, vector<16xf32>,
            %max3A_764 = arith.maximumf %while3A_751, %get3A_763 : vector<16xf32>
            %add3A_765 = arith.constant 16 : i32
            %add3A_766 = arith.addi %mul3A_758, %add3A_765 : i32
            %get3A_767 = arith.index_cast %scan3A_454 : i32 to index
            %get3A_768 = arith.index_cast %add3A_766 : i32 to index
            %get3A_769 = tpu.vector_load %arg6[%get3A_767, %get3A_768] {strides = array<i32>} : memref<16x512xf32, #tpu.memory_space<vmem>>, vector<16xf32>,
            %max3A_770 = arith.maximumf %while3A_752, %get3A_769 : vector<16xf32>
            %add3A_771 = arith.constant 32 : i32
            %add3A_772 = arith.addi %mul3A_758, %add3A_771 : i32
            %get3A_773 = arith.index_cast %scan3A_454 : i32 to index
            %get3A_774 = arith.index_cast %add3A_772 : i32 to index
            %get3A_775 = tpu.vector_load %arg6[%get3A_773, %get3A_774] {strides = array<i32>} : memref<16x512xf32, #tpu.memory_space<vmem>>, vector<16xf32>,
            %max3A_776 = arith.maximumf %while3A_753, %get3A_775 : vector<16xf32>
            %add3A_777 = arith.constant 48 : i32
            %add3A_778 = arith.addi %mul3A_758, %add3A_777 : i32
            %get3A_779 = arith.index_cast %scan3A_454 : i32 to index
            %get3A_780 = arith.index_cast %add3A_778 : i32 to index
            %get3A_781 = tpu.vector_load %arg6[%get3A_779, %get3A_780] {strides = array<i32>} : memref<16x512xf32, #tpu.memory_space<vmem>>, vector<16xf32>,
            %max3A_782 = arith.maximumf %while3A_754, %get3A_781 : vector<16xf32>
            scf.yield %max3A_764, %max3A_770, %max3A_776, %max3A_782 : vector<16xf32>, vector<16xf32>, vector<16xf32>, vector<16xf32>
          }
          %max3A = arith.maximumf %while3A_489#0, %while3A_489#1 : vector<16xf32>
          %max3A_490 = arith.maximumf %max3A, %while3A_489#2 : vector<16xf32>
          %max3A_491 = arith.maximumf %max3A_490, %while3A_489#3 : vector<16xf32>
          %while3A_492 = arith.subi %select_n3A_162, %mul3A_196 : i32
          %while3A_493 = arith.addi %mul3A_196, %while3A_492 : i32
          %while3A_494 = arith.constant 1 : i32
          %while3A_495 = arith.divsi %while3A_492, %while3A_494 : i32
          %while3A_496 = arith.muli %while3A_495, %while3A_494 : i32
          %while3A_497 = arith.addi %mul3A_196, %while3A_496 : i32
          %while3A_498 = arith.constant 1 : i32
          %while3A_499 = scf.for %while3A_750 = %mul3A_196 to %while3A_497 step %while3A_498 iter_args(%while3A_751 = %max3A_491) -> (vector<16xf32>)  : i32 {
            %mul3A_752 = arith.constant 16 : i32
            %mul3A_753 = arith.muli %while3A_750, %mul3A_752 : i32
            %get3A_754 = arith.index_cast %scan3A_454 : i32 to index
            %get3A_755 = arith.index_cast %mul3A_753 : i32 to index
            %get3A_756 = tpu.vector_load %arg6[%get3A_754, %get3A_755] {strides = array<i32>} : memref<16x512xf32, #tpu.memory_space<vmem>>, vector<16xf32>,
            %max3A_757 = arith.maximumf %while3A_751, %get3A_756 : vector<16xf32>
            scf.yield %max3A_757 : vector<16xf32>
          }
          %while3A_500 = arith.constant 1 : i32
          %while3A_501 = scf.for %while3A_750 = %while3A_497 to %while3A_493 step %while3A_500 iter_args(%while3A_751 = %while3A_499) -> (vector<16xf32>)  : i32 {
            %mul3A_752 = arith.constant 16 : i32
            %mul3A_753 = arith.muli %while3A_750, %mul3A_752 : i32
            %get3A_754 = arith.index_cast %scan3A_454 : i32 to index
            %get3A_755 = arith.index_cast %mul3A_753 : i32 to index
            %get3A_756 = tpu.vector_load %arg6[%get3A_754, %get3A_755] {strides = array<i32>} : memref<16x512xf32, #tpu.memory_space<vmem>>, vector<16xf32>,
            %max3A_757 = arith.maximumf %while3A_751, %get3A_756 : vector<16xf32>
            scf.yield %max3A_757 : vector<16xf32>
          }
          %get3A_502 = arith.index_cast %scan3A_454 : i32 to index
          %get3A_503 = arith.index_cast %mul3A_199 : i32 to index
          %get3A_504 = tpu.vector_load %arg6[%get3A_502, %get3A_503] {strides = array<i32>} : memref<16x512xf32, #tpu.memory_space<vmem>>, vector<16xf32>,
          %lt3A_505 = vector.broadcast %squeeze3A_135 : i32 to vector<16xi32>
          %lt3A_506 = arith.cmpi slt, %add3A_201, %lt3A_505 : vector<16xi32>
          %select_n3A_507 = arith.select %lt3A_506, %get3A_504, %broadcast_in_dim3A_5 : vector<16xi1>, vector<16xf32>
          %max3A_508 = arith.maximumf %while3A_501, %select_n3A_507 : vector<16xf32>
          %xor3A = arith.constant 8 : i32
          %xor3A_509 = vector.broadcast %xor3A : i32 to vector<16xi32>
          %xor3A_510 = arith.xori %iota3A, %xor3A_509 : vector<16xi32>
          %lt3A_511 = arith.constant 0 : i32
          %lt3A_512 = vector.broadcast %lt3A_511 : i32 to vector<16xi32>
          %lt3A_513 = arith.cmpi slt, %xor3A_510, %lt3A_512 : vector<16xi32>
          %add3A_514 = arith.constant 16 : i32
          %add3A_515 = vector.broadcast %add3A_514 : i32 to vector<16xi32>
          %add3A_516 = arith.addi %xor3A_510, %add3A_515 : vector<16xi32>
          %select_n3A_517 = arith.select %lt3A_513, %add3A_516, %xor3A_510 : vector<16xi1>, vector<16xi32>
          %broadcast_in_dim3A_518 = vector.shape_cast %select_n3A_517 : vector<16xi32> to vector<16x1xi32>
          %gather3A_519 = vector.shape_cast %broadcast_in_dim3A_518 : vector<16x1xi32> to vector<16xi32>
          %gather3A_520 = tpu.dynamic_gather %max3A_508[%gather3A_519] in [0] : vector<16xf32>, vector<16xi32> -> vector<16xf32>
          %max3A_521 = arith.maximumf %max3A_508, %gather3A_520 : vector<16xf32>
          %xor3A_522 = arith.constant 4 : i32
          %xor3A_523 = vector.broadcast %xor3A_522 : i32 to vector<16xi32>
          %xor3A_524 = arith.xori %iota3A, %xor3A_523 : vector<16xi32>
          %lt3A_525 = arith.constant 0 : i32
          %lt3A_526 = vector.broadcast %lt3A_525 : i32 to vector<16xi32>
          %lt3A_527 = arith.cmpi slt, %xor3A_524, %lt3A_526 : vector<16xi32>
          %add3A_528 = arith.constant 16 : i32
          %add3A_529 = vector.broadcast %add3A_528 : i32 to vector<16xi32>
          %add3A_530 = arith.addi %xor3A_524, %add3A_529 : vector<16xi32>
          %select_n3A_531 = arith.select %lt3A_527, %add3A_530, %xor3A_524 : vector<16xi1>, vector<16xi32>
          %broadcast_in_dim3A_532 = vector.shape_cast %select_n3A_531 : vector<16xi32> to vector<16x1xi32>
          %gather3A_533 = vector.shape_cast %broadcast_in_dim3A_532 : vector<16x1xi32> to vector<16xi32>
          %gather3A_534 = tpu.dynamic_gather %max3A_521[%gather3A_533] in [0] : vector<16xf32>, vector<16xi32> -> vector<16xf32>
          %max3A_535 = arith.maximumf %max3A_521, %gather3A_534 : vector<16xf32>
          %xor3A_536 = arith.constant 2 : i32
          %xor3A_537 = vector.broadcast %xor3A_536 : i32 to vector<16xi32>
          %xor3A_538 = arith.xori %iota3A, %xor3A_537 : vector<16xi32>
          %lt3A_539 = arith.constant 0 : i32
          %lt3A_540 = vector.broadcast %lt3A_539 : i32 to vector<16xi32>
          %lt3A_541 = arith.cmpi slt, %xor3A_538, %lt3A_540 : vector<16xi32>
          %add3A_542 = arith.constant 16 : i32
          %add3A_543 = vector.broadcast %add3A_542 : i32 to vector<16xi32>
          %add3A_544 = arith.addi %xor3A_538, %add3A_543 : vector<16xi32>
          %select_n3A_545 = arith.select %lt3A_541, %add3A_544, %xor3A_538 : vector<16xi1>, vector<16xi32>
          %broadcast_in_dim3A_546 = vector.shape_cast %select_n3A_545 : vector<16xi32> to vector<16x1xi32>
          %gather3A_547 = vector.shape_cast %broadcast_in_dim3A_546 : vector<16x1xi32> to vector<16xi32>
          %gather3A_548 = tpu.dynamic_gather %max3A_535[%gather3A_547] in [0] : vector<16xf32>, vector<16xi32> -> vector<16xf32>
          %max3A_549 = arith.maximumf %max3A_535, %gather3A_548 : vector<16xf32>
          %xor3A_550 = arith.constant 1 : i32
          %xor3A_551 = vector.broadcast %xor3A_550 : i32 to vector<16xi32>
          %xor3A_552 = arith.xori %iota3A, %xor3A_551 : vector<16xi32>
          %lt3A_553 = arith.constant 0 : i32
          %lt3A_554 = vector.broadcast %lt3A_553 : i32 to vector<16xi32>
          %lt3A_555 = arith.cmpi slt, %xor3A_552, %lt3A_554 : vector<16xi32>
          %add3A_556 = arith.constant 16 : i32
          %add3A_557 = vector.broadcast %add3A_556 : i32 to vector<16xi32>
          %add3A_558 = arith.addi %xor3A_552, %add3A_557 : vector<16xi32>
          %select_n3A_559 = arith.select %lt3A_555, %add3A_558, %xor3A_552 : vector<16xi1>, vector<16xi32>
          %broadcast_in_dim3A_560 = vector.shape_cast %select_n3A_559 : vector<16xi32> to vector<16x1xi32>
          %gather3A_561 = vector.shape_cast %broadcast_in_dim3A_560 : vector<16x1xi32> to vector<16xi32>
          %gather3A_562 = tpu.dynamic_gather %max3A_549[%gather3A_561] in [0] : vector<16xf32>, vector<16xi32> -> vector<16xf32>
          %max3A_563 = arith.maximumf %max3A_549, %gather3A_562 : vector<16xf32>
          %jit3A_564 = arith.constant 4 : i32
          %div3A_565 = arith.divsi %select_n3A_162, %jit3A_564 : i32
          %sign3A_566 = arith.constant 0 : i32
          %sign3A_567 = arith.cmpi sgt, %select_n3A_162, %sign3A_566 : i32
          %sign3A_568 = arith.extui %sign3A_567 : i1 to i32
          %sign3A_569 = arith.constant 0 : i32
          %sign3A_570 = arith.cmpi slt, %select_n3A_162, %sign3A_569 : i32
          %sign3A_571 = arith.extui %sign3A_570 : i1 to i32
          %sign3A_572 = arith.subi %sign3A_568, %sign3A_571 : i32
          %sign3A_573 = arith.constant 0 : i32
          %sign3A_574 = arith.cmpi sgt, %jit3A_564, %sign3A_573 : i32
          %sign3A_575 = arith.extui %sign3A_574 : i1 to i32
          %sign3A_576 = arith.constant 0 : i32
          %sign3A_577 = arith.cmpi slt, %jit3A_564, %sign3A_576 : i32
          %sign3A_578 = arith.extui %sign3A_577 : i1 to i32
          %sign3A_579 = arith.subi %sign3A_575, %sign3A_578 : i32
          %ne3A_580 = arith.cmpi ne, %sign3A_572, %sign3A_579 : i32
          %rem3A_581 = arith.remsi %select_n3A_162, %jit3A_564 : i32
          %ne3A_582 = arith.constant 0 : i32
          %ne3A_583 = arith.cmpi ne, %rem3A_581, %ne3A_582 : i32
          %and3A_584 = arith.andi %ne3A_580, %ne3A_583 : i1
          %sub3A_585 = arith.constant 1 : i32
          %sub3A_586 = arith.subi %div3A_565, %sub3A_585 : i32
          %select_n3A_587 = arith.select %and3A_584, %sub3A_586, %div3A_565 : i32
          %while3A_588 = arith.constant 0 : i32
          %while3A_589 = arith.subi %select_n3A_587, %while3A_588 : i32
          %while3A_590 = arith.addi %while3A_588, %while3A_589 : i32
          %while3A_591 = arith.constant 1 : i32
          %while3A_592 = arith.divsi %while3A_589, %while3A_591 : i32
          %while3A_593 = arith.muli %while3A_592, %while3A_591 : i32
          %while3A_594 = arith.addi %while3A_588, %while3A_593 : i32
          %while3A_595 = arith.constant 1 : i32
          %while3A_596:4 = scf.for %while3A_750 = %while3A_588 to %while3A_594 step %while3A_595 iter_args(%while3A_751 = %broadcast_in_dim3A_1, %while3A_752 = %broadcast_in_dim3A_1, %while3A_753 = %broadcast_in_dim3A_1, %while3A_754 = %broadcast_in_dim3A_1) -> (vector<16xf32>, vector<16xf32>, vector<16xf32>, vector<16xf32>)  : i32 {
            %mul3A_755 = arith.constant 4 : i32
            %mul3A_756 = arith.muli %while3A_750, %mul3A_755 : i32
            %mul3A_757 = arith.constant 16 : i32
            %mul3A_758 = arith.muli %mul3A_756, %mul3A_757 : i32
            %add3A_759 = arith.constant 0 : i32
            %add3A_760 = arith.addi %mul3A_758, %add3A_759 : i32
            %get3A_761 = arith.index_cast %scan3A_454 : i32 to index
            %get3A_762 = arith.index_cast %add3A_760 : i32 to index
            %get3A_763 = tpu.vector_load %arg6[%get3A_761, %get3A_762] {strides = array<i32>} : memref<16x512xf32, #tpu.memory_space<vmem>>, vector<16xf32>,
            %sub3A_764 = arith.subf %get3A_763, %max3A_563 : vector<16xf32>
            %mul3A_765 = arith.constant 2.000000e+02 : f32
            %mul3A_766 = vector.broadcast %mul3A_765 : f32 to vector<16xf32>
            %mul3A_767 = arith.mulf %sub3A_764, %mul3A_766 : vector<16xf32>
            %exp3A_768 = math.exp %mul3A_767 : vector<16xf32>
            %add3A_769 = arith.addf %while3A_751, %exp3A_768 : vector<16xf32>
            %add3A_770 = arith.constant 16 : i32
            %add3A_771 = arith.addi %mul3A_758, %add3A_770 : i32
            %get3A_772 = arith.index_cast %scan3A_454 : i32 to index
            %get3A_773 = arith.index_cast %add3A_771 : i32 to index
            %get3A_774 = tpu.vector_load %arg6[%get3A_772, %get3A_773] {strides = array<i32>} : memref<16x512xf32, #tpu.memory_space<vmem>>, vector<16xf32>,
            %sub3A_775 = arith.subf %get3A_774, %max3A_563 : vector<16xf32>
            %mul3A_776 = arith.constant 2.000000e+02 : f32
            %mul3A_777 = vector.broadcast %mul3A_776 : f32 to vector<16xf32>
            %mul3A_778 = arith.mulf %sub3A_775, %mul3A_777 : vector<16xf32>
            %exp3A_779 = math.exp %mul3A_778 : vector<16xf32>
            %add3A_780 = arith.addf %while3A_752, %exp3A_779 : vector<16xf32>
            %add3A_781 = arith.constant 32 : i32
            %add3A_782 = arith.addi %mul3A_758, %add3A_781 : i32
            %get3A_783 = arith.index_cast %scan3A_454 : i32 to index
            %get3A_784 = arith.index_cast %add3A_782 : i32 to index
            %get3A_785 = tpu.vector_load %arg6[%get3A_783, %get3A_784] {strides = array<i32>} : memref<16x512xf32, #tpu.memory_space<vmem>>, vector<16xf32>,
            %sub3A_786 = arith.subf %get3A_785, %max3A_563 : vector<16xf32>
            %mul3A_787 = arith.constant 2.000000e+02 : f32
            %mul3A_788 = vector.broadcast %mul3A_787 : f32 to vector<16xf32>
            %mul3A_789 = arith.mulf %sub3A_786, %mul3A_788 : vector<16xf32>
            %exp3A_790 = math.exp %mul3A_789 : vector<16xf32>
            %add3A_791 = arith.addf %while3A_753, %exp3A_790 : vector<16xf32>
            %add3A_792 = arith.constant 48 : i32
            %add3A_793 = arith.addi %mul3A_758, %add3A_792 : i32
            %get3A_794 = arith.index_cast %scan3A_454 : i32 to index
            %get3A_795 = arith.index_cast %add3A_793 : i32 to index
            %get3A_796 = tpu.vector_load %arg6[%get3A_794, %get3A_795] {strides = array<i32>} : memref<16x512xf32, #tpu.memory_space<vmem>>, vector<16xf32>,
            %sub3A_797 = arith.subf %get3A_796, %max3A_563 : vector<16xf32>
            %mul3A_798 = arith.constant 2.000000e+02 : f32
            %mul3A_799 = vector.broadcast %mul3A_798 : f32 to vector<16xf32>
            %mul3A_800 = arith.mulf %sub3A_797, %mul3A_799 : vector<16xf32>
            %exp3A_801 = math.exp %mul3A_800 : vector<16xf32>
            %add3A_802 = arith.addf %while3A_754, %exp3A_801 : vector<16xf32>
            scf.yield %add3A_769, %add3A_780, %add3A_791, %add3A_802 : vector<16xf32>, vector<16xf32>, vector<16xf32>, vector<16xf32>
          }
          %while3A_597 = arith.constant 1 : i32
          %while3A_598:4 = scf.for %while3A_750 = %while3A_594 to %while3A_590 step %while3A_597 iter_args(%while3A_751 = %while3A_596#0, %while3A_752 = %while3A_596#1, %while3A_753 = %while3A_596#2, %while3A_754 = %while3A_596#3) -> (vector<16xf32>, vector<16xf32>, vector<16xf32>, vector<16xf32>)  : i32 {
            %mul3A_755 = arith.constant 4 : i32
            %mul3A_756 = arith.muli %while3A_750, %mul3A_755 : i32
            %mul3A_757 = arith.constant 16 : i32
            %mul3A_758 = arith.muli %mul3A_756, %mul3A_757 : i32
            %add3A_759 = arith.constant 0 : i32
            %add3A_760 = arith.addi %mul3A_758, %add3A_759 : i32
            %get3A_761 = arith.index_cast %scan3A_454 : i32 to index
            %get3A_762 = arith.index_cast %add3A_760 : i32 to index
            %get3A_763 = tpu.vector_load %arg6[%get3A_761, %get3A_762] {strides = array<i32>} : memref<16x512xf32, #tpu.memory_space<vmem>>, vector<16xf32>,
            %sub3A_764 = arith.subf %get3A_763, %max3A_563 : vector<16xf32>
            %mul3A_765 = arith.constant 2.000000e+02 : f32
            %mul3A_766 = vector.broadcast %mul3A_765 : f32 to vector<16xf32>
            %mul3A_767 = arith.mulf %sub3A_764, %mul3A_766 : vector<16xf32>
            %exp3A_768 = math.exp %mul3A_767 : vector<16xf32>
            %add3A_769 = arith.addf %while3A_751, %exp3A_768 : vector<16xf32>
            %add3A_770 = arith.constant 16 : i32
            %add3A_771 = arith.addi %mul3A_758, %add3A_770 : i32
            %get3A_772 = arith.index_cast %scan3A_454 : i32 to index
            %get3A_773 = arith.index_cast %add3A_771 : i32 to index
            %get3A_774 = tpu.vector_load %arg6[%get3A_772, %get3A_773] {strides = array<i32>} : memref<16x512xf32, #tpu.memory_space<vmem>>, vector<16xf32>,
            %sub3A_775 = arith.subf %get3A_774, %max3A_563 : vector<16xf32>
            %mul3A_776 = arith.constant 2.000000e+02 : f32
            %mul3A_777 = vector.broadcast %mul3A_776 : f32 to vector<16xf32>
            %mul3A_778 = arith.mulf %sub3A_775, %mul3A_777 : vector<16xf32>
            %exp3A_779 = math.exp %mul3A_778 : vector<16xf32>
            %add3A_780 = arith.addf %while3A_752, %exp3A_779 : vector<16xf32>
            %add3A_781 = arith.constant 32 : i32
            %add3A_782 = arith.addi %mul3A_758, %add3A_781 : i32
            %get3A_783 = arith.index_cast %scan3A_454 : i32 to index
            %get3A_784 = arith.index_cast %add3A_782 : i32 to index
            %get3A_785 = tpu.vector_load %arg6[%get3A_783, %get3A_784] {strides = array<i32>} : memref<16x512xf32, #tpu.memory_space<vmem>>, vector<16xf32>,
            %sub3A_786 = arith.subf %get3A_785, %max3A_563 : vector<16xf32>
            %mul3A_787 = arith.constant 2.000000e+02 : f32
            %mul3A_788 = vector.broadcast %mul3A_787 : f32 to vector<16xf32>
            %mul3A_789 = arith.mulf %sub3A_786, %mul3A_788 : vector<16xf32>
            %exp3A_790 = math.exp %mul3A_789 : vector<16xf32>
            %add3A_791 = arith.addf %while3A_753, %exp3A_790 : vector<16xf32>
            %add3A_792 = arith.constant 48 : i32
            %add3A_793 = arith.addi %mul3A_758, %add3A_792 : i32
            %get3A_794 = arith.index_cast %scan3A_454 : i32 to index
            %get3A_795 = arith.index_cast %add3A_793 : i32 to index
            %get3A_796 = tpu.vector_load %arg6[%get3A_794, %get3A_795] {strides = array<i32>} : memref<16x512xf32, #tpu.memory_space<vmem>>, vector<16xf32>,
            %sub3A_797 = arith.subf %get3A_796, %max3A_563 : vector<16xf32>
            %mul3A_798 = arith.constant 2.000000e+02 : f32
            %mul3A_799 = vector.broadcast %mul3A_798 : f32 to vector<16xf32>
            %mul3A_800 = arith.mulf %sub3A_797, %mul3A_799 : vector<16xf32>
            %exp3A_801 = math.exp %mul3A_800 : vector<16xf32>
            %add3A_802 = arith.addf %while3A_754, %exp3A_801 : vector<16xf32>
            scf.yield %add3A_769, %add3A_780, %add3A_791, %add3A_802 : vector<16xf32>, vector<16xf32>, vector<16xf32>, vector<16xf32>
          }
          %add3A_599 = arith.addf %while3A_598#0, %while3A_598#1 : vector<16xf32>
          %add3A_600 = arith.addf %add3A_599, %while3A_598#2 : vector<16xf32>
          %add3A_601 = arith.addf %add3A_600, %while3A_598#3 : vector<16xf32>
          %while3A_602 = arith.subi %select_n3A_162, %mul3A_196 : i32
          %while3A_603 = arith.addi %mul3A_196, %while3A_602 : i32
          %while3A_604 = arith.constant 1 : i32
          %while3A_605 = arith.divsi %while3A_602, %while3A_604 : i32
          %while3A_606 = arith.muli %while3A_605, %while3A_604 : i32
          %while3A_607 = arith.addi %mul3A_196, %while3A_606 : i32
          %while3A_608 = arith.constant 1 : i32
          %while3A_609 = scf.for %while3A_750 = %mul3A_196 to %while3A_607 step %while3A_608 iter_args(%while3A_751 = %add3A_601) -> (vector<16xf32>)  : i32 {
            %mul3A_752 = arith.constant 16 : i32
            %mul3A_753 = arith.muli %while3A_750, %mul3A_752 : i32
            %get3A_754 = arith.index_cast %scan3A_454 : i32 to index
            %get3A_755 = arith.index_cast %mul3A_753 : i32 to index
            %get3A_756 = tpu.vector_load %arg6[%get3A_754, %get3A_755] {strides = array<i32>} : memref<16x512xf32, #tpu.memory_space<vmem>>, vector<16xf32>,
            %sub3A_757 = arith.subf %get3A_756, %max3A_563 : vector<16xf32>
            %mul3A_758 = arith.constant 2.000000e+02 : f32
            %mul3A_759 = vector.broadcast %mul3A_758 : f32 to vector<16xf32>
            %mul3A_760 = arith.mulf %sub3A_757, %mul3A_759 : vector<16xf32>
            %exp3A_761 = math.exp %mul3A_760 : vector<16xf32>
            %add3A_762 = arith.addf %while3A_751, %exp3A_761 : vector<16xf32>
            scf.yield %add3A_762 : vector<16xf32>
          }
          %while3A_610 = arith.constant 1 : i32
          %while3A_611 = scf.for %while3A_750 = %while3A_607 to %while3A_603 step %while3A_610 iter_args(%while3A_751 = %while3A_609) -> (vector<16xf32>)  : i32 {
            %mul3A_752 = arith.constant 16 : i32
            %mul3A_753 = arith.muli %while3A_750, %mul3A_752 : i32
            %get3A_754 = arith.index_cast %scan3A_454 : i32 to index
            %get3A_755 = arith.index_cast %mul3A_753 : i32 to index
            %get3A_756 = tpu.vector_load %arg6[%get3A_754, %get3A_755] {strides = array<i32>} : memref<16x512xf32, #tpu.memory_space<vmem>>, vector<16xf32>,
            %sub3A_757 = arith.subf %get3A_756, %max3A_563 : vector<16xf32>
            %mul3A_758 = arith.constant 2.000000e+02 : f32
            %mul3A_759 = vector.broadcast %mul3A_758 : f32 to vector<16xf32>
            %mul3A_760 = arith.mulf %sub3A_757, %mul3A_759 : vector<16xf32>
            %exp3A_761 = math.exp %mul3A_760 : vector<16xf32>
            %add3A_762 = arith.addf %while3A_751, %exp3A_761 : vector<16xf32>
            scf.yield %add3A_762 : vector<16xf32>
          }
          %get3A_612 = arith.index_cast %scan3A_454 : i32 to index
          %get3A_613 = arith.index_cast %mul3A_199 : i32 to index
          %get3A_614 = tpu.vector_load %arg6[%get3A_612, %get3A_613] {strides = array<i32>} : memref<16x512xf32, #tpu.memory_space<vmem>>, vector<16xf32>,
          %sub3A_615 = arith.subf %get3A_614, %max3A_563 : vector<16xf32>
          %mul3A_616 = arith.constant 2.000000e+02 : f32
          %mul3A_617 = vector.broadcast %mul3A_616 : f32 to vector<16xf32>
          %mul3A_618 = arith.mulf %sub3A_615, %mul3A_617 : vector<16xf32>
          %exp3A = math.exp %mul3A_618 : vector<16xf32>
          %mul3A_619 = arith.constant 16 : i32
          %mul3A_620 = arith.muli %select_n3A_162, %mul3A_619 : i32
          %ge3A = vector.broadcast %mul3A_620 : i32 to vector<16xi32>
          %ge3A_621 = arith.cmpi sge, %add3A_201, %ge3A : vector<16xi32>
          %lt3A_622 = vector.broadcast %squeeze3A_135 : i32 to vector<16xi32>
          %lt3A_623 = arith.cmpi slt, %add3A_201, %lt3A_622 : vector<16xi32>
          %and3A_624 = arith.andi %ge3A_621, %lt3A_623 : vector<16xi1>
          %select_n3A_625 = arith.select %and3A_624, %exp3A, %broadcast_in_dim3A_1 : vector<16xi1>, vector<16xf32>
          %add3A_626 = arith.addf %while3A_611, %select_n3A_625 : vector<16xf32>
          %xor3A_627 = arith.constant 8 : i32
          %xor3A_628 = vector.broadcast %xor3A_627 : i32 to vector<16xi32>
          %xor3A_629 = arith.xori %iota3A, %xor3A_628 : vector<16xi32>
          %lt3A_630 = arith.constant 0 : i32
          %lt3A_631 = vector.broadcast %lt3A_630 : i32 to vector<16xi32>
          %lt3A_632 = arith.cmpi slt, %xor3A_629, %lt3A_631 : vector<16xi32>
          %add3A_633 = arith.constant 16 : i32
          %add3A_634 = vector.broadcast %add3A_633 : i32 to vector<16xi32>
          %add3A_635 = arith.addi %xor3A_629, %add3A_634 : vector<16xi32>
          %select_n3A_636 = arith.select %lt3A_632, %add3A_635, %xor3A_629 : vector<16xi1>, vector<16xi32>
          %broadcast_in_dim3A_637 = vector.shape_cast %select_n3A_636 : vector<16xi32> to vector<16x1xi32>
          %gather3A_638 = vector.shape_cast %broadcast_in_dim3A_637 : vector<16x1xi32> to vector<16xi32>
          %gather3A_639 = tpu.dynamic_gather %add3A_626[%gather3A_638] in [0] : vector<16xf32>, vector<16xi32> -> vector<16xf32>
          %add3A_640 = arith.addf %add3A_626, %gather3A_639 : vector<16xf32>
          %xor3A_641 = arith.constant 4 : i32
          %xor3A_642 = vector.broadcast %xor3A_641 : i32 to vector<16xi32>
          %xor3A_643 = arith.xori %iota3A, %xor3A_642 : vector<16xi32>
          %lt3A_644 = arith.constant 0 : i32
          %lt3A_645 = vector.broadcast %lt3A_644 : i32 to vector<16xi32>
          %lt3A_646 = arith.cmpi slt, %xor3A_643, %lt3A_645 : vector<16xi32>
          %add3A_647 = arith.constant 16 : i32
          %add3A_648 = vector.broadcast %add3A_647 : i32 to vector<16xi32>
          %add3A_649 = arith.addi %xor3A_643, %add3A_648 : vector<16xi32>
          %select_n3A_650 = arith.select %lt3A_646, %add3A_649, %xor3A_643 : vector<16xi1>, vector<16xi32>
          %broadcast_in_dim3A_651 = vector.shape_cast %select_n3A_650 : vector<16xi32> to vector<16x1xi32>
          %gather3A_652 = vector.shape_cast %broadcast_in_dim3A_651 : vector<16x1xi32> to vector<16xi32>
          %gather3A_653 = tpu.dynamic_gather %add3A_640[%gather3A_652] in [0] : vector<16xf32>, vector<16xi32> -> vector<16xf32>
          %add3A_654 = arith.addf %add3A_640, %gather3A_653 : vector<16xf32>
          %xor3A_655 = arith.constant 2 : i32
          %xor3A_656 = vector.broadcast %xor3A_655 : i32 to vector<16xi32>
          %xor3A_657 = arith.xori %iota3A, %xor3A_656 : vector<16xi32>
          %lt3A_658 = arith.constant 0 : i32
          %lt3A_659 = vector.broadcast %lt3A_658 : i32 to vector<16xi32>
          %lt3A_660 = arith.cmpi slt, %xor3A_657, %lt3A_659 : vector<16xi32>
          %add3A_661 = arith.constant 16 : i32
          %add3A_662 = vector.broadcast %add3A_661 : i32 to vector<16xi32>
          %add3A_663 = arith.addi %xor3A_657, %add3A_662 : vector<16xi32>
          %select_n3A_664 = arith.select %lt3A_660, %add3A_663, %xor3A_657 : vector<16xi1>, vector<16xi32>
          %broadcast_in_dim3A_665 = vector.shape_cast %select_n3A_664 : vector<16xi32> to vector<16x1xi32>
          %gather3A_666 = vector.shape_cast %broadcast_in_dim3A_665 : vector<16x1xi32> to vector<16xi32>
          %gather3A_667 = tpu.dynamic_gather %add3A_654[%gather3A_666] in [0] : vector<16xf32>, vector<16xi32> -> vector<16xf32>
          %add3A_668 = arith.addf %add3A_654, %gather3A_667 : vector<16xf32>
          %xor3A_669 = arith.constant 1 : i32
          %xor3A_670 = vector.broadcast %xor3A_669 : i32 to vector<16xi32>
          %xor3A_671 = arith.xori %iota3A, %xor3A_670 : vector<16xi32>
          %lt3A_672 = arith.constant 0 : i32
          %lt3A_673 = vector.broadcast %lt3A_672 : i32 to vector<16xi32>
          %lt3A_674 = arith.cmpi slt, %xor3A_671, %lt3A_673 : vector<16xi32>
          %add3A_675 = arith.constant 16 : i32
          %add3A_676 = vector.broadcast %add3A_675 : i32 to vector<16xi32>
          %add3A_677 = arith.addi %xor3A_671, %add3A_676 : vector<16xi32>
          %select_n3A_678 = arith.select %lt3A_674, %add3A_677, %xor3A_671 : vector<16xi1>, vector<16xi32>
          %broadcast_in_dim3A_679 = vector.shape_cast %select_n3A_678 : vector<16xi32> to vector<16x1xi32>
          %gather3A_680 = vector.shape_cast %broadcast_in_dim3A_679 : vector<16x1xi32> to vector<16xi32>
          %gather3A_681 = tpu.dynamic_gather %add3A_668[%gather3A_680] in [0] : vector<16xf32>, vector<16xi32> -> vector<16xf32>
          %add3A_682 = arith.addf %add3A_668, %gather3A_681 : vector<16xf32>
          %add3A_683 = arith.addi %mul3A_142, %scan3A_454 : i32
          %add3A_684 = vector.broadcast %add3A_683 : i32 to vector<16xi32>
          %add3A_685 = arith.addi %add3A_684, %broadcast_in_dim3A_3 : vector<16xi32>
          %lt3A_686 = vector.broadcast %squeeze3A_123 : i32 to vector<16xi32>
          %lt3A_687 = arith.cmpi slt, %add3A_685, %lt3A_686 : vector<16xi32>
          %div3A_688 = arith.constant 1.000000e+00 : f32
          %div3A_689 = vector.broadcast %div3A_688 : f32 to vector<16xf32>
          %div3A_690 = arith.divf %div3A_689, %add3A_682 : vector<16xf32>
          %select_n3A_691 = arith.select %lt3A_687, %div3A_690, %broadcast_in_dim3A_1 : vector<16xi1>, vector<16xf32>
          %jit3A_692 = arith.constant 4 : i32
          %div3A_693 = arith.divsi %select_n3A_162, %jit3A_692 : i32
          %sign3A_694 = arith.constant 0 : i32
          %sign3A_695 = arith.cmpi sgt, %select_n3A_162, %sign3A_694 : i32
          %sign3A_696 = arith.extui %sign3A_695 : i1 to i32
          %sign3A_697 = arith.constant 0 : i32
          %sign3A_698 = arith.cmpi slt, %select_n3A_162, %sign3A_697 : i32
          %sign3A_699 = arith.extui %sign3A_698 : i1 to i32
          %sign3A_700 = arith.subi %sign3A_696, %sign3A_699 : i32
          %sign3A_701 = arith.constant 0 : i32
          %sign3A_702 = arith.cmpi sgt, %jit3A_692, %sign3A_701 : i32
          %sign3A_703 = arith.extui %sign3A_702 : i1 to i32
          %sign3A_704 = arith.constant 0 : i32
          %sign3A_705 = arith.cmpi slt, %jit3A_692, %sign3A_704 : i32
          %sign3A_706 = arith.extui %sign3A_705 : i1 to i32
          %sign3A_707 = arith.subi %sign3A_703, %sign3A_706 : i32
          %ne3A_708 = arith.cmpi ne, %sign3A_700, %sign3A_707 : i32
          %rem3A_709 = arith.remsi %select_n3A_162, %jit3A_692 : i32
          %ne3A_710 = arith.constant 0 : i32
          %ne3A_711 = arith.cmpi ne, %rem3A_709, %ne3A_710 : i32
          %and3A_712 = arith.andi %ne3A_708, %ne3A_711 : i1
          %sub3A_713 = arith.constant 1 : i32
          %sub3A_714 = arith.subi %div3A_693, %sub3A_713 : i32
          %select_n3A_715 = arith.select %and3A_712, %sub3A_714, %div3A_693 : i32
          %while3A_716 = arith.constant 0 : i32
          %while3A_717 = arith.constant 0 : i32
          %while3A_718 = arith.subi %select_n3A_715, %while3A_717 : i32
          %while3A_719 = arith.addi %while3A_717, %while3A_718 : i32
          %while3A_720 = arith.constant 1 : i32
          %while3A_721 = arith.divsi %while3A_718, %while3A_720 : i32
          %while3A_722 = arith.muli %while3A_721, %while3A_720 : i32
          %while3A_723 = arith.addi %while3A_717, %while3A_722 : i32
          %while3A_724 = arith.constant 1 : i32
          scf.for %while3A_750 = %while3A_717 to %while3A_723 step %while3A_724  : i32 {
            %mul3A_751 = arith.constant 4 : i32
            %mul3A_752 = arith.muli %while3A_750, %mul3A_751 : i32
            %mul3A_753 = arith.constant 16 : i32
            %mul3A_754 = arith.muli %mul3A_752, %mul3A_753 : i32
            %add3A_755 = arith.constant 0 : i32
            %add3A_756 = arith.addi %mul3A_754, %add3A_755 : i32
            %get3A_757 = arith.index_cast %scan3A_454 : i32 to index
            %get3A_758 = arith.index_cast %add3A_756 : i32 to index
            %get3A_759 = tpu.vector_load %arg6[%get3A_757, %get3A_758] {strides = array<i32>} : memref<16x512xf32, #tpu.memory_space<vmem>>, vector<16xf32>,
            %sub3A_760 = arith.subf %get3A_759, %max3A_563 : vector<16xf32>
            %mul3A_761 = arith.constant 2.000000e+02 : f32
            %mul3A_762 = vector.broadcast %mul3A_761 : f32 to vector<16xf32>
            %mul3A_763 = arith.mulf %sub3A_760, %mul3A_762 : vector<16xf32>
            %exp3A_764 = math.exp %mul3A_763 : vector<16xf32>
            %mul3A_765 = arith.mulf %exp3A_764, %select_n3A_691 : vector<16xf32>
            %add3A_766 = arith.constant 0 : i32
            %add3A_767 = arith.addi %mul3A_754, %add3A_766 : i32
            %swap3A = arith.index_cast %scan3A_454 : i32 to index
            %swap3A_768 = arith.index_cast %add3A_767 : i32 to index
            %swap3A_769 = tpu.vector_load %arg8[%swap3A, %swap3A_768] {strides = array<i32>} : memref<16x512xf32, #tpu.memory_space<vmem>>, vector<16xf32>,
            tpu.vector_store %arg8[%swap3A, %swap3A_768], %mul3A_765 {strides = array<i32>} : memref<16x512xf32, #tpu.memory_space<vmem>>, vector<16xf32>,
            %add3A_770 = arith.constant 16 : i32
            %add3A_771 = arith.addi %mul3A_754, %add3A_770 : i32
            %get3A_772 = arith.index_cast %scan3A_454 : i32 to index
            %get3A_773 = arith.index_cast %add3A_771 : i32 to index
            %get3A_774 = tpu.vector_load %arg6[%get3A_772, %get3A_773] {strides = array<i32>} : memref<16x512xf32, #tpu.memory_space<vmem>>, vector<16xf32>,
            %sub3A_775 = arith.subf %get3A_774, %max3A_563 : vector<16xf32>
            %mul3A_776 = arith.constant 2.000000e+02 : f32
            %mul3A_777 = vector.broadcast %mul3A_776 : f32 to vector<16xf32>
            %mul3A_778 = arith.mulf %sub3A_775, %mul3A_777 : vector<16xf32>
            %exp3A_779 = math.exp %mul3A_778 : vector<16xf32>
            %mul3A_780 = arith.mulf %exp3A_779, %select_n3A_691 : vector<16xf32>
            %add3A_781 = arith.constant 16 : i32
            %add3A_782 = arith.addi %mul3A_754, %add3A_781 : i32
            %swap3A_783 = arith.index_cast %scan3A_454 : i32 to index
            %swap3A_784 = arith.index_cast %add3A_782 : i32 to index
            %swap3A_785 = tpu.vector_load %arg8[%swap3A_783, %swap3A_784] {strides = array<i32>} : memref<16x512xf32, #tpu.memory_space<vmem>>, vector<16xf32>,
            tpu.vector_store %arg8[%swap3A_783, %swap3A_784], %mul3A_780 {strides = array<i32>} : memref<16x512xf32, #tpu.memory_space<vmem>>, vector<16xf32>,
            %add3A_786 = arith.constant 32 : i32
            %add3A_787 = arith.addi %mul3A_754, %add3A_786 : i32
            %get3A_788 = arith.index_cast %scan3A_454 : i32 to index
            %get3A_789 = arith.index_cast %add3A_787 : i32 to index
            %get3A_790 = tpu.vector_load %arg6[%get3A_788, %get3A_789] {strides = array<i32>} : memref<16x512xf32, #tpu.memory_space<vmem>>, vector<16xf32>,
            %sub3A_791 = arith.subf %get3A_790, %max3A_563 : vector<16xf32>
            %mul3A_792 = arith.constant 2.000000e+02 : f32
            %mul3A_793 = vector.broadcast %mul3A_792 : f32 to vector<16xf32>
            %mul3A_794 = arith.mulf %sub3A_791, %mul3A_793 : vector<16xf32>
            %exp3A_795 = math.exp %mul3A_794 : vector<16xf32>
            %mul3A_796 = arith.mulf %exp3A_795, %select_n3A_691 : vector<16xf32>
            %add3A_797 = arith.constant 32 : i32
            %add3A_798 = arith.addi %mul3A_754, %add3A_797 : i32
            %swap3A_799 = arith.index_cast %scan3A_454 : i32 to index
            %swap3A_800 = arith.index_cast %add3A_798 : i32 to index
            %swap3A_801 = tpu.vector_load %arg8[%swap3A_799, %swap3A_800] {strides = array<i32>} : memref<16x512xf32, #tpu.memory_space<vmem>>, vector<16xf32>,
            tpu.vector_store %arg8[%swap3A_799, %swap3A_800], %mul3A_796 {strides = array<i32>} : memref<16x512xf32, #tpu.memory_space<vmem>>, vector<16xf32>,
            %add3A_802 = arith.constant 48 : i32
            %add3A_803 = arith.addi %mul3A_754, %add3A_802 : i32
            %get3A_804 = arith.index_cast %scan3A_454 : i32 to index
            %get3A_805 = arith.index_cast %add3A_803 : i32 to index
            %get3A_806 = tpu.vector_load %arg6[%get3A_804, %get3A_805] {strides = array<i32>} : memref<16x512xf32, #tpu.memory_space<vmem>>, vector<16xf32>,
            %sub3A_807 = arith.subf %get3A_806, %max3A_563 : vector<16xf32>
            %mul3A_808 = arith.constant 2.000000e+02 : f32
            %mul3A_809 = vector.broadcast %mul3A_808 : f32 to vector<16xf32>
            %mul3A_810 = arith.mulf %sub3A_807, %mul3A_809 : vector<16xf32>
            %exp3A_811 = math.exp %mul3A_810 : vector<16xf32>
            %mul3A_812 = arith.mulf %exp3A_811, %select_n3A_691 : vector<16xf32>
            %add3A_813 = arith.constant 48 : i32
            %add3A_814 = arith.addi %mul3A_754, %add3A_813 : i32
            %swap3A_815 = arith.index_cast %scan3A_454 : i32 to index
            %swap3A_816 = arith.index_cast %add3A_814 : i32 to index
            %swap3A_817 = tpu.vector_load %arg8[%swap3A_815, %swap3A_816] {strides = array<i32>} : memref<16x512xf32, #tpu.memory_space<vmem>>, vector<16xf32>,
            tpu.vector_store %arg8[%swap3A_815, %swap3A_816], %mul3A_812 {strides = array<i32>} : memref<16x512xf32, #tpu.memory_space<vmem>>, vector<16xf32>,
          }
          %while3A_725 = arith.constant 1 : i32
          scf.for %while3A_750 = %while3A_723 to %while3A_719 step %while3A_725  : i32 {
            %mul3A_751 = arith.constant 4 : i32
            %mul3A_752 = arith.muli %while3A_750, %mul3A_751 : i32
            %mul3A_753 = arith.constant 16 : i32
            %mul3A_754 = arith.muli %mul3A_752, %mul3A_753 : i32
            %add3A_755 = arith.constant 0 : i32
            %add3A_756 = arith.addi %mul3A_754, %add3A_755 : i32
            %get3A_757 = arith.index_cast %scan3A_454 : i32 to index
            %get3A_758 = arith.index_cast %add3A_756 : i32 to index
            %get3A_759 = tpu.vector_load %arg6[%get3A_757, %get3A_758] {strides = array<i32>} : memref<16x512xf32, #tpu.memory_space<vmem>>, vector<16xf32>,
            %sub3A_760 = arith.subf %get3A_759, %max3A_563 : vector<16xf32>
            %mul3A_761 = arith.constant 2.000000e+02 : f32
            %mul3A_762 = vector.broadcast %mul3A_761 : f32 to vector<16xf32>
            %mul3A_763 = arith.mulf %sub3A_760, %mul3A_762 : vector<16xf32>
            %exp3A_764 = math.exp %mul3A_763 : vector<16xf32>
            %mul3A_765 = arith.mulf %exp3A_764, %select_n3A_691 : vector<16xf32>
            %add3A_766 = arith.constant 0 : i32
            %add3A_767 = arith.addi %mul3A_754, %add3A_766 : i32
            %swap3A = arith.index_cast %scan3A_454 : i32 to index
            %swap3A_768 = arith.index_cast %add3A_767 : i32 to index
            %swap3A_769 = tpu.vector_load %arg8[%swap3A, %swap3A_768] {strides = array<i32>} : memref<16x512xf32, #tpu.memory_space<vmem>>, vector<16xf32>,
            tpu.vector_store %arg8[%swap3A, %swap3A_768], %mul3A_765 {strides = array<i32>} : memref<16x512xf32, #tpu.memory_space<vmem>>, vector<16xf32>,
            %add3A_770 = arith.constant 16 : i32
            %add3A_771 = arith.addi %mul3A_754, %add3A_770 : i32
            %get3A_772 = arith.index_cast %scan3A_454 : i32 to index
            %get3A_773 = arith.index_cast %add3A_771 : i32 to index
            %get3A_774 = tpu.vector_load %arg6[%get3A_772, %get3A_773] {strides = array<i32>} : memref<16x512xf32, #tpu.memory_space<vmem>>, vector<16xf32>,
            %sub3A_775 = arith.subf %get3A_774, %max3A_563 : vector<16xf32>
            %mul3A_776 = arith.constant 2.000000e+02 : f32
            %mul3A_777 = vector.broadcast %mul3A_776 : f32 to vector<16xf32>
            %mul3A_778 = arith.mulf %sub3A_775, %mul3A_777 : vector<16xf32>
            %exp3A_779 = math.exp %mul3A_778 : vector<16xf32>
            %mul3A_780 = arith.mulf %exp3A_779, %select_n3A_691 : vector<16xf32>
            %add3A_781 = arith.constant 16 : i32
            %add3A_782 = arith.addi %mul3A_754, %add3A_781 : i32
            %swap3A_783 = arith.index_cast %scan3A_454 : i32 to index
            %swap3A_784 = arith.index_cast %add3A_782 : i32 to index
            %swap3A_785 = tpu.vector_load %arg8[%swap3A_783, %swap3A_784] {strides = array<i32>} : memref<16x512xf32, #tpu.memory_space<vmem>>, vector<16xf32>,
            tpu.vector_store %arg8[%swap3A_783, %swap3A_784], %mul3A_780 {strides = array<i32>} : memref<16x512xf32, #tpu.memory_space<vmem>>, vector<16xf32>,
            %add3A_786 = arith.constant 32 : i32
            %add3A_787 = arith.addi %mul3A_754, %add3A_786 : i32
            %get3A_788 = arith.index_cast %scan3A_454 : i32 to index
            %get3A_789 = arith.index_cast %add3A_787 : i32 to index
            %get3A_790 = tpu.vector_load %arg6[%get3A_788, %get3A_789] {strides = array<i32>} : memref<16x512xf32, #tpu.memory_space<vmem>>, vector<16xf32>,
            %sub3A_791 = arith.subf %get3A_790, %max3A_563 : vector<16xf32>
            %mul3A_792 = arith.constant 2.000000e+02 : f32
            %mul3A_793 = vector.broadcast %mul3A_792 : f32 to vector<16xf32>
            %mul3A_794 = arith.mulf %sub3A_791, %mul3A_793 : vector<16xf32>
            %exp3A_795 = math.exp %mul3A_794 : vector<16xf32>
            %mul3A_796 = arith.mulf %exp3A_795, %select_n3A_691 : vector<16xf32>
            %add3A_797 = arith.constant 32 : i32
            %add3A_798 = arith.addi %mul3A_754, %add3A_797 : i32
            %swap3A_799 = arith.index_cast %scan3A_454 : i32 to index
            %swap3A_800 = arith.index_cast %add3A_798 : i32 to index
            %swap3A_801 = tpu.vector_load %arg8[%swap3A_799, %swap3A_800] {strides = array<i32>} : memref<16x512xf32, #tpu.memory_space<vmem>>, vector<16xf32>,
            tpu.vector_store %arg8[%swap3A_799, %swap3A_800], %mul3A_796 {strides = array<i32>} : memref<16x512xf32, #tpu.memory_space<vmem>>, vector<16xf32>,
            %add3A_802 = arith.constant 48 : i32
            %add3A_803 = arith.addi %mul3A_754, %add3A_802 : i32
            %get3A_804 = arith.index_cast %scan3A_454 : i32 to index
            %get3A_805 = arith.index_cast %add3A_803 : i32 to index
            %get3A_806 = tpu.vector_load %arg6[%get3A_804, %get3A_805] {strides = array<i32>} : memref<16x512xf32, #tpu.memory_space<vmem>>, vector<16xf32>,
            %sub3A_807 = arith.subf %get3A_806, %max3A_563 : vector<16xf32>
            %mul3A_808 = arith.constant 2.000000e+02 : f32
            %mul3A_809 = vector.broadcast %mul3A_808 : f32 to vector<16xf32>
            %mul3A_810 = arith.mulf %sub3A_807, %mul3A_809 : vector<16xf32>
            %exp3A_811 = math.exp %mul3A_810 : vector<16xf32>
            %mul3A_812 = arith.mulf %exp3A_811, %select_n3A_691 : vector<16xf32>
            %add3A_813 = arith.constant 48 : i32
            %add3A_814 = arith.addi %mul3A_754, %add3A_813 : i32
            %swap3A_815 = arith.index_cast %scan3A_454 : i32 to index
            %swap3A_816 = arith.index_cast %add3A_814 : i32 to index
            %swap3A_817 = tpu.vector_load %arg8[%swap3A_815, %swap3A_816] {strides = array<i32>} : memref<16x512xf32, #tpu.memory_space<vmem>>, vector<16xf32>,
            tpu.vector_store %arg8[%swap3A_815, %swap3A_816], %mul3A_812 {strides = array<i32>} : memref<16x512xf32, #tpu.memory_space<vmem>>, vector<16xf32>,
          }
          %while3A_726 = arith.constant 0 : i32
          %while3A_727 = arith.subi %select_n3A_162, %mul3A_196 : i32
          %while3A_728 = arith.addi %mul3A_196, %while3A_727 : i32
          %while3A_729 = arith.constant 1 : i32
          %while3A_730 = arith.divsi %while3A_727, %while3A_729 : i32
          %while3A_731 = arith.muli %while3A_730, %while3A_729 : i32
          %while3A_732 = arith.addi %mul3A_196, %while3A_731 : i32
          %while3A_733 = arith.constant 1 : i32
          scf.for %while3A_750 = %mul3A_196 to %while3A_732 step %while3A_733  : i32 {
            %mul3A_751 = arith.constant 16 : i32
            %mul3A_752 = arith.muli %while3A_750, %mul3A_751 : i32
            %get3A_753 = arith.index_cast %scan3A_454 : i32 to index
            %get3A_754 = arith.index_cast %mul3A_752 : i32 to index
            %get3A_755 = tpu.vector_load %arg6[%get3A_753, %get3A_754] {strides = array<i32>} : memref<16x512xf32, #tpu.memory_space<vmem>>, vector<16xf32>,
            %sub3A_756 = arith.subf %get3A_755, %max3A_563 : vector<16xf32>
            %mul3A_757 = arith.constant 2.000000e+02 : f32
            %mul3A_758 = vector.broadcast %mul3A_757 : f32 to vector<16xf32>
            %mul3A_759 = arith.mulf %sub3A_756, %mul3A_758 : vector<16xf32>
            %exp3A_760 = math.exp %mul3A_759 : vector<16xf32>
            %mul3A_761 = arith.mulf %exp3A_760, %select_n3A_691 : vector<16xf32>
            %mul3A_762 = arith.constant 16 : i32
            %mul3A_763 = arith.muli %while3A_750, %mul3A_762 : i32
            %swap3A = arith.index_cast %scan3A_454 : i32 to index
            %swap3A_764 = arith.index_cast %mul3A_763 : i32 to index
            %swap3A_765 = tpu.vector_load %arg8[%swap3A, %swap3A_764] {strides = array<i32>} : memref<16x512xf32, #tpu.memory_space<vmem>>, vector<16xf32>,
            tpu.vector_store %arg8[%swap3A, %swap3A_764], %mul3A_761 {strides = array<i32>} : memref<16x512xf32, #tpu.memory_space<vmem>>, vector<16xf32>,
          }
          %while3A_734 = arith.constant 1 : i32
          scf.for %while3A_750 = %while3A_732 to %while3A_728 step %while3A_734  : i32 {
            %mul3A_751 = arith.constant 16 : i32
            %mul3A_752 = arith.muli %while3A_750, %mul3A_751 : i32
            %get3A_753 = arith.index_cast %scan3A_454 : i32 to index
            %get3A_754 = arith.index_cast %mul3A_752 : i32 to index
            %get3A_755 = tpu.vector_load %arg6[%get3A_753, %get3A_754] {strides = array<i32>} : memref<16x512xf32, #tpu.memory_space<vmem>>, vector<16xf32>,
            %sub3A_756 = arith.subf %get3A_755, %max3A_563 : vector<16xf32>
            %mul3A_757 = arith.constant 2.000000e+02 : f32
            %mul3A_758 = vector.broadcast %mul3A_757 : f32 to vector<16xf32>
            %mul3A_759 = arith.mulf %sub3A_756, %mul3A_758 : vector<16xf32>
            %exp3A_760 = math.exp %mul3A_759 : vector<16xf32>
            %mul3A_761 = arith.mulf %exp3A_760, %select_n3A_691 : vector<16xf32>
            %mul3A_762 = arith.constant 16 : i32
            %mul3A_763 = arith.muli %while3A_750, %mul3A_762 : i32
            %swap3A = arith.index_cast %scan3A_454 : i32 to index
            %swap3A_764 = arith.index_cast %mul3A_763 : i32 to index
            %swap3A_765 = tpu.vector_load %arg8[%swap3A, %swap3A_764] {strides = array<i32>} : memref<16x512xf32, #tpu.memory_space<vmem>>, vector<16xf32>,
            tpu.vector_store %arg8[%swap3A, %swap3A_764], %mul3A_761 {strides = array<i32>} : memref<16x512xf32, #tpu.memory_space<vmem>>, vector<16xf32>,
          }
          %gt3A_735 = arith.constant 0 : i32
          %gt3A_736 = arith.cmpi sgt, %sub3A_165, %gt3A_735 : i32
          %convert_element_type3A_737 = arith.extui %gt3A_736 : i1 to i32
          %cond3A_738 = arith.constant 0 : i32
          %cond3A_739 = arith.cmpi ne, %convert_element_type3A_737, %cond3A_738 : i32
          scf.if %cond3A_739 {
            %lt3A_750 = vector.broadcast %squeeze3A_135 : i32 to vector<16xi32>
            %lt3A_751 = arith.cmpi slt, %add3A_201, %lt3A_750 : vector<16xi32>
            %mul3A_752 = arith.mulf %exp3A, %select_n3A_691 : vector<16xf32>
            %select_n3A_753 = arith.select %lt3A_751, %mul3A_752, %broadcast_in_dim3A_1 : vector<16xi1>, vector<16xf32>
            %swap3A = arith.index_cast %scan3A_454 : i32 to index
            %swap3A_754 = arith.index_cast %mul3A_199 : i32 to index
            %swap3A_755 = tpu.vector_load %arg8[%swap3A, %swap3A_754] {strides = array<i32>} : memref<16x512xf32, #tpu.memory_space<vmem>>, vector<16xf32>,
            tpu.vector_store %arg8[%swap3A, %swap3A_754], %select_n3A_753 {strides = array<i32>} : memref<16x512xf32, #tpu.memory_space<vmem>>, vector<16xf32>,
          } else {
          }
          %while3A_740 = arith.constant 0 : i32
          %while3A_741 = arith.constant 32 : i32
          %while3A_742 = arith.subi %while3A_741, %add3A_170 : i32
          %while3A_743 = arith.addi %add3A_170, %while3A_742 : i32
          %while3A_744 = arith.constant 1 : i32
          %while3A_745 = arith.divsi %while3A_742, %while3A_744 : i32
          %while3A_746 = arith.muli %while3A_745, %while3A_744 : i32
          %while3A_747 = arith.addi %add3A_170, %while3A_746 : i32
          %while3A_748 = arith.constant 1 : i32
          scf.for %while3A_750 = %add3A_170 to %while3A_747 step %while3A_748  : i32 {
            %mul3A_751 = arith.constant 16 : i32
            %mul3A_752 = arith.muli %while3A_750, %mul3A_751 : i32
            %swap3A = arith.index_cast %scan3A_454 : i32 to index
            %swap3A_753 = arith.index_cast %mul3A_752 : i32 to index
            %swap3A_754 = tpu.vector_load %arg8[%swap3A, %swap3A_753] {strides = array<i32>} : memref<16x512xf32, #tpu.memory_space<vmem>>, vector<16xf32>,
            tpu.vector_store %arg8[%swap3A, %swap3A_753], %broadcast_in_dim3A_1 {strides = array<i32>} : memref<16x512xf32, #tpu.memory_space<vmem>>, vector<16xf32>,
          }
          %while3A_749 = arith.constant 1 : i32
          scf.for %while3A_750 = %while3A_747 to %while3A_743 step %while3A_749  : i32 {
            %mul3A_751 = arith.constant 16 : i32
            %mul3A_752 = arith.muli %while3A_750, %mul3A_751 : i32
            %swap3A = arith.index_cast %scan3A_454 : i32 to index
            %swap3A_753 = arith.index_cast %mul3A_752 : i32 to index
            %swap3A_754 = tpu.vector_load %arg8[%swap3A, %swap3A_753] {strides = array<i32>} : memref<16x512xf32, #tpu.memory_space<vmem>>, vector<16xf32>,
            tpu.vector_store %arg8[%swap3A, %swap3A_753], %broadcast_in_dim3A_1 {strides = array<i32>} : memref<16x512xf32, #tpu.memory_space<vmem>>, vector<16xf32>,
          }
        }
        %scan3A_441 = arith.constant 16 : i32
        %mul3A_442 = arith.constant 2 : i32
        %mul3A_443 = arith.muli %mul3A_442, %mul3A_110 : i32
        %add3A_444 = arith.addi %add3A, %mul3A_443 : i32
        %rem3A_445 = arith.constant 32 : i32
        %rem3A_446 = arith.remsi %add3A_444, %rem3A_445 : i32
        %mul3A_447 = arith.constant 16 : i32
        %mul3A_448 = arith.muli %rem3A_446, %mul3A_447 : i32
        %dma_start3A = arith.constant 0 : i32
        %dma_start3A_449 = tpu.memref_slice %arg5[%mul3A_110, %mul3A_448, %dma_start3A] : memref<16x512x512xf32, #tpu.memory_space<hbm>> -> memref<1x16x512xf32, #tpu.memory_space<hbm>>
        %dma_start3A_450 = tpu.memref_squeeze %dma_start3A_449 : memref<1x16x512xf32, #tpu.memory_space<hbm>> -> memref<16x512xf32, #tpu.memory_space<hbm>>
        %dma_start3A_451 = arith.constant 0 : i32
        %dma_start3A_452 = tpu.memref_slice %arg5[%mul3A_110, %mul3A_448, %dma_start3A_451] : memref<16x512x512xf32, #tpu.memory_space<hbm>> -> memref<1x16x512xf32, #tpu.memory_space<hbm>>
        %dma_start3A_453 = tpu.memref_squeeze %dma_start3A_452 : memref<1x16x512xf32, #tpu.memory_space<hbm>> -> memref<16x512xf32, #tpu.memory_space<hbm>>
        tpu.enqueue_dma source(%arg8 : memref<16x512xf32, #tpu.memory_space<vmem>>) target(%dma_start3A_453 : memref<16x512xf32, #tpu.memory_space<hbm>>) target_semaphore(%arg15 : memref<!tpu.dma_semaphore, #tpu.memory_space<semaphore_mem>>)
      } else {
      }
      %not3A = arith.constant true
      %not3A_205 = arith.xori %lt3A_143, %not3A : i1
      %convert_element_type3A_206 = arith.extui %not3A_205 : i1 to i32
      %cond3A_207 = arith.constant 0 : i32
      %cond3A_208 = arith.cmpi ne, %convert_element_type3A_206, %cond3A_207 : i32
      scf.if %cond3A_208 {
        %dma_start3A = arith.constant 0 : i32
        %dma_start3A_419 = tpu.memref_slice %arg5[%mul3A_110, %mul3A_142, %dma_start3A] : memref<16x512x512xf32, #tpu.memory_space<hbm>> -> memref<1x16x512xf32, #tpu.memory_space<hbm>>
        %dma_start3A_420 = tpu.memref_squeeze %dma_start3A_419 : memref<1x16x512xf32, #tpu.memory_space<hbm>> -> memref<16x512xf32, #tpu.memory_space<hbm>>
        %dma_start3A_421 = arith.constant 0 : i32
        %dma_start3A_422 = tpu.memref_slice %arg5[%mul3A_110, %mul3A_142, %dma_start3A_421] : memref<16x512x512xf32, #tpu.memory_space<hbm>> -> memref<1x16x512xf32, #tpu.memory_space<hbm>>
        %dma_start3A_423 = tpu.memref_squeeze %dma_start3A_422 : memref<1x16x512xf32, #tpu.memory_space<hbm>> -> memref<16x512xf32, #tpu.memory_space<hbm>>
        tpu.enqueue_dma source(%arg10 : memref<16x512xf32, #tpu.memory_space<vmem>>) target(%dma_start3A_423 : memref<16x512xf32, #tpu.memory_space<hbm>>) target_semaphore(%arg17 : memref<!tpu.dma_semaphore, #tpu.memory_space<semaphore_mem>>)
      } else {
      }
      %add3A_209 = arith.constant 2 : i32
      %add3A_210 = arith.addi %mul3A_110, %add3A_209 : i32
      %min3A_211 = arith.constant 15 : i32
      %min3A_212 = arith.minsi %add3A_210, %min3A_211 : i32
      %add3A_213 = arith.constant 2 : i32
      %add3A_214 = arith.addi %mul3A_110, %add3A_213 : i32
      %lt3A_215 = arith.constant 16 : i32
      %lt3A_216 = arith.cmpi slt, %add3A_214, %lt3A_215 : i32
      %broadcast_in_dim3A_217 = vector.broadcast %min3A_212 : i32 to vector<16xi32>
      %lt3A_218 = arith.constant 0 : i32
      %lt3A_219 = vector.broadcast %lt3A_218 : i32 to vector<16xi32>
      %lt3A_220 = arith.cmpi slt, %broadcast_in_dim3A_217, %lt3A_219 : vector<16xi32>
      %add3A_221 = arith.constant 16 : i32
      %add3A_222 = vector.broadcast %add3A_221 : i32 to vector<16xi32>
      %add3A_223 = arith.addi %broadcast_in_dim3A_217, %add3A_222 : vector<16xi32>
      %select_n3A_224 = arith.select %lt3A_220, %add3A_223, %broadcast_in_dim3A_217 : vector<16xi1>, vector<16xi32>
      %broadcast_in_dim3A_225 = vector.shape_cast %select_n3A_224 : vector<16xi32> to vector<16x1xi32>
      %gather3A_226 = vector.shape_cast %broadcast_in_dim3A_225 : vector<16x1xi32> to vector<16xi32>
      %gather3A_227 = tpu.dynamic_gather %get3A_11[%gather3A_226] in [0] : vector<16xi32>, vector<16xi32> -> vector<16xi32>
      %slice3A_228 = vector.extract_strided_slice %gather3A_227 {offsets = [0], sizes = [1], strides = [1]} : vector<16xi32> to vector<1xi32>
      %squeeze3A_229 = vector.extract %slice3A_228[0] : i32 from vector<1xi32>
      %lt3A_230 = arith.constant 0 : i32
      %lt3A_231 = vector.broadcast %lt3A_230 : i32 to vector<16xi32>
      %lt3A_232 = arith.cmpi slt, %broadcast_in_dim3A_217, %lt3A_231 : vector<16xi32>
      %add3A_233 = arith.constant 16 : i32
      %add3A_234 = vector.broadcast %add3A_233 : i32 to vector<16xi32>
      %add3A_235 = arith.addi %broadcast_in_dim3A_217, %add3A_234 : vector<16xi32>
      %select_n3A_236 = arith.select %lt3A_232, %add3A_235, %broadcast_in_dim3A_217 : vector<16xi1>, vector<16xi32>
      %broadcast_in_dim3A_237 = vector.shape_cast %select_n3A_236 : vector<16xi32> to vector<16x1xi32>
      %gather3A_238 = vector.shape_cast %broadcast_in_dim3A_237 : vector<16x1xi32> to vector<16xi32>
      %gather3A_239 = tpu.dynamic_gather %get3A_13[%gather3A_238] in [0] : vector<16xi32>, vector<16xi32> -> vector<16xi32>
      %slice3A_240 = vector.extract_strided_slice %gather3A_239 {offsets = [0], sizes = [1], strides = [1]} : vector<16xi32> to vector<1xi32>
      %squeeze3A_241 = vector.extract %slice3A_240[0] : i32 from vector<1xi32>
      %mul3A_242 = arith.constant 2 : i32
      %mul3A_243 = arith.muli %mul3A_242, %min3A_212 : i32
      %add3A_244 = arith.addi %add3A, %mul3A_243 : i32
      %rem3A_245 = arith.constant 32 : i32
      %rem3A_246 = arith.remsi %add3A_244, %rem3A_245 : i32
      %mul3A_247 = arith.constant 16 : i32
      %mul3A_248 = arith.muli %rem3A_246, %mul3A_247 : i32
      %lt3A_249 = arith.cmpi slt, %mul3A_248, %squeeze3A_229 : i32
      %and3A_250 = arith.andi %lt3A_216, %lt3A_249 : i1
      %convert_element_type3A_251 = arith.extui %and3A_250 : i1 to i32
      %cond3A_252 = arith.constant 0 : i32
      %cond3A_253 = arith.cmpi ne, %convert_element_type3A_251, %cond3A_252 : i32
      scf.if %cond3A_253 {
        %mul3A_419 = arith.constant 2 : i32
        %mul3A_420 = arith.muli %mul3A_419, %min3A_212 : i32
        %add3A_421 = arith.addi %add3A, %mul3A_420 : i32
        %rem3A_422 = arith.constant 32 : i32
        %rem3A_423 = arith.remsi %add3A_421, %rem3A_422 : i32
        %mul3A_424 = arith.constant 16 : i32
        %mul3A_425 = arith.muli %rem3A_423, %mul3A_424 : i32
        %dma_start3A = arith.constant 0 : i32
        %dma_start3A_426 = tpu.memref_slice %arg2[%min3A_212, %mul3A_425, %dma_start3A] : memref<16x512x512xf32, #tpu.memory_space<hbm>> -> memref<1x16x512xf32, #tpu.memory_space<hbm>>
        %dma_start3A_427 = tpu.memref_squeeze %dma_start3A_426 : memref<1x16x512xf32, #tpu.memory_space<hbm>> -> memref<16x512xf32, #tpu.memory_space<hbm>>
        %dma_start3A_428 = arith.constant 0 : i32
        %dma_start3A_429 = tpu.memref_slice %arg2[%min3A_212, %mul3A_425, %dma_start3A_428] : memref<16x512x512xf32, #tpu.memory_space<hbm>> -> memref<1x16x512xf32, #tpu.memory_space<hbm>>
        %dma_start3A_430 = tpu.memref_squeeze %dma_start3A_429 : memref<1x16x512xf32, #tpu.memory_space<hbm>> -> memref<16x512xf32, #tpu.memory_space<hbm>>
        tpu.enqueue_dma source(%dma_start3A_430 : memref<16x512xf32, #tpu.memory_space<hbm>>) target(%arg6 : memref<16x512xf32, #tpu.memory_space<vmem>>) target_semaphore(%arg13 : memref<!tpu.dma_semaphore, #tpu.memory_space<semaphore_mem>>)
      } else {
      }
      %jit3A_254 = arith.constant 1 : i32
      %select_n3A_255 = arith.select %lt3A_143, %jit3A_254, %scan3A_106 : i32
      %add3A_256 = arith.constant 1 : i32
      %add3A_257 = arith.addi %scan3A_108, %add3A_256 : i32
      %select_n3A_258 = arith.select %lt3A_143, %scan3A_108, %add3A_257 : i32
      %mul3A_259 = arith.constant 2 : i32
      %mul3A_260 = arith.muli %mul3A_259, %scan3A_105 : i32
      %add3A_261 = arith.constant 1 : i32
      %add3A_262 = arith.addi %mul3A_260, %add3A_261 : i32
      %broadcast_in_dim3A_263 = vector.broadcast %add3A_262 : i32 to vector<16xi32>
      %lt3A_264 = arith.constant 0 : i32
      %lt3A_265 = vector.broadcast %lt3A_264 : i32 to vector<16xi32>
      %lt3A_266 = arith.cmpi slt, %broadcast_in_dim3A_263, %lt3A_265 : vector<16xi32>
      %add3A_267 = arith.constant 16 : i32
      %add3A_268 = vector.broadcast %add3A_267 : i32 to vector<16xi32>
      %add3A_269 = arith.addi %broadcast_in_dim3A_263, %add3A_268 : vector<16xi32>
      %select_n3A_270 = arith.select %lt3A_266, %add3A_269, %broadcast_in_dim3A_263 : vector<16xi1>, vector<16xi32>
      %broadcast_in_dim3A_271 = vector.shape_cast %select_n3A_270 : vector<16xi32> to vector<16x1xi32>
      %gather3A_272 = vector.shape_cast %broadcast_in_dim3A_271 : vector<16x1xi32> to vector<16xi32>
      %gather3A_273 = tpu.dynamic_gather %get3A_11[%gather3A_272] in [0] : vector<16xi32>, vector<16xi32> -> vector<16xi32>
      %slice3A_274 = vector.extract_strided_slice %gather3A_273 {offsets = [0], sizes = [1], strides = [1]} : vector<16xi32> to vector<1xi32>
      %squeeze3A_275 = vector.extract %slice3A_274[0] : i32 from vector<1xi32>
      %lt3A_276 = arith.constant 0 : i32
      %lt3A_277 = vector.broadcast %lt3A_276 : i32 to vector<16xi32>
      %lt3A_278 = arith.cmpi slt, %broadcast_in_dim3A_263, %lt3A_277 : vector<16xi32>
      %add3A_279 = arith.constant 16 : i32
      %add3A_280 = vector.broadcast %add3A_279 : i32 to vector<16xi32>
      %add3A_281 = arith.addi %broadcast_in_dim3A_263, %add3A_280 : vector<16xi32>
      %select_n3A_282 = arith.select %lt3A_278, %add3A_281, %broadcast_in_dim3A_263 : vector<16xi1>, vector<16xi32>
      %broadcast_in_dim3A_283 = vector.shape_cast %select_n3A_282 : vector<16xi32> to vector<16x1xi32>
      %gather3A_284 = vector.shape_cast %broadcast_in_dim3A_283 : vector<16x1xi32> to vector<16xi32>
      %gather3A_285 = tpu.dynamic_gather %get3A_13[%gather3A_284] in [0] : vector<16xi32>, vector<16xi32> -> vector<16xi32>
      %slice3A_286 = vector.extract_strided_slice %gather3A_285 {offsets = [0], sizes = [1], strides = [1]} : vector<16xi32> to vector<1xi32>
      %squeeze3A_287 = vector.extract %slice3A_286[0] : i32 from vector<1xi32>
      %mul3A_288 = arith.constant 2 : i32
      %mul3A_289 = arith.muli %mul3A_288, %add3A_262 : i32
      %add3A_290 = arith.addi %add3A, %mul3A_289 : i32
      %rem3A_291 = arith.constant 32 : i32
      %rem3A_292 = arith.remsi %add3A_290, %rem3A_291 : i32
      %mul3A_293 = arith.constant 16 : i32
      %mul3A_294 = arith.muli %rem3A_292, %mul3A_293 : i32
      %lt3A_295 = arith.cmpi slt, %mul3A_294, %squeeze3A_275 : i32
      %jit3A_296 = arith.constant 16 : i32
      %div3A_297 = arith.divsi %squeeze3A_287, %jit3A_296 : i32
      %sign3A_298 = arith.constant 0 : i32
      %sign3A_299 = arith.cmpi sgt, %squeeze3A_287, %sign3A_298 : i32
      %sign3A_300 = arith.extui %sign3A_299 : i1 to i32
      %sign3A_301 = arith.constant 0 : i32
      %sign3A_302 = arith.cmpi slt, %squeeze3A_287, %sign3A_301 : i32
      %sign3A_303 = arith.extui %sign3A_302 : i1 to i32
      %sign3A_304 = arith.subi %sign3A_300, %sign3A_303 : i32
      %sign3A_305 = arith.constant 0 : i32
      %sign3A_306 = arith.cmpi sgt, %jit3A_296, %sign3A_305 : i32
      %sign3A_307 = arith.extui %sign3A_306 : i1 to i32
      %sign3A_308 = arith.constant 0 : i32
      %sign3A_309 = arith.cmpi slt, %jit3A_296, %sign3A_308 : i32
      %sign3A_310 = arith.extui %sign3A_309 : i1 to i32
      %sign3A_311 = arith.subi %sign3A_307, %sign3A_310 : i32
      %ne3A_312 = arith.cmpi ne, %sign3A_304, %sign3A_311 : i32
      %rem3A_313 = arith.remsi %squeeze3A_287, %jit3A_296 : i32
      %ne3A_314 = arith.constant 0 : i32
      %ne3A_315 = arith.cmpi ne, %rem3A_313, %ne3A_314 : i32
      %and3A_316 = arith.andi %ne3A_312, %ne3A_315 : i1
      %sub3A_317 = arith.constant 1 : i32
      %sub3A_318 = arith.subi %div3A_297, %sub3A_317 : i32
      %select_n3A_319 = arith.select %and3A_316, %sub3A_318, %div3A_297 : i32
      %mul3A_320 = arith.constant 16 : i32
      %mul3A_321 = arith.muli %select_n3A_319, %mul3A_320 : i32
      %sub3A_322 = arith.subi %squeeze3A_287, %mul3A_321 : i32
      %gt3A_323 = arith.constant 0 : i32
      %gt3A_324 = arith.cmpi sgt, %sub3A_322, %gt3A_323 : i32
      %jit3A_325 = arith.constant 1 : i32
      %jit3A_326 = arith.constant 0 : i32
      %select_n3A_327 = arith.select %gt3A_324, %jit3A_325, %jit3A_326 : i32
      %add3A_328 = arith.addi %select_n3A_319, %select_n3A_327 : i32
      %jit3A_329 = arith.constant 4 : i32
      %div3A_330 = arith.divsi %select_n3A_319, %jit3A_329 : i32
      %sign3A_331 = arith.constant 0 : i32
      %sign3A_332 = arith.cmpi sgt, %select_n3A_319, %sign3A_331 : i32
      %sign3A_333 = arith.extui %sign3A_332 : i1 to i32
      %sign3A_334 = arith.constant 0 : i32
      %sign3A_335 = arith.cmpi slt, %select_n3A_319, %sign3A_334 : i32
      %sign3A_336 = arith.extui %sign3A_335 : i1 to i32
      %sign3A_337 = arith.subi %sign3A_333, %sign3A_336 : i32
      %sign3A_338 = arith.constant 0 : i32
      %sign3A_339 = arith.cmpi sgt, %jit3A_329, %sign3A_338 : i32
      %sign3A_340 = arith.extui %sign3A_339 : i1 to i32
      %sign3A_341 = arith.constant 0 : i32
      %sign3A_342 = arith.cmpi slt, %jit3A_329, %sign3A_341 : i32
      %sign3A_343 = arith.extui %sign3A_342 : i1 to i32
      %sign3A_344 = arith.subi %sign3A_340, %sign3A_343 : i32
      %ne3A_345 = arith.cmpi ne, %sign3A_337, %sign3A_344 : i32
      %rem3A_346 = arith.remsi %select_n3A_319, %jit3A_329 : i32
      %ne3A_347 = arith.constant 0 : i32
      %ne3A_348 = arith.cmpi ne, %rem3A_346, %ne3A_347 : i32
      %and3A_349 = arith.andi %ne3A_345, %ne3A_348 : i1
      %sub3A_350 = arith.constant 1 : i32
      %sub3A_351 = arith.subi %div3A_330, %sub3A_350 : i32
      %select_n3A_352 = arith.select %and3A_349, %sub3A_351, %div3A_330 : i32
      %mul3A_353 = arith.constant 4 : i32
      %mul3A_354 = arith.muli %select_n3A_352, %mul3A_353 : i32
      %min3A_355 = arith.constant 31 : i32
      %min3A_356 = arith.minsi %select_n3A_319, %min3A_355 : i32
      %mul3A_357 = arith.constant 16 : i32
      %mul3A_358 = arith.muli %min3A_356, %mul3A_357 : i32
      %add3A_359 = vector.broadcast %mul3A_358 : i32 to vector<16xi32>
      %add3A_360 = arith.addi %add3A_359, %iota3A : vector<16xi32>
      %convert_element_type3A_361 = arith.extui %lt3A_295 : i1 to i32
      %cond3A_362 = arith.constant 0 : i32
      %cond3A_363 = arith.cmpi ne, %convert_element_type3A_361, %cond3A_362 : i32
      scf.if %cond3A_363 {
        %mul3A_419 = arith.constant 2 : i32
        %mul3A_420 = arith.muli %mul3A_419, %add3A_262 : i32
        %add3A_421 = arith.addi %add3A, %mul3A_420 : i32
        %rem3A_422 = arith.constant 32 : i32
        %rem3A_423 = arith.remsi %add3A_421, %rem3A_422 : i32
        %mul3A_424 = arith.constant 16 : i32
        %mul3A_425 = arith.muli %rem3A_423, %mul3A_424 : i32
        %dma_wait3A = arith.constant 0 : i32
        %dma_wait3A_426 = tpu.memref_slice %arg2[%add3A_262, %mul3A_425, %dma_wait3A] : memref<16x512x512xf32, #tpu.memory_space<hbm>> -> memref<1x16x512xf32, #tpu.memory_space<hbm>>
        %dma_wait3A_427 = tpu.memref_squeeze %dma_wait3A_426 : memref<1x16x512xf32, #tpu.memory_space<hbm>> -> memref<16x512xf32, #tpu.memory_space<hbm>>
        %dma_wait3A_428 = arith.constant 0 : i32
        %dma_wait3A_429 = tpu.memref_slice %arg2[%add3A_262, %mul3A_425, %dma_wait3A_428] : memref<16x512x512xf32, #tpu.memory_space<hbm>> -> memref<1x16x512xf32, #tpu.memory_space<hbm>>
        %dma_wait3A_430 = tpu.memref_squeeze %dma_wait3A_429 : memref<1x16x512xf32, #tpu.memory_space<hbm>> -> memref<16x512xf32, #tpu.memory_space<hbm>>
        tpu.wait_dma2 semaphore(%arg14 : memref<!tpu.dma_semaphore, #tpu.memory_space<semaphore_mem>>) src(%dma_wait3A_430 : memref<16x512xf32, #tpu.memory_space<hbm>>) dst(%arg7 : memref<16x512xf32, #tpu.memory_space<vmem>>)
        %ne3A_431 = arith.constant 0 : i32
        %ne3A_432 = arith.cmpi ne, %scan3A_107, %ne3A_431 : i32
        %convert_element_type3A_433 = arith.extui %ne3A_432 : i1 to i32
        %cond3A_434 = arith.constant 0 : i32
        %cond3A_435 = arith.cmpi ne, %convert_element_type3A_433, %cond3A_434 : i32
        scf.if %cond3A_435 {
          %mul3A_454 = arith.constant 2 : i32
          %mul3A_455 = arith.muli %mul3A_454, %add3A_262 : i32
          %add3A_456 = arith.addi %add3A, %mul3A_455 : i32
          %rem3A_457 = arith.constant 32 : i32
          %rem3A_458 = arith.remsi %add3A_456, %rem3A_457 : i32
          %mul3A_459 = arith.constant 16 : i32
          %mul3A_460 = arith.muli %rem3A_458, %mul3A_459 : i32
          %dma_wait3A_461 = arith.constant 0 : i32
          %dma_wait3A_462 = tpu.memref_slice %arg5[%add3A_262, %mul3A_460, %dma_wait3A_461] : memref<16x512x512xf32, #tpu.memory_space<hbm>> -> memref<1x16x512xf32, #tpu.memory_space<hbm>>
          %dma_wait3A_463 = tpu.memref_squeeze %dma_wait3A_462 : memref<1x16x512xf32, #tpu.memory_space<hbm>> -> memref<16x512xf32, #tpu.memory_space<hbm>>
          %dma_wait3A_464 = arith.constant 0 : i32
          %dma_wait3A_465 = tpu.memref_slice %arg5[%add3A_262, %mul3A_460, %dma_wait3A_464] : memref<16x512x512xf32, #tpu.memory_space<hbm>> -> memref<1x16x512xf32, #tpu.memory_space<hbm>>
          %dma_wait3A_466 = tpu.memref_squeeze %dma_wait3A_465 : memref<1x16x512xf32, #tpu.memory_space<hbm>> -> memref<16x512xf32, #tpu.memory_space<hbm>>
          tpu.wait_dma2 semaphore(%arg16 : memref<!tpu.dma_semaphore, #tpu.memory_space<semaphore_mem>>) src(%arg9 : memref<16x512xf32, #tpu.memory_space<vmem>>) dst(%dma_wait3A_466 : memref<16x512xf32, #tpu.memory_space<hbm>>)
        } else {
        }
        %scan3A_436 = arith.constant 0 : i32
        %scan3A_437 = arith.constant 0 : i32
        %scan3A_438 = arith.constant 16 : i32
        %scan3A_439 = arith.addi %scan3A_437, %scan3A_438 : i32
        %scan3A_440 = arith.constant 1 : i32
        scf.for %scan3A_454 = %scan3A_437 to %scan3A_439 step %scan3A_440  : i32 {
          %jit3A_455 = arith.constant 4 : i32
          %div3A_456 = arith.divsi %select_n3A_319, %jit3A_455 : i32
          %sign3A_457 = arith.constant 0 : i32
          %sign3A_458 = arith.cmpi sgt, %select_n3A_319, %sign3A_457 : i32
          %sign3A_459 = arith.extui %sign3A_458 : i1 to i32
          %sign3A_460 = arith.constant 0 : i32
          %sign3A_461 = arith.cmpi slt, %select_n3A_319, %sign3A_460 : i32
          %sign3A_462 = arith.extui %sign3A_461 : i1 to i32
          %sign3A_463 = arith.subi %sign3A_459, %sign3A_462 : i32
          %sign3A_464 = arith.constant 0 : i32
          %sign3A_465 = arith.cmpi sgt, %jit3A_455, %sign3A_464 : i32
          %sign3A_466 = arith.extui %sign3A_465 : i1 to i32
          %sign3A_467 = arith.constant 0 : i32
          %sign3A_468 = arith.cmpi slt, %jit3A_455, %sign3A_467 : i32
          %sign3A_469 = arith.extui %sign3A_468 : i1 to i32
          %sign3A_470 = arith.subi %sign3A_466, %sign3A_469 : i32
          %ne3A_471 = arith.cmpi ne, %sign3A_463, %sign3A_470 : i32
          %rem3A_472 = arith.remsi %select_n3A_319, %jit3A_455 : i32
          %ne3A_473 = arith.constant 0 : i32
          %ne3A_474 = arith.cmpi ne, %rem3A_472, %ne3A_473 : i32
          %and3A_475 = arith.andi %ne3A_471, %ne3A_474 : i1
          %sub3A_476 = arith.constant 1 : i32
          %sub3A_477 = arith.subi %div3A_456, %sub3A_476 : i32
          %select_n3A_478 = arith.select %and3A_475, %sub3A_477, %div3A_456 : i32
          %while3A_479 = arith.constant 0 : i32
          %while3A_480 = arith.subi %select_n3A_478, %while3A_479 : i32
          %while3A_481 = arith.addi %while3A_479, %while3A_480 : i32
          %while3A_482 = arith.constant 1 : i32
          %while3A_483 = arith.divsi %while3A_480, %while3A_482 : i32
          %while3A_484 = arith.muli %while3A_483, %while3A_482 : i32
          %while3A_485 = arith.addi %while3A_479, %while3A_484 : i32
          %while3A_486 = arith.constant 1 : i32
          %while3A_487:4 = scf.for %while3A_750 = %while3A_479 to %while3A_485 step %while3A_486 iter_args(%while3A_751 = %broadcast_in_dim3A_5, %while3A_752 = %broadcast_in_dim3A_5, %while3A_753 = %broadcast_in_dim3A_5, %while3A_754 = %broadcast_in_dim3A_5) -> (vector<16xf32>, vector<16xf32>, vector<16xf32>, vector<16xf32>)  : i32 {
            %mul3A_755 = arith.constant 4 : i32
            %mul3A_756 = arith.muli %while3A_750, %mul3A_755 : i32
            %mul3A_757 = arith.constant 16 : i32
            %mul3A_758 = arith.muli %mul3A_756, %mul3A_757 : i32
            %add3A_759 = arith.constant 0 : i32
            %add3A_760 = arith.addi %mul3A_758, %add3A_759 : i32
            %get3A_761 = arith.index_cast %scan3A_454 : i32 to index
            %get3A_762 = arith.index_cast %add3A_760 : i32 to index
            %get3A_763 = tpu.vector_load %arg7[%get3A_761, %get3A_762] {strides = array<i32>} : memref<16x512xf32, #tpu.memory_space<vmem>>, vector<16xf32>,
            %max3A_764 = arith.maximumf %while3A_751, %get3A_763 : vector<16xf32>
            %add3A_765 = arith.constant 16 : i32
            %add3A_766 = arith.addi %mul3A_758, %add3A_765 : i32
            %get3A_767 = arith.index_cast %scan3A_454 : i32 to index
            %get3A_768 = arith.index_cast %add3A_766 : i32 to index
            %get3A_769 = tpu.vector_load %arg7[%get3A_767, %get3A_768] {strides = array<i32>} : memref<16x512xf32, #tpu.memory_space<vmem>>, vector<16xf32>,
            %max3A_770 = arith.maximumf %while3A_752, %get3A_769 : vector<16xf32>
            %add3A_771 = arith.constant 32 : i32
            %add3A_772 = arith.addi %mul3A_758, %add3A_771 : i32
            %get3A_773 = arith.index_cast %scan3A_454 : i32 to index
            %get3A_774 = arith.index_cast %add3A_772 : i32 to index
            %get3A_775 = tpu.vector_load %arg7[%get3A_773, %get3A_774] {strides = array<i32>} : memref<16x512xf32, #tpu.memory_space<vmem>>, vector<16xf32>,
            %max3A_776 = arith.maximumf %while3A_753, %get3A_775 : vector<16xf32>
            %add3A_777 = arith.constant 48 : i32
            %add3A_778 = arith.addi %mul3A_758, %add3A_777 : i32
            %get3A_779 = arith.index_cast %scan3A_454 : i32 to index
            %get3A_780 = arith.index_cast %add3A_778 : i32 to index
            %get3A_781 = tpu.vector_load %arg7[%get3A_779, %get3A_780] {strides = array<i32>} : memref<16x512xf32, #tpu.memory_space<vmem>>, vector<16xf32>,
            %max3A_782 = arith.maximumf %while3A_754, %get3A_781 : vector<16xf32>
            scf.yield %max3A_764, %max3A_770, %max3A_776, %max3A_782 : vector<16xf32>, vector<16xf32>, vector<16xf32>, vector<16xf32>
          }
          %while3A_488 = arith.constant 1 : i32
          %while3A_489:4 = scf.for %while3A_750 = %while3A_485 to %while3A_481 step %while3A_488 iter_args(%while3A_751 = %while3A_487#0, %while3A_752 = %while3A_487#1, %while3A_753 = %while3A_487#2, %while3A_754 = %while3A_487#3) -> (vector<16xf32>, vector<16xf32>, vector<16xf32>, vector<16xf32>)  : i32 {
            %mul3A_755 = arith.constant 4 : i32
            %mul3A_756 = arith.muli %while3A_750, %mul3A_755 : i32
            %mul3A_757 = arith.constant 16 : i32
            %mul3A_758 = arith.muli %mul3A_756, %mul3A_757 : i32
            %add3A_759 = arith.constant 0 : i32
            %add3A_760 = arith.addi %mul3A_758, %add3A_759 : i32
            %get3A_761 = arith.index_cast %scan3A_454 : i32 to index
            %get3A_762 = arith.index_cast %add3A_760 : i32 to index
            %get3A_763 = tpu.vector_load %arg7[%get3A_761, %get3A_762] {strides = array<i32>} : memref<16x512xf32, #tpu.memory_space<vmem>>, vector<16xf32>,
            %max3A_764 = arith.maximumf %while3A_751, %get3A_763 : vector<16xf32>
            %add3A_765 = arith.constant 16 : i32
            %add3A_766 = arith.addi %mul3A_758, %add3A_765 : i32
            %get3A_767 = arith.index_cast %scan3A_454 : i32 to index
            %get3A_768 = arith.index_cast %add3A_766 : i32 to index
            %get3A_769 = tpu.vector_load %arg7[%get3A_767, %get3A_768] {strides = array<i32>} : memref<16x512xf32, #tpu.memory_space<vmem>>, vector<16xf32>,
            %max3A_770 = arith.maximumf %while3A_752, %get3A_769 : vector<16xf32>
            %add3A_771 = arith.constant 32 : i32
            %add3A_772 = arith.addi %mul3A_758, %add3A_771 : i32
            %get3A_773 = arith.index_cast %scan3A_454 : i32 to index
            %get3A_774 = arith.index_cast %add3A_772 : i32 to index
            %get3A_775 = tpu.vector_load %arg7[%get3A_773, %get3A_774] {strides = array<i32>} : memref<16x512xf32, #tpu.memory_space<vmem>>, vector<16xf32>,
            %max3A_776 = arith.maximumf %while3A_753, %get3A_775 : vector<16xf32>
            %add3A_777 = arith.constant 48 : i32
            %add3A_778 = arith.addi %mul3A_758, %add3A_777 : i32
            %get3A_779 = arith.index_cast %scan3A_454 : i32 to index
            %get3A_780 = arith.index_cast %add3A_778 : i32 to index
            %get3A_781 = tpu.vector_load %arg7[%get3A_779, %get3A_780] {strides = array<i32>} : memref<16x512xf32, #tpu.memory_space<vmem>>, vector<16xf32>,
            %max3A_782 = arith.maximumf %while3A_754, %get3A_781 : vector<16xf32>
            scf.yield %max3A_764, %max3A_770, %max3A_776, %max3A_782 : vector<16xf32>, vector<16xf32>, vector<16xf32>, vector<16xf32>
          }
          %max3A = arith.maximumf %while3A_489#0, %while3A_489#1 : vector<16xf32>
          %max3A_490 = arith.maximumf %max3A, %while3A_489#2 : vector<16xf32>
          %max3A_491 = arith.maximumf %max3A_490, %while3A_489#3 : vector<16xf32>
          %while3A_492 = arith.subi %select_n3A_319, %mul3A_354 : i32
          %while3A_493 = arith.addi %mul3A_354, %while3A_492 : i32
          %while3A_494 = arith.constant 1 : i32
          %while3A_495 = arith.divsi %while3A_492, %while3A_494 : i32
          %while3A_496 = arith.muli %while3A_495, %while3A_494 : i32
          %while3A_497 = arith.addi %mul3A_354, %while3A_496 : i32
          %while3A_498 = arith.constant 1 : i32
          %while3A_499 = scf.for %while3A_750 = %mul3A_354 to %while3A_497 step %while3A_498 iter_args(%while3A_751 = %max3A_491) -> (vector<16xf32>)  : i32 {
            %mul3A_752 = arith.constant 16 : i32
            %mul3A_753 = arith.muli %while3A_750, %mul3A_752 : i32
            %get3A_754 = arith.index_cast %scan3A_454 : i32 to index
            %get3A_755 = arith.index_cast %mul3A_753 : i32 to index
            %get3A_756 = tpu.vector_load %arg7[%get3A_754, %get3A_755] {strides = array<i32>} : memref<16x512xf32, #tpu.memory_space<vmem>>, vector<16xf32>,
            %max3A_757 = arith.maximumf %while3A_751, %get3A_756 : vector<16xf32>
            scf.yield %max3A_757 : vector<16xf32>
          }
          %while3A_500 = arith.constant 1 : i32
          %while3A_501 = scf.for %while3A_750 = %while3A_497 to %while3A_493 step %while3A_500 iter_args(%while3A_751 = %while3A_499) -> (vector<16xf32>)  : i32 {
            %mul3A_752 = arith.constant 16 : i32
            %mul3A_753 = arith.muli %while3A_750, %mul3A_752 : i32
            %get3A_754 = arith.index_cast %scan3A_454 : i32 to index
            %get3A_755 = arith.index_cast %mul3A_753 : i32 to index
            %get3A_756 = tpu.vector_load %arg7[%get3A_754, %get3A_755] {strides = array<i32>} : memref<16x512xf32, #tpu.memory_space<vmem>>, vector<16xf32>,
            %max3A_757 = arith.maximumf %while3A_751, %get3A_756 : vector<16xf32>
            scf.yield %max3A_757 : vector<16xf32>
          }
          %get3A_502 = arith.index_cast %scan3A_454 : i32 to index
          %get3A_503 = arith.index_cast %mul3A_358 : i32 to index
          %get3A_504 = tpu.vector_load %arg7[%get3A_502, %get3A_503] {strides = array<i32>} : memref<16x512xf32, #tpu.memory_space<vmem>>, vector<16xf32>,
          %lt3A_505 = vector.broadcast %squeeze3A_287 : i32 to vector<16xi32>
          %lt3A_506 = arith.cmpi slt, %add3A_360, %lt3A_505 : vector<16xi32>
          %select_n3A_507 = arith.select %lt3A_506, %get3A_504, %broadcast_in_dim3A_5 : vector<16xi1>, vector<16xf32>
          %max3A_508 = arith.maximumf %while3A_501, %select_n3A_507 : vector<16xf32>
          %xor3A = arith.constant 8 : i32
          %xor3A_509 = vector.broadcast %xor3A : i32 to vector<16xi32>
          %xor3A_510 = arith.xori %iota3A, %xor3A_509 : vector<16xi32>
          %lt3A_511 = arith.constant 0 : i32
          %lt3A_512 = vector.broadcast %lt3A_511 : i32 to vector<16xi32>
          %lt3A_513 = arith.cmpi slt, %xor3A_510, %lt3A_512 : vector<16xi32>
          %add3A_514 = arith.constant 16 : i32
          %add3A_515 = vector.broadcast %add3A_514 : i32 to vector<16xi32>
          %add3A_516 = arith.addi %xor3A_510, %add3A_515 : vector<16xi32>
          %select_n3A_517 = arith.select %lt3A_513, %add3A_516, %xor3A_510 : vector<16xi1>, vector<16xi32>
          %broadcast_in_dim3A_518 = vector.shape_cast %select_n3A_517 : vector<16xi32> to vector<16x1xi32>
          %gather3A_519 = vector.shape_cast %broadcast_in_dim3A_518 : vector<16x1xi32> to vector<16xi32>
          %gather3A_520 = tpu.dynamic_gather %max3A_508[%gather3A_519] in [0] : vector<16xf32>, vector<16xi32> -> vector<16xf32>
          %max3A_521 = arith.maximumf %max3A_508, %gather3A_520 : vector<16xf32>
          %xor3A_522 = arith.constant 4 : i32
          %xor3A_523 = vector.broadcast %xor3A_522 : i32 to vector<16xi32>
          %xor3A_524 = arith.xori %iota3A, %xor3A_523 : vector<16xi32>
          %lt3A_525 = arith.constant 0 : i32
          %lt3A_526 = vector.broadcast %lt3A_525 : i32 to vector<16xi32>
          %lt3A_527 = arith.cmpi slt, %xor3A_524, %lt3A_526 : vector<16xi32>
          %add3A_528 = arith.constant 16 : i32
          %add3A_529 = vector.broadcast %add3A_528 : i32 to vector<16xi32>
          %add3A_530 = arith.addi %xor3A_524, %add3A_529 : vector<16xi32>
          %select_n3A_531 = arith.select %lt3A_527, %add3A_530, %xor3A_524 : vector<16xi1>, vector<16xi32>
          %broadcast_in_dim3A_532 = vector.shape_cast %select_n3A_531 : vector<16xi32> to vector<16x1xi32>
          %gather3A_533 = vector.shape_cast %broadcast_in_dim3A_532 : vector<16x1xi32> to vector<16xi32>
          %gather3A_534 = tpu.dynamic_gather %max3A_521[%gather3A_533] in [0] : vector<16xf32>, vector<16xi32> -> vector<16xf32>
          %max3A_535 = arith.maximumf %max3A_521, %gather3A_534 : vector<16xf32>
          %xor3A_536 = arith.constant 2 : i32
          %xor3A_537 = vector.broadcast %xor3A_536 : i32 to vector<16xi32>
          %xor3A_538 = arith.xori %iota3A, %xor3A_537 : vector<16xi32>
          %lt3A_539 = arith.constant 0 : i32
          %lt3A_540 = vector.broadcast %lt3A_539 : i32 to vector<16xi32>
          %lt3A_541 = arith.cmpi slt, %xor3A_538, %lt3A_540 : vector<16xi32>
          %add3A_542 = arith.constant 16 : i32
          %add3A_543 = vector.broadcast %add3A_542 : i32 to vector<16xi32>
          %add3A_544 = arith.addi %xor3A_538, %add3A_543 : vector<16xi32>
          %select_n3A_545 = arith.select %lt3A_541, %add3A_544, %xor3A_538 : vector<16xi1>, vector<16xi32>
          %broadcast_in_dim3A_546 = vector.shape_cast %select_n3A_545 : vector<16xi32> to vector<16x1xi32>
          %gather3A_547 = vector.shape_cast %broadcast_in_dim3A_546 : vector<16x1xi32> to vector<16xi32>
          %gather3A_548 = tpu.dynamic_gather %max3A_535[%gather3A_547] in [0] : vector<16xf32>, vector<16xi32> -> vector<16xf32>
          %max3A_549 = arith.maximumf %max3A_535, %gather3A_548 : vector<16xf32>
          %xor3A_550 = arith.constant 1 : i32
          %xor3A_551 = vector.broadcast %xor3A_550 : i32 to vector<16xi32>
          %xor3A_552 = arith.xori %iota3A, %xor3A_551 : vector<16xi32>
          %lt3A_553 = arith.constant 0 : i32
          %lt3A_554 = vector.broadcast %lt3A_553 : i32 to vector<16xi32>
          %lt3A_555 = arith.cmpi slt, %xor3A_552, %lt3A_554 : vector<16xi32>
          %add3A_556 = arith.constant 16 : i32
          %add3A_557 = vector.broadcast %add3A_556 : i32 to vector<16xi32>
          %add3A_558 = arith.addi %xor3A_552, %add3A_557 : vector<16xi32>
          %select_n3A_559 = arith.select %lt3A_555, %add3A_558, %xor3A_552 : vector<16xi1>, vector<16xi32>
          %broadcast_in_dim3A_560 = vector.shape_cast %select_n3A_559 : vector<16xi32> to vector<16x1xi32>
          %gather3A_561 = vector.shape_cast %broadcast_in_dim3A_560 : vector<16x1xi32> to vector<16xi32>
          %gather3A_562 = tpu.dynamic_gather %max3A_549[%gather3A_561] in [0] : vector<16xf32>, vector<16xi32> -> vector<16xf32>
          %max3A_563 = arith.maximumf %max3A_549, %gather3A_562 : vector<16xf32>
          %jit3A_564 = arith.constant 4 : i32
          %div3A_565 = arith.divsi %select_n3A_319, %jit3A_564 : i32
          %sign3A_566 = arith.constant 0 : i32
          %sign3A_567 = arith.cmpi sgt, %select_n3A_319, %sign3A_566 : i32
          %sign3A_568 = arith.extui %sign3A_567 : i1 to i32
          %sign3A_569 = arith.constant 0 : i32
          %sign3A_570 = arith.cmpi slt, %select_n3A_319, %sign3A_569 : i32
          %sign3A_571 = arith.extui %sign3A_570 : i1 to i32
          %sign3A_572 = arith.subi %sign3A_568, %sign3A_571 : i32
          %sign3A_573 = arith.constant 0 : i32
          %sign3A_574 = arith.cmpi sgt, %jit3A_564, %sign3A_573 : i32
          %sign3A_575 = arith.extui %sign3A_574 : i1 to i32
          %sign3A_576 = arith.constant 0 : i32
          %sign3A_577 = arith.cmpi slt, %jit3A_564, %sign3A_576 : i32
          %sign3A_578 = arith.extui %sign3A_577 : i1 to i32
          %sign3A_579 = arith.subi %sign3A_575, %sign3A_578 : i32
          %ne3A_580 = arith.cmpi ne, %sign3A_572, %sign3A_579 : i32
          %rem3A_581 = arith.remsi %select_n3A_319, %jit3A_564 : i32
          %ne3A_582 = arith.constant 0 : i32
          %ne3A_583 = arith.cmpi ne, %rem3A_581, %ne3A_582 : i32
          %and3A_584 = arith.andi %ne3A_580, %ne3A_583 : i1
          %sub3A_585 = arith.constant 1 : i32
          %sub3A_586 = arith.subi %div3A_565, %sub3A_585 : i32
          %select_n3A_587 = arith.select %and3A_584, %sub3A_586, %div3A_565 : i32
          %while3A_588 = arith.constant 0 : i32
          %while3A_589 = arith.subi %select_n3A_587, %while3A_588 : i32
          %while3A_590 = arith.addi %while3A_588, %while3A_589 : i32
          %while3A_591 = arith.constant 1 : i32
          %while3A_592 = arith.divsi %while3A_589, %while3A_591 : i32
          %while3A_593 = arith.muli %while3A_592, %while3A_591 : i32
          %while3A_594 = arith.addi %while3A_588, %while3A_593 : i32
          %while3A_595 = arith.constant 1 : i32
          %while3A_596:4 = scf.for %while3A_750 = %while3A_588 to %while3A_594 step %while3A_595 iter_args(%while3A_751 = %broadcast_in_dim3A_1, %while3A_752 = %broadcast_in_dim3A_1, %while3A_753 = %broadcast_in_dim3A_1, %while3A_754 = %broadcast_in_dim3A_1) -> (vector<16xf32>, vector<16xf32>, vector<16xf32>, vector<16xf32>)  : i32 {
            %mul3A_755 = arith.constant 4 : i32
            %mul3A_756 = arith.muli %while3A_750, %mul3A_755 : i32
            %mul3A_757 = arith.constant 16 : i32
            %mul3A_758 = arith.muli %mul3A_756, %mul3A_757 : i32
            %add3A_759 = arith.constant 0 : i32
            %add3A_760 = arith.addi %mul3A_758, %add3A_759 : i32
            %get3A_761 = arith.index_cast %scan3A_454 : i32 to index
            %get3A_762 = arith.index_cast %add3A_760 : i32 to index
            %get3A_763 = tpu.vector_load %arg7[%get3A_761, %get3A_762] {strides = array<i32>} : memref<16x512xf32, #tpu.memory_space<vmem>>, vector<16xf32>,
            %sub3A_764 = arith.subf %get3A_763, %max3A_563 : vector<16xf32>
            %mul3A_765 = arith.constant 2.000000e+02 : f32
            %mul3A_766 = vector.broadcast %mul3A_765 : f32 to vector<16xf32>
            %mul3A_767 = arith.mulf %sub3A_764, %mul3A_766 : vector<16xf32>
            %exp3A_768 = math.exp %mul3A_767 : vector<16xf32>
            %add3A_769 = arith.addf %while3A_751, %exp3A_768 : vector<16xf32>
            %add3A_770 = arith.constant 16 : i32
            %add3A_771 = arith.addi %mul3A_758, %add3A_770 : i32
            %get3A_772 = arith.index_cast %scan3A_454 : i32 to index
            %get3A_773 = arith.index_cast %add3A_771 : i32 to index
            %get3A_774 = tpu.vector_load %arg7[%get3A_772, %get3A_773] {strides = array<i32>} : memref<16x512xf32, #tpu.memory_space<vmem>>, vector<16xf32>,
            %sub3A_775 = arith.subf %get3A_774, %max3A_563 : vector<16xf32>
            %mul3A_776 = arith.constant 2.000000e+02 : f32
            %mul3A_777 = vector.broadcast %mul3A_776 : f32 to vector<16xf32>
            %mul3A_778 = arith.mulf %sub3A_775, %mul3A_777 : vector<16xf32>
            %exp3A_779 = math.exp %mul3A_778 : vector<16xf32>
            %add3A_780 = arith.addf %while3A_752, %exp3A_779 : vector<16xf32>
            %add3A_781 = arith.constant 32 : i32
            %add3A_782 = arith.addi %mul3A_758, %add3A_781 : i32
            %get3A_783 = arith.index_cast %scan3A_454 : i32 to index
            %get3A_784 = arith.index_cast %add3A_782 : i32 to index
            %get3A_785 = tpu.vector_load %arg7[%get3A_783, %get3A_784] {strides = array<i32>} : memref<16x512xf32, #tpu.memory_space<vmem>>, vector<16xf32>,
            %sub3A_786 = arith.subf %get3A_785, %max3A_563 : vector<16xf32>
            %mul3A_787 = arith.constant 2.000000e+02 : f32
            %mul3A_788 = vector.broadcast %mul3A_787 : f32 to vector<16xf32>
            %mul3A_789 = arith.mulf %sub3A_786, %mul3A_788 : vector<16xf32>
            %exp3A_790 = math.exp %mul3A_789 : vector<16xf32>
            %add3A_791 = arith.addf %while3A_753, %exp3A_790 : vector<16xf32>
            %add3A_792 = arith.constant 48 : i32
            %add3A_793 = arith.addi %mul3A_758, %add3A_792 : i32
            %get3A_794 = arith.index_cast %scan3A_454 : i32 to index
            %get3A_795 = arith.index_cast %add3A_793 : i32 to index
            %get3A_796 = tpu.vector_load %arg7[%get3A_794, %get3A_795] {strides = array<i32>} : memref<16x512xf32, #tpu.memory_space<vmem>>, vector<16xf32>,
            %sub3A_797 = arith.subf %get3A_796, %max3A_563 : vector<16xf32>
            %mul3A_798 = arith.constant 2.000000e+02 : f32
            %mul3A_799 = vector.broadcast %mul3A_798 : f32 to vector<16xf32>
            %mul3A_800 = arith.mulf %sub3A_797, %mul3A_799 : vector<16xf32>
            %exp3A_801 = math.exp %mul3A_800 : vector<16xf32>
            %add3A_802 = arith.addf %while3A_754, %exp3A_801 : vector<16xf32>
            scf.yield %add3A_769, %add3A_780, %add3A_791, %add3A_802 : vector<16xf32>, vector<16xf32>, vector<16xf32>, vector<16xf32>
          }
          %while3A_597 = arith.constant 1 : i32
          %while3A_598:4 = scf.for %while3A_750 = %while3A_594 to %while3A_590 step %while3A_597 iter_args(%while3A_751 = %while3A_596#0, %while3A_752 = %while3A_596#1, %while3A_753 = %while3A_596#2, %while3A_754 = %while3A_596#3) -> (vector<16xf32>, vector<16xf32>, vector<16xf32>, vector<16xf32>)  : i32 {
            %mul3A_755 = arith.constant 4 : i32
            %mul3A_756 = arith.muli %while3A_750, %mul3A_755 : i32
            %mul3A_757 = arith.constant 16 : i32
            %mul3A_758 = arith.muli %mul3A_756, %mul3A_757 : i32
            %add3A_759 = arith.constant 0 : i32
            %add3A_760 = arith.addi %mul3A_758, %add3A_759 : i32
            %get3A_761 = arith.index_cast %scan3A_454 : i32 to index
            %get3A_762 = arith.index_cast %add3A_760 : i32 to index
            %get3A_763 = tpu.vector_load %arg7[%get3A_761, %get3A_762] {strides = array<i32>} : memref<16x512xf32, #tpu.memory_space<vmem>>, vector<16xf32>,
            %sub3A_764 = arith.subf %get3A_763, %max3A_563 : vector<16xf32>
            %mul3A_765 = arith.constant 2.000000e+02 : f32
            %mul3A_766 = vector.broadcast %mul3A_765 : f32 to vector<16xf32>
            %mul3A_767 = arith.mulf %sub3A_764, %mul3A_766 : vector<16xf32>
            %exp3A_768 = math.exp %mul3A_767 : vector<16xf32>
            %add3A_769 = arith.addf %while3A_751, %exp3A_768 : vector<16xf32>
            %add3A_770 = arith.constant 16 : i32
            %add3A_771 = arith.addi %mul3A_758, %add3A_770 : i32
            %get3A_772 = arith.index_cast %scan3A_454 : i32 to index
            %get3A_773 = arith.index_cast %add3A_771 : i32 to index
            %get3A_774 = tpu.vector_load %arg7[%get3A_772, %get3A_773] {strides = array<i32>} : memref<16x512xf32, #tpu.memory_space<vmem>>, vector<16xf32>,
            %sub3A_775 = arith.subf %get3A_774, %max3A_563 : vector<16xf32>
            %mul3A_776 = arith.constant 2.000000e+02 : f32
            %mul3A_777 = vector.broadcast %mul3A_776 : f32 to vector<16xf32>
            %mul3A_778 = arith.mulf %sub3A_775, %mul3A_777 : vector<16xf32>
            %exp3A_779 = math.exp %mul3A_778 : vector<16xf32>
            %add3A_780 = arith.addf %while3A_752, %exp3A_779 : vector<16xf32>
            %add3A_781 = arith.constant 32 : i32
            %add3A_782 = arith.addi %mul3A_758, %add3A_781 : i32
            %get3A_783 = arith.index_cast %scan3A_454 : i32 to index
            %get3A_784 = arith.index_cast %add3A_782 : i32 to index
            %get3A_785 = tpu.vector_load %arg7[%get3A_783, %get3A_784] {strides = array<i32>} : memref<16x512xf32, #tpu.memory_space<vmem>>, vector<16xf32>,
            %sub3A_786 = arith.subf %get3A_785, %max3A_563 : vector<16xf32>
            %mul3A_787 = arith.constant 2.000000e+02 : f32
            %mul3A_788 = vector.broadcast %mul3A_787 : f32 to vector<16xf32>
            %mul3A_789 = arith.mulf %sub3A_786, %mul3A_788 : vector<16xf32>
            %exp3A_790 = math.exp %mul3A_789 : vector<16xf32>
            %add3A_791 = arith.addf %while3A_753, %exp3A_790 : vector<16xf32>
            %add3A_792 = arith.constant 48 : i32
            %add3A_793 = arith.addi %mul3A_758, %add3A_792 : i32
            %get3A_794 = arith.index_cast %scan3A_454 : i32 to index
            %get3A_795 = arith.index_cast %add3A_793 : i32 to index
            %get3A_796 = tpu.vector_load %arg7[%get3A_794, %get3A_795] {strides = array<i32>} : memref<16x512xf32, #tpu.memory_space<vmem>>, vector<16xf32>,
            %sub3A_797 = arith.subf %get3A_796, %max3A_563 : vector<16xf32>
            %mul3A_798 = arith.constant 2.000000e+02 : f32
            %mul3A_799 = vector.broadcast %mul3A_798 : f32 to vector<16xf32>
            %mul3A_800 = arith.mulf %sub3A_797, %mul3A_799 : vector<16xf32>
            %exp3A_801 = math.exp %mul3A_800 : vector<16xf32>
            %add3A_802 = arith.addf %while3A_754, %exp3A_801 : vector<16xf32>
            scf.yield %add3A_769, %add3A_780, %add3A_791, %add3A_802 : vector<16xf32>, vector<16xf32>, vector<16xf32>, vector<16xf32>
          }
          %add3A_599 = arith.addf %while3A_598#0, %while3A_598#1 : vector<16xf32>
          %add3A_600 = arith.addf %add3A_599, %while3A_598#2 : vector<16xf32>
          %add3A_601 = arith.addf %add3A_600, %while3A_598#3 : vector<16xf32>
          %while3A_602 = arith.subi %select_n3A_319, %mul3A_354 : i32
          %while3A_603 = arith.addi %mul3A_354, %while3A_602 : i32
          %while3A_604 = arith.constant 1 : i32
          %while3A_605 = arith.divsi %while3A_602, %while3A_604 : i32
          %while3A_606 = arith.muli %while3A_605, %while3A_604 : i32
          %while3A_607 = arith.addi %mul3A_354, %while3A_606 : i32
          %while3A_608 = arith.constant 1 : i32
          %while3A_609 = scf.for %while3A_750 = %mul3A_354 to %while3A_607 step %while3A_608 iter_args(%while3A_751 = %add3A_601) -> (vector<16xf32>)  : i32 {
            %mul3A_752 = arith.constant 16 : i32
            %mul3A_753 = arith.muli %while3A_750, %mul3A_752 : i32
            %get3A_754 = arith.index_cast %scan3A_454 : i32 to index
            %get3A_755 = arith.index_cast %mul3A_753 : i32 to index
            %get3A_756 = tpu.vector_load %arg7[%get3A_754, %get3A_755] {strides = array<i32>} : memref<16x512xf32, #tpu.memory_space<vmem>>, vector<16xf32>,
            %sub3A_757 = arith.subf %get3A_756, %max3A_563 : vector<16xf32>
            %mul3A_758 = arith.constant 2.000000e+02 : f32
            %mul3A_759 = vector.broadcast %mul3A_758 : f32 to vector<16xf32>
            %mul3A_760 = arith.mulf %sub3A_757, %mul3A_759 : vector<16xf32>
            %exp3A_761 = math.exp %mul3A_760 : vector<16xf32>
            %add3A_762 = arith.addf %while3A_751, %exp3A_761 : vector<16xf32>
            scf.yield %add3A_762 : vector<16xf32>
          }
          %while3A_610 = arith.constant 1 : i32
          %while3A_611 = scf.for %while3A_750 = %while3A_607 to %while3A_603 step %while3A_610 iter_args(%while3A_751 = %while3A_609) -> (vector<16xf32>)  : i32 {
            %mul3A_752 = arith.constant 16 : i32
            %mul3A_753 = arith.muli %while3A_750, %mul3A_752 : i32
            %get3A_754 = arith.index_cast %scan3A_454 : i32 to index
            %get3A_755 = arith.index_cast %mul3A_753 : i32 to index
            %get3A_756 = tpu.vector_load %arg7[%get3A_754, %get3A_755] {strides = array<i32>} : memref<16x512xf32, #tpu.memory_space<vmem>>, vector<16xf32>,
            %sub3A_757 = arith.subf %get3A_756, %max3A_563 : vector<16xf32>
            %mul3A_758 = arith.constant 2.000000e+02 : f32
            %mul3A_759 = vector.broadcast %mul3A_758 : f32 to vector<16xf32>
            %mul3A_760 = arith.mulf %sub3A_757, %mul3A_759 : vector<16xf32>
            %exp3A_761 = math.exp %mul3A_760 : vector<16xf32>
            %add3A_762 = arith.addf %while3A_751, %exp3A_761 : vector<16xf32>
            scf.yield %add3A_762 : vector<16xf32>
          }
          %get3A_612 = arith.index_cast %scan3A_454 : i32 to index
          %get3A_613 = arith.index_cast %mul3A_358 : i32 to index
          %get3A_614 = tpu.vector_load %arg7[%get3A_612, %get3A_613] {strides = array<i32>} : memref<16x512xf32, #tpu.memory_space<vmem>>, vector<16xf32>,
          %sub3A_615 = arith.subf %get3A_614, %max3A_563 : vector<16xf32>
          %mul3A_616 = arith.constant 2.000000e+02 : f32
          %mul3A_617 = vector.broadcast %mul3A_616 : f32 to vector<16xf32>
          %mul3A_618 = arith.mulf %sub3A_615, %mul3A_617 : vector<16xf32>
          %exp3A = math.exp %mul3A_618 : vector<16xf32>
          %mul3A_619 = arith.constant 16 : i32
          %mul3A_620 = arith.muli %select_n3A_319, %mul3A_619 : i32
          %ge3A = vector.broadcast %mul3A_620 : i32 to vector<16xi32>
          %ge3A_621 = arith.cmpi sge, %add3A_360, %ge3A : vector<16xi32>
          %lt3A_622 = vector.broadcast %squeeze3A_287 : i32 to vector<16xi32>
          %lt3A_623 = arith.cmpi slt, %add3A_360, %lt3A_622 : vector<16xi32>
          %and3A_624 = arith.andi %ge3A_621, %lt3A_623 : vector<16xi1>
          %select_n3A_625 = arith.select %and3A_624, %exp3A, %broadcast_in_dim3A_1 : vector<16xi1>, vector<16xf32>
          %add3A_626 = arith.addf %while3A_611, %select_n3A_625 : vector<16xf32>
          %xor3A_627 = arith.constant 8 : i32
          %xor3A_628 = vector.broadcast %xor3A_627 : i32 to vector<16xi32>
          %xor3A_629 = arith.xori %iota3A, %xor3A_628 : vector<16xi32>
          %lt3A_630 = arith.constant 0 : i32
          %lt3A_631 = vector.broadcast %lt3A_630 : i32 to vector<16xi32>
          %lt3A_632 = arith.cmpi slt, %xor3A_629, %lt3A_631 : vector<16xi32>
          %add3A_633 = arith.constant 16 : i32
          %add3A_634 = vector.broadcast %add3A_633 : i32 to vector<16xi32>
          %add3A_635 = arith.addi %xor3A_629, %add3A_634 : vector<16xi32>
          %select_n3A_636 = arith.select %lt3A_632, %add3A_635, %xor3A_629 : vector<16xi1>, vector<16xi32>
          %broadcast_in_dim3A_637 = vector.shape_cast %select_n3A_636 : vector<16xi32> to vector<16x1xi32>
          %gather3A_638 = vector.shape_cast %broadcast_in_dim3A_637 : vector<16x1xi32> to vector<16xi32>
          %gather3A_639 = tpu.dynamic_gather %add3A_626[%gather3A_638] in [0] : vector<16xf32>, vector<16xi32> -> vector<16xf32>
          %add3A_640 = arith.addf %add3A_626, %gather3A_639 : vector<16xf32>
          %xor3A_641 = arith.constant 4 : i32
          %xor3A_642 = vector.broadcast %xor3A_641 : i32 to vector<16xi32>
          %xor3A_643 = arith.xori %iota3A, %xor3A_642 : vector<16xi32>
          %lt3A_644 = arith.constant 0 : i32
          %lt3A_645 = vector.broadcast %lt3A_644 : i32 to vector<16xi32>
          %lt3A_646 = arith.cmpi slt, %xor3A_643, %lt3A_645 : vector<16xi32>
          %add3A_647 = arith.constant 16 : i32
          %add3A_648 = vector.broadcast %add3A_647 : i32 to vector<16xi32>
          %add3A_649 = arith.addi %xor3A_643, %add3A_648 : vector<16xi32>
          %select_n3A_650 = arith.select %lt3A_646, %add3A_649, %xor3A_643 : vector<16xi1>, vector<16xi32>
          %broadcast_in_dim3A_651 = vector.shape_cast %select_n3A_650 : vector<16xi32> to vector<16x1xi32>
          %gather3A_652 = vector.shape_cast %broadcast_in_dim3A_651 : vector<16x1xi32> to vector<16xi32>
          %gather3A_653 = tpu.dynamic_gather %add3A_640[%gather3A_652] in [0] : vector<16xf32>, vector<16xi32> -> vector<16xf32>
          %add3A_654 = arith.addf %add3A_640, %gather3A_653 : vector<16xf32>
          %xor3A_655 = arith.constant 2 : i32
          %xor3A_656 = vector.broadcast %xor3A_655 : i32 to vector<16xi32>
          %xor3A_657 = arith.xori %iota3A, %xor3A_656 : vector<16xi32>
          %lt3A_658 = arith.constant 0 : i32
          %lt3A_659 = vector.broadcast %lt3A_658 : i32 to vector<16xi32>
          %lt3A_660 = arith.cmpi slt, %xor3A_657, %lt3A_659 : vector<16xi32>
          %add3A_661 = arith.constant 16 : i32
          %add3A_662 = vector.broadcast %add3A_661 : i32 to vector<16xi32>
          %add3A_663 = arith.addi %xor3A_657, %add3A_662 : vector<16xi32>
          %select_n3A_664 = arith.select %lt3A_660, %add3A_663, %xor3A_657 : vector<16xi1>, vector<16xi32>
          %broadcast_in_dim3A_665 = vector.shape_cast %select_n3A_664 : vector<16xi32> to vector<16x1xi32>
          %gather3A_666 = vector.shape_cast %broadcast_in_dim3A_665 : vector<16x1xi32> to vector<16xi32>
          %gather3A_667 = tpu.dynamic_gather %add3A_654[%gather3A_666] in [0] : vector<16xf32>, vector<16xi32> -> vector<16xf32>
          %add3A_668 = arith.addf %add3A_654, %gather3A_667 : vector<16xf32>
          %xor3A_669 = arith.constant 1 : i32
          %xor3A_670 = vector.broadcast %xor3A_669 : i32 to vector<16xi32>
          %xor3A_671 = arith.xori %iota3A, %xor3A_670 : vector<16xi32>
          %lt3A_672 = arith.constant 0 : i32
          %lt3A_673 = vector.broadcast %lt3A_672 : i32 to vector<16xi32>
          %lt3A_674 = arith.cmpi slt, %xor3A_671, %lt3A_673 : vector<16xi32>
          %add3A_675 = arith.constant 16 : i32
          %add3A_676 = vector.broadcast %add3A_675 : i32 to vector<16xi32>
          %add3A_677 = arith.addi %xor3A_671, %add3A_676 : vector<16xi32>
          %select_n3A_678 = arith.select %lt3A_674, %add3A_677, %xor3A_671 : vector<16xi1>, vector<16xi32>
          %broadcast_in_dim3A_679 = vector.shape_cast %select_n3A_678 : vector<16xi32> to vector<16x1xi32>
          %gather3A_680 = vector.shape_cast %broadcast_in_dim3A_679 : vector<16x1xi32> to vector<16xi32>
          %gather3A_681 = tpu.dynamic_gather %add3A_668[%gather3A_680] in [0] : vector<16xf32>, vector<16xi32> -> vector<16xf32>
          %add3A_682 = arith.addf %add3A_668, %gather3A_681 : vector<16xf32>
          %add3A_683 = arith.addi %mul3A_294, %scan3A_454 : i32
          %add3A_684 = vector.broadcast %add3A_683 : i32 to vector<16xi32>
          %add3A_685 = arith.addi %add3A_684, %broadcast_in_dim3A_3 : vector<16xi32>
          %lt3A_686 = vector.broadcast %squeeze3A_275 : i32 to vector<16xi32>
          %lt3A_687 = arith.cmpi slt, %add3A_685, %lt3A_686 : vector<16xi32>
          %div3A_688 = arith.constant 1.000000e+00 : f32
          %div3A_689 = vector.broadcast %div3A_688 : f32 to vector<16xf32>
          %div3A_690 = arith.divf %div3A_689, %add3A_682 : vector<16xf32>
          %select_n3A_691 = arith.select %lt3A_687, %div3A_690, %broadcast_in_dim3A_1 : vector<16xi1>, vector<16xf32>
          %jit3A_692 = arith.constant 4 : i32
          %div3A_693 = arith.divsi %select_n3A_319, %jit3A_692 : i32
          %sign3A_694 = arith.constant 0 : i32
          %sign3A_695 = arith.cmpi sgt, %select_n3A_319, %sign3A_694 : i32
          %sign3A_696 = arith.extui %sign3A_695 : i1 to i32
          %sign3A_697 = arith.constant 0 : i32
          %sign3A_698 = arith.cmpi slt, %select_n3A_319, %sign3A_697 : i32
          %sign3A_699 = arith.extui %sign3A_698 : i1 to i32
          %sign3A_700 = arith.subi %sign3A_696, %sign3A_699 : i32
          %sign3A_701 = arith.constant 0 : i32
          %sign3A_702 = arith.cmpi sgt, %jit3A_692, %sign3A_701 : i32
          %sign3A_703 = arith.extui %sign3A_702 : i1 to i32
          %sign3A_704 = arith.constant 0 : i32
          %sign3A_705 = arith.cmpi slt, %jit3A_692, %sign3A_704 : i32
          %sign3A_706 = arith.extui %sign3A_705 : i1 to i32
          %sign3A_707 = arith.subi %sign3A_703, %sign3A_706 : i32
          %ne3A_708 = arith.cmpi ne, %sign3A_700, %sign3A_707 : i32
          %rem3A_709 = arith.remsi %select_n3A_319, %jit3A_692 : i32
          %ne3A_710 = arith.constant 0 : i32
          %ne3A_711 = arith.cmpi ne, %rem3A_709, %ne3A_710 : i32
          %and3A_712 = arith.andi %ne3A_708, %ne3A_711 : i1
          %sub3A_713 = arith.constant 1 : i32
          %sub3A_714 = arith.subi %div3A_693, %sub3A_713 : i32
          %select_n3A_715 = arith.select %and3A_712, %sub3A_714, %div3A_693 : i32
          %while3A_716 = arith.constant 0 : i32
          %while3A_717 = arith.constant 0 : i32
          %while3A_718 = arith.subi %select_n3A_715, %while3A_717 : i32
          %while3A_719 = arith.addi %while3A_717, %while3A_718 : i32
          %while3A_720 = arith.constant 1 : i32
          %while3A_721 = arith.divsi %while3A_718, %while3A_720 : i32
          %while3A_722 = arith.muli %while3A_721, %while3A_720 : i32
          %while3A_723 = arith.addi %while3A_717, %while3A_722 : i32
          %while3A_724 = arith.constant 1 : i32
          scf.for %while3A_750 = %while3A_717 to %while3A_723 step %while3A_724  : i32 {
            %mul3A_751 = arith.constant 4 : i32
            %mul3A_752 = arith.muli %while3A_750, %mul3A_751 : i32
            %mul3A_753 = arith.constant 16 : i32
            %mul3A_754 = arith.muli %mul3A_752, %mul3A_753 : i32
            %add3A_755 = arith.constant 0 : i32
            %add3A_756 = arith.addi %mul3A_754, %add3A_755 : i32
            %get3A_757 = arith.index_cast %scan3A_454 : i32 to index
            %get3A_758 = arith.index_cast %add3A_756 : i32 to index
            %get3A_759 = tpu.vector_load %arg7[%get3A_757, %get3A_758] {strides = array<i32>} : memref<16x512xf32, #tpu.memory_space<vmem>>, vector<16xf32>,
            %sub3A_760 = arith.subf %get3A_759, %max3A_563 : vector<16xf32>
            %mul3A_761 = arith.constant 2.000000e+02 : f32
            %mul3A_762 = vector.broadcast %mul3A_761 : f32 to vector<16xf32>
            %mul3A_763 = arith.mulf %sub3A_760, %mul3A_762 : vector<16xf32>
            %exp3A_764 = math.exp %mul3A_763 : vector<16xf32>
            %mul3A_765 = arith.mulf %exp3A_764, %select_n3A_691 : vector<16xf32>
            %add3A_766 = arith.constant 0 : i32
            %add3A_767 = arith.addi %mul3A_754, %add3A_766 : i32
            %swap3A = arith.index_cast %scan3A_454 : i32 to index
            %swap3A_768 = arith.index_cast %add3A_767 : i32 to index
            %swap3A_769 = tpu.vector_load %arg9[%swap3A, %swap3A_768] {strides = array<i32>} : memref<16x512xf32, #tpu.memory_space<vmem>>, vector<16xf32>,
            tpu.vector_store %arg9[%swap3A, %swap3A_768], %mul3A_765 {strides = array<i32>} : memref<16x512xf32, #tpu.memory_space<vmem>>, vector<16xf32>,
            %add3A_770 = arith.constant 16 : i32
            %add3A_771 = arith.addi %mul3A_754, %add3A_770 : i32
            %get3A_772 = arith.index_cast %scan3A_454 : i32 to index
            %get3A_773 = arith.index_cast %add3A_771 : i32 to index
            %get3A_774 = tpu.vector_load %arg7[%get3A_772, %get3A_773] {strides = array<i32>} : memref<16x512xf32, #tpu.memory_space<vmem>>, vector<16xf32>,
            %sub3A_775 = arith.subf %get3A_774, %max3A_563 : vector<16xf32>
            %mul3A_776 = arith.constant 2.000000e+02 : f32
            %mul3A_777 = vector.broadcast %mul3A_776 : f32 to vector<16xf32>
            %mul3A_778 = arith.mulf %sub3A_775, %mul3A_777 : vector<16xf32>
            %exp3A_779 = math.exp %mul3A_778 : vector<16xf32>
            %mul3A_780 = arith.mulf %exp3A_779, %select_n3A_691 : vector<16xf32>
            %add3A_781 = arith.constant 16 : i32
            %add3A_782 = arith.addi %mul3A_754, %add3A_781 : i32
            %swap3A_783 = arith.index_cast %scan3A_454 : i32 to index
            %swap3A_784 = arith.index_cast %add3A_782 : i32 to index
            %swap3A_785 = tpu.vector_load %arg9[%swap3A_783, %swap3A_784] {strides = array<i32>} : memref<16x512xf32, #tpu.memory_space<vmem>>, vector<16xf32>,
            tpu.vector_store %arg9[%swap3A_783, %swap3A_784], %mul3A_780 {strides = array<i32>} : memref<16x512xf32, #tpu.memory_space<vmem>>, vector<16xf32>,
            %add3A_786 = arith.constant 32 : i32
            %add3A_787 = arith.addi %mul3A_754, %add3A_786 : i32
            %get3A_788 = arith.index_cast %scan3A_454 : i32 to index
            %get3A_789 = arith.index_cast %add3A_787 : i32 to index
            %get3A_790 = tpu.vector_load %arg7[%get3A_788, %get3A_789] {strides = array<i32>} : memref<16x512xf32, #tpu.memory_space<vmem>>, vector<16xf32>,
            %sub3A_791 = arith.subf %get3A_790, %max3A_563 : vector<16xf32>
            %mul3A_792 = arith.constant 2.000000e+02 : f32
            %mul3A_793 = vector.broadcast %mul3A_792 : f32 to vector<16xf32>
            %mul3A_794 = arith.mulf %sub3A_791, %mul3A_793 : vector<16xf32>
            %exp3A_795 = math.exp %mul3A_794 : vector<16xf32>
            %mul3A_796 = arith.mulf %exp3A_795, %select_n3A_691 : vector<16xf32>
            %add3A_797 = arith.constant 32 : i32
            %add3A_798 = arith.addi %mul3A_754, %add3A_797 : i32
            %swap3A_799 = arith.index_cast %scan3A_454 : i32 to index
            %swap3A_800 = arith.index_cast %add3A_798 : i32 to index
            %swap3A_801 = tpu.vector_load %arg9[%swap3A_799, %swap3A_800] {strides = array<i32>} : memref<16x512xf32, #tpu.memory_space<vmem>>, vector<16xf32>,
            tpu.vector_store %arg9[%swap3A_799, %swap3A_800], %mul3A_796 {strides = array<i32>} : memref<16x512xf32, #tpu.memory_space<vmem>>, vector<16xf32>,
            %add3A_802 = arith.constant 48 : i32
            %add3A_803 = arith.addi %mul3A_754, %add3A_802 : i32
            %get3A_804 = arith.index_cast %scan3A_454 : i32 to index
            %get3A_805 = arith.index_cast %add3A_803 : i32 to index
            %get3A_806 = tpu.vector_load %arg7[%get3A_804, %get3A_805] {strides = array<i32>} : memref<16x512xf32, #tpu.memory_space<vmem>>, vector<16xf32>,
            %sub3A_807 = arith.subf %get3A_806, %max3A_563 : vector<16xf32>
            %mul3A_808 = arith.constant 2.000000e+02 : f32
            %mul3A_809 = vector.broadcast %mul3A_808 : f32 to vector<16xf32>
            %mul3A_810 = arith.mulf %sub3A_807, %mul3A_809 : vector<16xf32>
            %exp3A_811 = math.exp %mul3A_810 : vector<16xf32>
            %mul3A_812 = arith.mulf %exp3A_811, %select_n3A_691 : vector<16xf32>
            %add3A_813 = arith.constant 48 : i32
            %add3A_814 = arith.addi %mul3A_754, %add3A_813 : i32
            %swap3A_815 = arith.index_cast %scan3A_454 : i32 to index
            %swap3A_816 = arith.index_cast %add3A_814 : i32 to index
            %swap3A_817 = tpu.vector_load %arg9[%swap3A_815, %swap3A_816] {strides = array<i32>} : memref<16x512xf32, #tpu.memory_space<vmem>>, vector<16xf32>,
            tpu.vector_store %arg9[%swap3A_815, %swap3A_816], %mul3A_812 {strides = array<i32>} : memref<16x512xf32, #tpu.memory_space<vmem>>, vector<16xf32>,
          }
          %while3A_725 = arith.constant 1 : i32
          scf.for %while3A_750 = %while3A_723 to %while3A_719 step %while3A_725  : i32 {
            %mul3A_751 = arith.constant 4 : i32
            %mul3A_752 = arith.muli %while3A_750, %mul3A_751 : i32
            %mul3A_753 = arith.constant 16 : i32
            %mul3A_754 = arith.muli %mul3A_752, %mul3A_753 : i32
            %add3A_755 = arith.constant 0 : i32
            %add3A_756 = arith.addi %mul3A_754, %add3A_755 : i32
            %get3A_757 = arith.index_cast %scan3A_454 : i32 to index
            %get3A_758 = arith.index_cast %add3A_756 : i32 to index
            %get3A_759 = tpu.vector_load %arg7[%get3A_757, %get3A_758] {strides = array<i32>} : memref<16x512xf32, #tpu.memory_space<vmem>>, vector<16xf32>,
            %sub3A_760 = arith.subf %get3A_759, %max3A_563 : vector<16xf32>
            %mul3A_761 = arith.constant 2.000000e+02 : f32
            %mul3A_762 = vector.broadcast %mul3A_761 : f32 to vector<16xf32>
            %mul3A_763 = arith.mulf %sub3A_760, %mul3A_762 : vector<16xf32>
            %exp3A_764 = math.exp %mul3A_763 : vector<16xf32>
            %mul3A_765 = arith.mulf %exp3A_764, %select_n3A_691 : vector<16xf32>
            %add3A_766 = arith.constant 0 : i32
            %add3A_767 = arith.addi %mul3A_754, %add3A_766 : i32
            %swap3A = arith.index_cast %scan3A_454 : i32 to index
            %swap3A_768 = arith.index_cast %add3A_767 : i32 to index
            %swap3A_769 = tpu.vector_load %arg9[%swap3A, %swap3A_768] {strides = array<i32>} : memref<16x512xf32, #tpu.memory_space<vmem>>, vector<16xf32>,
            tpu.vector_store %arg9[%swap3A, %swap3A_768], %mul3A_765 {strides = array<i32>} : memref<16x512xf32, #tpu.memory_space<vmem>>, vector<16xf32>,
            %add3A_770 = arith.constant 16 : i32
            %add3A_771 = arith.addi %mul3A_754, %add3A_770 : i32
            %get3A_772 = arith.index_cast %scan3A_454 : i32 to index
            %get3A_773 = arith.index_cast %add3A_771 : i32 to index
            %get3A_774 = tpu.vector_load %arg7[%get3A_772, %get3A_773] {strides = array<i32>} : memref<16x512xf32, #tpu.memory_space<vmem>>, vector<16xf32>,
            %sub3A_775 = arith.subf %get3A_774, %max3A_563 : vector<16xf32>
            %mul3A_776 = arith.constant 2.000000e+02 : f32
            %mul3A_777 = vector.broadcast %mul3A_776 : f32 to vector<16xf32>
            %mul3A_778 = arith.mulf %sub3A_775, %mul3A_777 : vector<16xf32>
            %exp3A_779 = math.exp %mul3A_778 : vector<16xf32>
            %mul3A_780 = arith.mulf %exp3A_779, %select_n3A_691 : vector<16xf32>
            %add3A_781 = arith.constant 16 : i32
            %add3A_782 = arith.addi %mul3A_754, %add3A_781 : i32
            %swap3A_783 = arith.index_cast %scan3A_454 : i32 to index
            %swap3A_784 = arith.index_cast %add3A_782 : i32 to index
            %swap3A_785 = tpu.vector_load %arg9[%swap3A_783, %swap3A_784] {strides = array<i32>} : memref<16x512xf32, #tpu.memory_space<vmem>>, vector<16xf32>,
            tpu.vector_store %arg9[%swap3A_783, %swap3A_784], %mul3A_780 {strides = array<i32>} : memref<16x512xf32, #tpu.memory_space<vmem>>, vector<16xf32>,
            %add3A_786 = arith.constant 32 : i32
            %add3A_787 = arith.addi %mul3A_754, %add3A_786 : i32
            %get3A_788 = arith.index_cast %scan3A_454 : i32 to index
            %get3A_789 = arith.index_cast %add3A_787 : i32 to index
            %get3A_790 = tpu.vector_load %arg7[%get3A_788, %get3A_789] {strides = array<i32>} : memref<16x512xf32, #tpu.memory_space<vmem>>, vector<16xf32>,
            %sub3A_791 = arith.subf %get3A_790, %max3A_563 : vector<16xf32>
            %mul3A_792 = arith.constant 2.000000e+02 : f32
            %mul3A_793 = vector.broadcast %mul3A_792 : f32 to vector<16xf32>
            %mul3A_794 = arith.mulf %sub3A_791, %mul3A_793 : vector<16xf32>
            %exp3A_795 = math.exp %mul3A_794 : vector<16xf32>
            %mul3A_796 = arith.mulf %exp3A_795, %select_n3A_691 : vector<16xf32>
            %add3A_797 = arith.constant 32 : i32
            %add3A_798 = arith.addi %mul3A_754, %add3A_797 : i32
            %swap3A_799 = arith.index_cast %scan3A_454 : i32 to index
            %swap3A_800 = arith.index_cast %add3A_798 : i32 to index
            %swap3A_801 = tpu.vector_load %arg9[%swap3A_799, %swap3A_800] {strides = array<i32>} : memref<16x512xf32, #tpu.memory_space<vmem>>, vector<16xf32>,
            tpu.vector_store %arg9[%swap3A_799, %swap3A_800], %mul3A_796 {strides = array<i32>} : memref<16x512xf32, #tpu.memory_space<vmem>>, vector<16xf32>,
            %add3A_802 = arith.constant 48 : i32
            %add3A_803 = arith.addi %mul3A_754, %add3A_802 : i32
            %get3A_804 = arith.index_cast %scan3A_454 : i32 to index
            %get3A_805 = arith.index_cast %add3A_803 : i32 to index
            %get3A_806 = tpu.vector_load %arg7[%get3A_804, %get3A_805] {strides = array<i32>} : memref<16x512xf32, #tpu.memory_space<vmem>>, vector<16xf32>,
            %sub3A_807 = arith.subf %get3A_806, %max3A_563 : vector<16xf32>
            %mul3A_808 = arith.constant 2.000000e+02 : f32
            %mul3A_809 = vector.broadcast %mul3A_808 : f32 to vector<16xf32>
            %mul3A_810 = arith.mulf %sub3A_807, %mul3A_809 : vector<16xf32>
            %exp3A_811 = math.exp %mul3A_810 : vector<16xf32>
            %mul3A_812 = arith.mulf %exp3A_811, %select_n3A_691 : vector<16xf32>
            %add3A_813 = arith.constant 48 : i32
            %add3A_814 = arith.addi %mul3A_754, %add3A_813 : i32
            %swap3A_815 = arith.index_cast %scan3A_454 : i32 to index
            %swap3A_816 = arith.index_cast %add3A_814 : i32 to index
            %swap3A_817 = tpu.vector_load %arg9[%swap3A_815, %swap3A_816] {strides = array<i32>} : memref<16x512xf32, #tpu.memory_space<vmem>>, vector<16xf32>,
            tpu.vector_store %arg9[%swap3A_815, %swap3A_816], %mul3A_812 {strides = array<i32>} : memref<16x512xf32, #tpu.memory_space<vmem>>, vector<16xf32>,
          }
          %while3A_726 = arith.constant 0 : i32
          %while3A_727 = arith.subi %select_n3A_319, %mul3A_354 : i32
          %while3A_728 = arith.addi %mul3A_354, %while3A_727 : i32
          %while3A_729 = arith.constant 1 : i32
          %while3A_730 = arith.divsi %while3A_727, %while3A_729 : i32
          %while3A_731 = arith.muli %while3A_730, %while3A_729 : i32
          %while3A_732 = arith.addi %mul3A_354, %while3A_731 : i32
          %while3A_733 = arith.constant 1 : i32
          scf.for %while3A_750 = %mul3A_354 to %while3A_732 step %while3A_733  : i32 {
            %mul3A_751 = arith.constant 16 : i32
            %mul3A_752 = arith.muli %while3A_750, %mul3A_751 : i32
            %get3A_753 = arith.index_cast %scan3A_454 : i32 to index
            %get3A_754 = arith.index_cast %mul3A_752 : i32 to index
            %get3A_755 = tpu.vector_load %arg7[%get3A_753, %get3A_754] {strides = array<i32>} : memref<16x512xf32, #tpu.memory_space<vmem>>, vector<16xf32>,
            %sub3A_756 = arith.subf %get3A_755, %max3A_563 : vector<16xf32>
            %mul3A_757 = arith.constant 2.000000e+02 : f32
            %mul3A_758 = vector.broadcast %mul3A_757 : f32 to vector<16xf32>
            %mul3A_759 = arith.mulf %sub3A_756, %mul3A_758 : vector<16xf32>
            %exp3A_760 = math.exp %mul3A_759 : vector<16xf32>
            %mul3A_761 = arith.mulf %exp3A_760, %select_n3A_691 : vector<16xf32>
            %mul3A_762 = arith.constant 16 : i32
            %mul3A_763 = arith.muli %while3A_750, %mul3A_762 : i32
            %swap3A = arith.index_cast %scan3A_454 : i32 to index
            %swap3A_764 = arith.index_cast %mul3A_763 : i32 to index
            %swap3A_765 = tpu.vector_load %arg9[%swap3A, %swap3A_764] {strides = array<i32>} : memref<16x512xf32, #tpu.memory_space<vmem>>, vector<16xf32>,
            tpu.vector_store %arg9[%swap3A, %swap3A_764], %mul3A_761 {strides = array<i32>} : memref<16x512xf32, #tpu.memory_space<vmem>>, vector<16xf32>,
          }
          %while3A_734 = arith.constant 1 : i32
          scf.for %while3A_750 = %while3A_732 to %while3A_728 step %while3A_734  : i32 {
            %mul3A_751 = arith.constant 16 : i32
            %mul3A_752 = arith.muli %while3A_750, %mul3A_751 : i32
            %get3A_753 = arith.index_cast %scan3A_454 : i32 to index
            %get3A_754 = arith.index_cast %mul3A_752 : i32 to index
            %get3A_755 = tpu.vector_load %arg7[%get3A_753, %get3A_754] {strides = array<i32>} : memref<16x512xf32, #tpu.memory_space<vmem>>, vector<16xf32>,
            %sub3A_756 = arith.subf %get3A_755, %max3A_563 : vector<16xf32>
            %mul3A_757 = arith.constant 2.000000e+02 : f32
            %mul3A_758 = vector.broadcast %mul3A_757 : f32 to vector<16xf32>
            %mul3A_759 = arith.mulf %sub3A_756, %mul3A_758 : vector<16xf32>
            %exp3A_760 = math.exp %mul3A_759 : vector<16xf32>
            %mul3A_761 = arith.mulf %exp3A_760, %select_n3A_691 : vector<16xf32>
            %mul3A_762 = arith.constant 16 : i32
            %mul3A_763 = arith.muli %while3A_750, %mul3A_762 : i32
            %swap3A = arith.index_cast %scan3A_454 : i32 to index
            %swap3A_764 = arith.index_cast %mul3A_763 : i32 to index
            %swap3A_765 = tpu.vector_load %arg9[%swap3A, %swap3A_764] {strides = array<i32>} : memref<16x512xf32, #tpu.memory_space<vmem>>, vector<16xf32>,
            tpu.vector_store %arg9[%swap3A, %swap3A_764], %mul3A_761 {strides = array<i32>} : memref<16x512xf32, #tpu.memory_space<vmem>>, vector<16xf32>,
          }
          %gt3A_735 = arith.constant 0 : i32
          %gt3A_736 = arith.cmpi sgt, %sub3A_322, %gt3A_735 : i32
          %convert_element_type3A_737 = arith.extui %gt3A_736 : i1 to i32
          %cond3A_738 = arith.constant 0 : i32
          %cond3A_739 = arith.cmpi ne, %convert_element_type3A_737, %cond3A_738 : i32
          scf.if %cond3A_739 {
            %lt3A_750 = vector.broadcast %squeeze3A_287 : i32 to vector<16xi32>
            %lt3A_751 = arith.cmpi slt, %add3A_360, %lt3A_750 : vector<16xi32>
            %mul3A_752 = arith.mulf %exp3A, %select_n3A_691 : vector<16xf32>
            %select_n3A_753 = arith.select %lt3A_751, %mul3A_752, %broadcast_in_dim3A_1 : vector<16xi1>, vector<16xf32>
            %swap3A = arith.index_cast %scan3A_454 : i32 to index
            %swap3A_754 = arith.index_cast %mul3A_358 : i32 to index
            %swap3A_755 = tpu.vector_load %arg9[%swap3A, %swap3A_754] {strides = array<i32>} : memref<16x512xf32, #tpu.memory_space<vmem>>, vector<16xf32>,
            tpu.vector_store %arg9[%swap3A, %swap3A_754], %select_n3A_753 {strides = array<i32>} : memref<16x512xf32, #tpu.memory_space<vmem>>, vector<16xf32>,
          } else {
          }
          %while3A_740 = arith.constant 0 : i32
          %while3A_741 = arith.constant 32 : i32
          %while3A_742 = arith.subi %while3A_741, %add3A_328 : i32
          %while3A_743 = arith.addi %add3A_328, %while3A_742 : i32
          %while3A_744 = arith.constant 1 : i32
          %while3A_745 = arith.divsi %while3A_742, %while3A_744 : i32
          %while3A_746 = arith.muli %while3A_745, %while3A_744 : i32
          %while3A_747 = arith.addi %add3A_328, %while3A_746 : i32
          %while3A_748 = arith.constant 1 : i32
          scf.for %while3A_750 = %add3A_328 to %while3A_747 step %while3A_748  : i32 {
            %mul3A_751 = arith.constant 16 : i32
            %mul3A_752 = arith.muli %while3A_750, %mul3A_751 : i32
            %swap3A = arith.index_cast %scan3A_454 : i32 to index
            %swap3A_753 = arith.index_cast %mul3A_752 : i32 to index
            %swap3A_754 = tpu.vector_load %arg9[%swap3A, %swap3A_753] {strides = array<i32>} : memref<16x512xf32, #tpu.memory_space<vmem>>, vector<16xf32>,
            tpu.vector_store %arg9[%swap3A, %swap3A_753], %broadcast_in_dim3A_1 {strides = array<i32>} : memref<16x512xf32, #tpu.memory_space<vmem>>, vector<16xf32>,
          }
          %while3A_749 = arith.constant 1 : i32
          scf.for %while3A_750 = %while3A_747 to %while3A_743 step %while3A_749  : i32 {
            %mul3A_751 = arith.constant 16 : i32
            %mul3A_752 = arith.muli %while3A_750, %mul3A_751 : i32
            %swap3A = arith.index_cast %scan3A_454 : i32 to index
            %swap3A_753 = arith.index_cast %mul3A_752 : i32 to index
            %swap3A_754 = tpu.vector_load %arg9[%swap3A, %swap3A_753] {strides = array<i32>} : memref<16x512xf32, #tpu.memory_space<vmem>>, vector<16xf32>,
            tpu.vector_store %arg9[%swap3A, %swap3A_753], %broadcast_in_dim3A_1 {strides = array<i32>} : memref<16x512xf32, #tpu.memory_space<vmem>>, vector<16xf32>,
          }
        }
        %scan3A_441 = arith.constant 16 : i32
        %mul3A_442 = arith.constant 2 : i32
        %mul3A_443 = arith.muli %mul3A_442, %add3A_262 : i32
        %add3A_444 = arith.addi %add3A, %mul3A_443 : i32
        %rem3A_445 = arith.constant 32 : i32
        %rem3A_446 = arith.remsi %add3A_444, %rem3A_445 : i32
        %mul3A_447 = arith.constant 16 : i32
        %mul3A_448 = arith.muli %rem3A_446, %mul3A_447 : i32
        %dma_start3A = arith.constant 0 : i32
        %dma_start3A_449 = tpu.memref_slice %arg5[%add3A_262, %mul3A_448, %dma_start3A] : memref<16x512x512xf32, #tpu.memory_space<hbm>> -> memref<1x16x512xf32, #tpu.memory_space<hbm>>
        %dma_start3A_450 = tpu.memref_squeeze %dma_start3A_449 : memref<1x16x512xf32, #tpu.memory_space<hbm>> -> memref<16x512xf32, #tpu.memory_space<hbm>>
        %dma_start3A_451 = arith.constant 0 : i32
        %dma_start3A_452 = tpu.memref_slice %arg5[%add3A_262, %mul3A_448, %dma_start3A_451] : memref<16x512x512xf32, #tpu.memory_space<hbm>> -> memref<1x16x512xf32, #tpu.memory_space<hbm>>
        %dma_start3A_453 = tpu.memref_squeeze %dma_start3A_452 : memref<1x16x512xf32, #tpu.memory_space<hbm>> -> memref<16x512xf32, #tpu.memory_space<hbm>>
        tpu.enqueue_dma source(%arg9 : memref<16x512xf32, #tpu.memory_space<vmem>>) target(%dma_start3A_453 : memref<16x512xf32, #tpu.memory_space<hbm>>) target_semaphore(%arg16 : memref<!tpu.dma_semaphore, #tpu.memory_space<semaphore_mem>>)
      } else {
      }
      %not3A_364 = arith.constant true
      %not3A_365 = arith.xori %lt3A_295, %not3A_364 : i1
      %convert_element_type3A_366 = arith.extui %not3A_365 : i1 to i32
      %cond3A_367 = arith.constant 0 : i32
      %cond3A_368 = arith.cmpi ne, %convert_element_type3A_366, %cond3A_367 : i32
      scf.if %cond3A_368 {
        %dma_start3A = arith.constant 0 : i32
        %dma_start3A_419 = tpu.memref_slice %arg5[%add3A_262, %mul3A_294, %dma_start3A] : memref<16x512x512xf32, #tpu.memory_space<hbm>> -> memref<1x16x512xf32, #tpu.memory_space<hbm>>
        %dma_start3A_420 = tpu.memref_squeeze %dma_start3A_419 : memref<1x16x512xf32, #tpu.memory_space<hbm>> -> memref<16x512xf32, #tpu.memory_space<hbm>>
        %dma_start3A_421 = arith.constant 0 : i32
        %dma_start3A_422 = tpu.memref_slice %arg5[%add3A_262, %mul3A_294, %dma_start3A_421] : memref<16x512x512xf32, #tpu.memory_space<hbm>> -> memref<1x16x512xf32, #tpu.memory_space<hbm>>
        %dma_start3A_423 = tpu.memref_squeeze %dma_start3A_422 : memref<1x16x512xf32, #tpu.memory_space<hbm>> -> memref<16x512xf32, #tpu.memory_space<hbm>>
        tpu.enqueue_dma source(%arg10 : memref<16x512xf32, #tpu.memory_space<vmem>>) target(%dma_start3A_423 : memref<16x512xf32, #tpu.memory_space<hbm>>) target_semaphore(%arg17 : memref<!tpu.dma_semaphore, #tpu.memory_space<semaphore_mem>>)
      } else {
      }
      %add3A_369 = arith.constant 2 : i32
      %add3A_370 = arith.addi %add3A_262, %add3A_369 : i32
      %min3A_371 = arith.constant 15 : i32
      %min3A_372 = arith.minsi %add3A_370, %min3A_371 : i32
      %add3A_373 = arith.constant 2 : i32
      %add3A_374 = arith.addi %add3A_262, %add3A_373 : i32
      %lt3A_375 = arith.constant 16 : i32
      %lt3A_376 = arith.cmpi slt, %add3A_374, %lt3A_375 : i32
      %broadcast_in_dim3A_377 = vector.broadcast %min3A_372 : i32 to vector<16xi32>
      %lt3A_378 = arith.constant 0 : i32
      %lt3A_379 = vector.broadcast %lt3A_378 : i32 to vector<16xi32>
      %lt3A_380 = arith.cmpi slt, %broadcast_in_dim3A_377, %lt3A_379 : vector<16xi32>
      %add3A_381 = arith.constant 16 : i32
      %add3A_382 = vector.broadcast %add3A_381 : i32 to vector<16xi32>
      %add3A_383 = arith.addi %broadcast_in_dim3A_377, %add3A_382 : vector<16xi32>
      %select_n3A_384 = arith.select %lt3A_380, %add3A_383, %broadcast_in_dim3A_377 : vector<16xi1>, vector<16xi32>
      %broadcast_in_dim3A_385 = vector.shape_cast %select_n3A_384 : vector<16xi32> to vector<16x1xi32>
      %gather3A_386 = vector.shape_cast %broadcast_in_dim3A_385 : vector<16x1xi32> to vector<16xi32>
      %gather3A_387 = tpu.dynamic_gather %get3A_11[%gather3A_386] in [0] : vector<16xi32>, vector<16xi32> -> vector<16xi32>
      %slice3A_388 = vector.extract_strided_slice %gather3A_387 {offsets = [0], sizes = [1], strides = [1]} : vector<16xi32> to vector<1xi32>
      %squeeze3A_389 = vector.extract %slice3A_388[0] : i32 from vector<1xi32>
      %lt3A_390 = arith.constant 0 : i32
      %lt3A_391 = vector.broadcast %lt3A_390 : i32 to vector<16xi32>
      %lt3A_392 = arith.cmpi slt, %broadcast_in_dim3A_377, %lt3A_391 : vector<16xi32>
      %add3A_393 = arith.constant 16 : i32
      %add3A_394 = vector.broadcast %add3A_393 : i32 to vector<16xi32>
      %add3A_395 = arith.addi %broadcast_in_dim3A_377, %add3A_394 : vector<16xi32>
      %select_n3A_396 = arith.select %lt3A_392, %add3A_395, %broadcast_in_dim3A_377 : vector<16xi1>, vector<16xi32>
      %broadcast_in_dim3A_397 = vector.shape_cast %select_n3A_396 : vector<16xi32> to vector<16x1xi32>
      %gather3A_398 = vector.shape_cast %broadcast_in_dim3A_397 : vector<16x1xi32> to vector<16xi32>
      %gather3A_399 = tpu.dynamic_gather %get3A_13[%gather3A_398] in [0] : vector<16xi32>, vector<16xi32> -> vector<16xi32>
      %slice3A_400 = vector.extract_strided_slice %gather3A_399 {offsets = [0], sizes = [1], strides = [1]} : vector<16xi32> to vector<1xi32>
      %squeeze3A_401 = vector.extract %slice3A_400[0] : i32 from vector<1xi32>
      %mul3A_402 = arith.constant 2 : i32
      %mul3A_403 = arith.muli %mul3A_402, %min3A_372 : i32
      %add3A_404 = arith.addi %add3A, %mul3A_403 : i32
      %rem3A_405 = arith.constant 32 : i32
      %rem3A_406 = arith.remsi %add3A_404, %rem3A_405 : i32
      %mul3A_407 = arith.constant 16 : i32
      %mul3A_408 = arith.muli %rem3A_406, %mul3A_407 : i32
      %lt3A_409 = arith.cmpi slt, %mul3A_408, %squeeze3A_389 : i32
      %and3A_410 = arith.andi %lt3A_376, %lt3A_409 : i1
      %convert_element_type3A_411 = arith.extui %and3A_410 : i1 to i32
      %cond3A_412 = arith.constant 0 : i32
      %cond3A_413 = arith.cmpi ne, %convert_element_type3A_411, %cond3A_412 : i32
      scf.if %cond3A_413 {
        %mul3A_419 = arith.constant 2 : i32
        %mul3A_420 = arith.muli %mul3A_419, %min3A_372 : i32
        %add3A_421 = arith.addi %add3A, %mul3A_420 : i32
        %rem3A_422 = arith.constant 32 : i32
        %rem3A_423 = arith.remsi %add3A_421, %rem3A_422 : i32
        %mul3A_424 = arith.constant 16 : i32
        %mul3A_425 = arith.muli %rem3A_423, %mul3A_424 : i32
        %dma_start3A = arith.constant 0 : i32
        %dma_start3A_426 = tpu.memref_slice %arg2[%min3A_372, %mul3A_425, %dma_start3A] : memref<16x512x512xf32, #tpu.memory_space<hbm>> -> memref<1x16x512xf32, #tpu.memory_space<hbm>>
        %dma_start3A_427 = tpu.memref_squeeze %dma_start3A_426 : memref<1x16x512xf32, #tpu.memory_space<hbm>> -> memref<16x512xf32, #tpu.memory_space<hbm>>
        %dma_start3A_428 = arith.constant 0 : i32
        %dma_start3A_429 = tpu.memref_slice %arg2[%min3A_372, %mul3A_425, %dma_start3A_428] : memref<16x512x512xf32, #tpu.memory_space<hbm>> -> memref<1x16x512xf32, #tpu.memory_space<hbm>>
        %dma_start3A_430 = tpu.memref_squeeze %dma_start3A_429 : memref<1x16x512xf32, #tpu.memory_space<hbm>> -> memref<16x512xf32, #tpu.memory_space<hbm>>
        tpu.enqueue_dma source(%dma_start3A_430 : memref<16x512xf32, #tpu.memory_space<hbm>>) target(%arg7 : memref<16x512xf32, #tpu.memory_space<vmem>>) target_semaphore(%arg14 : memref<!tpu.dma_semaphore, #tpu.memory_space<semaphore_mem>>)
      } else {
      }
      %jit3A_414 = arith.constant 1 : i32
      %select_n3A_415 = arith.select %lt3A_295, %jit3A_414, %scan3A_107 : i32
      %add3A_416 = arith.constant 1 : i32
      %add3A_417 = arith.addi %select_n3A_258, %add3A_416 : i32
      %select_n3A_418 = arith.select %lt3A_295, %select_n3A_258, %add3A_417 : i32
      scf.yield %select_n3A_255, %select_n3A_415, %select_n3A_418 : i32, i32, i32
    }
    %scan3A_86 = arith.constant 8 : i32
    %ne3A = arith.constant 0 : i32
    %ne3A_87 = arith.cmpi ne, %scan3A_85#0, %ne3A : i32
    %convert_element_type3A_88 = arith.extui %ne3A_87 : i1 to i32
    %cond3A_89 = arith.constant 0 : i32
    %cond3A_90 = arith.cmpi ne, %convert_element_type3A_88, %cond3A_89 : i32
    scf.if %cond3A_90 {
      %add3A_105 = arith.constant 0 : i32
      %add3A_106 = arith.addi %add3A, %add3A_105 : i32
      %rem3A_107 = arith.constant 32 : i32
      %rem3A_108 = arith.remsi %add3A_106, %rem3A_107 : i32
      %mul3A_109 = arith.constant 16 : i32
      %mul3A_110 = arith.muli %rem3A_108, %mul3A_109 : i32
      %dma_wait3A = arith.constant 0 : i32
      %dma_wait3A_111 = arith.constant 0 : i32
      %dma_wait3A_112 = tpu.memref_slice %arg5[%dma_wait3A, %mul3A_110, %dma_wait3A_111] : memref<16x512x512xf32, #tpu.memory_space<hbm>> -> memref<1x16x512xf32, #tpu.memory_space<hbm>>
      %dma_wait3A_113 = tpu.memref_squeeze %dma_wait3A_112 : memref<1x16x512xf32, #tpu.memory_space<hbm>> -> memref<16x512xf32, #tpu.memory_space<hbm>>
      %dma_wait3A_114 = arith.constant 0 : i32
      %dma_wait3A_115 = tpu.memref_slice %arg5[%dma_wait3A, %mul3A_110, %dma_wait3A_114] : memref<16x512x512xf32, #tpu.memory_space<hbm>> -> memref<1x16x512xf32, #tpu.memory_space<hbm>>
      %dma_wait3A_116 = tpu.memref_squeeze %dma_wait3A_115 : memref<1x16x512xf32, #tpu.memory_space<hbm>> -> memref<16x512xf32, #tpu.memory_space<hbm>>
      tpu.wait_dma2 semaphore(%arg15 : memref<!tpu.dma_semaphore, #tpu.memory_space<semaphore_mem>>) src(%arg8 : memref<16x512xf32, #tpu.memory_space<vmem>>) dst(%dma_wait3A_116 : memref<16x512xf32, #tpu.memory_space<hbm>>)
    } else {
    }
    %ne3A_91 = arith.constant 0 : i32
    %ne3A_92 = arith.cmpi ne, %scan3A_85#1, %ne3A_91 : i32
    %convert_element_type3A_93 = arith.extui %ne3A_92 : i1 to i32
    %cond3A_94 = arith.constant 0 : i32
    %cond3A_95 = arith.cmpi ne, %convert_element_type3A_93, %cond3A_94 : i32
    scf.if %cond3A_95 {
      %add3A_105 = arith.constant 0 : i32
      %add3A_106 = arith.addi %add3A, %add3A_105 : i32
      %rem3A_107 = arith.constant 32 : i32
      %rem3A_108 = arith.remsi %add3A_106, %rem3A_107 : i32
      %mul3A_109 = arith.constant 16 : i32
      %mul3A_110 = arith.muli %rem3A_108, %mul3A_109 : i32
      %dma_wait3A = arith.constant 0 : i32
      %dma_wait3A_111 = arith.constant 0 : i32
      %dma_wait3A_112 = tpu.memref_slice %arg5[%dma_wait3A, %mul3A_110, %dma_wait3A_111] : memref<16x512x512xf32, #tpu.memory_space<hbm>> -> memref<1x16x512xf32, #tpu.memory_space<hbm>>
      %dma_wait3A_113 = tpu.memref_squeeze %dma_wait3A_112 : memref<1x16x512xf32, #tpu.memory_space<hbm>> -> memref<16x512xf32, #tpu.memory_space<hbm>>
      %dma_wait3A_114 = arith.constant 0 : i32
      %dma_wait3A_115 = tpu.memref_slice %arg5[%dma_wait3A, %mul3A_110, %dma_wait3A_114] : memref<16x512x512xf32, #tpu.memory_space<hbm>> -> memref<1x16x512xf32, #tpu.memory_space<hbm>>
      %dma_wait3A_116 = tpu.memref_squeeze %dma_wait3A_115 : memref<1x16x512xf32, #tpu.memory_space<hbm>> -> memref<16x512xf32, #tpu.memory_space<hbm>>
      tpu.wait_dma2 semaphore(%arg16 : memref<!tpu.dma_semaphore, #tpu.memory_space<semaphore_mem>>) src(%arg9 : memref<16x512xf32, #tpu.memory_space<vmem>>) dst(%dma_wait3A_116 : memref<16x512xf32, #tpu.memory_space<hbm>>)
    } else {
    }
    %while3A = arith.constant 0 : i32
    %while3A_96 = arith.constant 0 : i32
    %while3A_97 = arith.subi %scan3A_85#2, %while3A_96 : i32
    %while3A_98 = arith.addi %while3A_96, %while3A_97 : i32
    %while3A_99 = arith.constant 1 : i32
    %while3A_100 = arith.divsi %while3A_97, %while3A_99 : i32
    %while3A_101 = arith.muli %while3A_100, %while3A_99 : i32
    %while3A_102 = arith.addi %while3A_96, %while3A_101 : i32
    %while3A_103 = arith.constant 1 : i32
    scf.for %while3A_105 = %while3A_96 to %while3A_102 step %while3A_103  : i32 {
      %dma_wait3A = arith.constant 0 : i32
      %dma_wait3A_106 = arith.constant 0 : i32
      %dma_wait3A_107 = arith.constant 0 : i32
      %dma_wait3A_108 = tpu.memref_slice %arg5[%dma_wait3A, %dma_wait3A_106, %dma_wait3A_107] : memref<16x512x512xf32, #tpu.memory_space<hbm>> -> memref<1x16x512xf32, #tpu.memory_space<hbm>>
      %dma_wait3A_109 = tpu.memref_squeeze %dma_wait3A_108 : memref<1x16x512xf32, #tpu.memory_space<hbm>> -> memref<16x512xf32, #tpu.memory_space<hbm>>
      %dma_wait3A_110 = arith.constant 0 : i32
      %dma_wait3A_111 = arith.constant 0 : i32
      %dma_wait3A_112 = tpu.memref_slice %arg5[%dma_wait3A, %dma_wait3A_110, %dma_wait3A_111] : memref<16x512x512xf32, #tpu.memory_space<hbm>> -> memref<1x16x512xf32, #tpu.memory_space<hbm>>
      %dma_wait3A_113 = tpu.memref_squeeze %dma_wait3A_112 : memref<1x16x512xf32, #tpu.memory_space<hbm>> -> memref<16x512xf32, #tpu.memory_space<hbm>>
      tpu.wait_dma2 semaphore(%arg17 : memref<!tpu.dma_semaphore, #tpu.memory_space<semaphore_mem>>) src(%arg10 : memref<16x512xf32, #tpu.memory_space<vmem>>) dst(%dma_wait3A_113 : memref<16x512xf32, #tpu.memory_space<hbm>>)
    }
    %while3A_104 = arith.constant 1 : i32
    scf.for %while3A_105 = %while3A_102 to %while3A_98 step %while3A_104  : i32 {
      %dma_wait3A = arith.constant 0 : i32
      %dma_wait3A_106 = arith.constant 0 : i32
      %dma_wait3A_107 = arith.constant 0 : i32
      %dma_wait3A_108 = tpu.memref_slice %arg5[%dma_wait3A, %dma_wait3A_106, %dma_wait3A_107] : memref<16x512x512xf32, #tpu.memory_space<hbm>> -> memref<1x16x512xf32, #tpu.memory_space<hbm>>
      %dma_wait3A_109 = tpu.memref_squeeze %dma_wait3A_108 : memref<1x16x512xf32, #tpu.memory_space<hbm>> -> memref<16x512xf32, #tpu.memory_space<hbm>>
      %dma_wait3A_110 = arith.constant 0 : i32
      %dma_wait3A_111 = arith.constant 0 : i32
      %dma_wait3A_112 = tpu.memref_slice %arg5[%dma_wait3A, %dma_wait3A_110, %dma_wait3A_111] : memref<16x512x512xf32, #tpu.memory_space<hbm>> -> memref<1x16x512xf32, #tpu.memory_space<hbm>>
      %dma_wait3A_113 = tpu.memref_squeeze %dma_wait3A_112 : memref<1x16x512xf32, #tpu.memory_space<hbm>> -> memref<16x512xf32, #tpu.memory_space<hbm>>
      tpu.wait_dma2 semaphore(%arg17 : memref<!tpu.dma_semaphore, #tpu.memory_space<semaphore_mem>>) src(%arg10 : memref<16x512xf32, #tpu.memory_space<vmem>>) dst(%dma_wait3A_113 : memref<16x512xf32, #tpu.memory_space<hbm>>)
    }
    return
  }
}

</mosaic_0001>

<sc_bundles>
// kernel: _sm_call.3.cloned.1.call-start
scs
__scs_entry_jumppad:
0x0: {  	(pc) =	sbr.rel $0x88, $3  }
0x1: {  	(tag) =	ssettag $0x0;
	lr =	simm.s32 $0x1  }
0x2: {  	[smem:$0x3F9E] =	sst lr;
	_ =	strace $0xD0000000  }
0x3: {  	_ = 	snop  }
0x4: {  	_ = 	snop  }
0x5: {  	_ = 	snop  }
0x6: {  	_ = 	snop  }
0x7: {  	_ = 	snop  }
__scs_overlays_trampoline_lowered:
0x8: {  	[smem:$0x3FAD] =	sst s0  }
0x9: {  	[smem:$0x3FAE] =	sst s1  }
0xa: {  	[smem:$0x3FAF] =	sst s2  }
0xb: {  	[smem:$0x3FB0] =	sst s3  }
0xc: {  	[smem:$0x3FB1] =	sst s4  }
0xd: {  	[smem:$0x3FB2] =	sst s5  }
0xe: {  	[smem:$0x3FB3] =	sst s6  }
0xf: {  	[smem:$0x3FB4] =	sst s7  }
0x10: {  	[smem:$0x3FB5] =	sst s8  }
0x11: {  	[smem:$0x3FB6] =	sst s9;
	s0 =	simm.s32 @!p0 $0x0  }
0x12: {  	s1 =	sld [smem:$0x3F9C];
	s0 =	simm.s32 @p0 $0x1  }
0x13: {  	[smem:$0x3FB7] =	sst s0;
	s0 =	simm.s32 @!p1 $0x0  }
0x14: {  	s2 =	sld [smem:$0x3F9B];
	s0 =	simm.s32 @p1 $0x1  }
0x15: {  	[smem:$0x3FB8] =	sst s0;
	s0 =	simm.s32 @!p2 $0x0  }
0x16: {  	s3 =	sld [smem:$0x3FDB];
	s0 =	simm.s32 @p2 $0x1  }
0x17: {  	s4 =	simm.s32 $0x1BF5;
	[smem:$0x3FBA] =	sst s0  }
0x18: {  	s0 =	sld [smem:$0x3F9D];
	_ =	swait.ge [sflag:s4], $0x0  }
0x19: {  	s7 =	sld [smem:$0x3F9E]  }
0x1a: {  	s8 =	sadd.s32 $0xFFFFE003, lr  }
0x1b: {  	s9 =	sadd.s32 $0xFFFFFEF7, lr;
	s5 =	simm.s32 $0xFFFFFFFF;
	p2 =	slt.u32 s8, $0xFFFFF086  }
0x1c: {  	p1 =	slt.u32 s9, $0xF7A;
	s5 =	simm.s32 @!p2 $0x0  }
0x1d: {  	s5 =	simm.s32 @p1 $0x1;
	p0 =	seq.s32 s7, s2  }
0x1e: {  	s7 =	smul.u32 @!p0 $0xF7A, s2;
	p2 =	seq.s32 @!p0 s5, $0x0  }
0x1f: {  	s9 =	smul.u32 $0xF7A, s1;
	s8 =	simm.s32 @!p0 $0x1BF5;
	p2 =	por !p2, p0  }
0x20: {  	[sflag:s8] =	ssyncset.s32 @!p0 $0xFFFFF086;
	s6 =	sadd.s32 @!p0 s3, s7;
	s7 =	simm.s32 @!p0 $0x108  }
0x21: {  	s3 =	sadd.s32 s3, s9;
	s6 =	sadd.s32 @!p0 $0x88, s6;
	s7 =	simm.s32 @p2 $0x1082  }
0x22: {  	[simem:s7], [sflag:s8] =	dma.local @!p0 [hbm:s6], $0xF7A  }
0x23: {  	s9 =	sor.u32 $0xD0000000, s2;
	s6 =	simm.s32 $0x108;
	_ =	swait.ge @!p0 [sflag:s8], $0x0  }
0x24: {  	s3 =	sadd.s32 $0x88, s3;
	s6 =	simm.s32 @!p1 $0x1082;
	[sflag:s4] =	ssyncset.s32 $0xFFFFF086  }
0x25: {  	[simem:s6], [sflag:s4] =	dma.local [hbm:s3], $0xF7A  }
0x26: {  	[smem:$0x3F9E] =	sst s1;
	(tag) =	ssettag s2;
	_ =	strace s9  }
0x27: {  	s1 =	sld [smem:$0x3FAE]  }
0x28: {  	s2 =	sld [smem:$0x3FAF]  }
0x29: {  	s4 =	sld [smem:$0x3FB1]  }
0x2a: {  	p0 =	seq.s32 s5, $0x0;
	s5 =	sld [smem:$0x3FB2]  }
0x2b: {  	s6 =	sld [smem:$0x3FB3]  }
0x2c: {  	s7 =	sld [smem:$0x3FB4]  }
0x2d: {  	s3 =	simm.s32 $0x108;
	s8 =	sld [smem:$0x3FB5]  }
0x2e: {  	s3 =	simm.s32 @!p0 $0x1082;
	s9 =	sld [smem:$0x3FB6]  }
0x2f: {  	lr =	sadd.s32 s0, s3;
	s0 =	sld [smem:$0x3FAD]  }
0x30: {  	s3 =	sld [smem:$0x3FB0]  }
0x31: {  	[smem:$0x3FB9] =	sst s10  }
0x32: {  	s10 =	sld [smem:$0x3FB7];
	_ =	sdelay $0x3  }
0x33: {  	p0 =	seq.s32 s10, $0x1;
	s10 =	sld [smem:$0x3FB9];
	_ =	sdelay $0x3  }
0x34: {  	[smem:$0x3FB9] =	sst s10  }
0x35: {  	s10 =	sld [smem:$0x3FB8];
	_ =	sdelay $0x3  }
0x36: {  	p1 =	seq.s32 s10, $0x1;
	s10 =	sld [smem:$0x3FB9];
	_ =	sdelay $0x3  }
0x37: {  	[smem:$0x3FB9] =	sst s10  }
0x38: {  	s10 =	sld [smem:$0x3FBA]  }
0x39: {  	_ = 	snop;
	(pc) =	sbr.ind lr, $3  }
0x3a: {  	_ = 	snop  }
0x3b: {  	_ = 	snop  }
0x3c: {  	p2 =	seq.s32 s10, $0x1;
	s10 =	sld [smem:$0x3FB9]  }
0x3d: {  	_ =	shalt  }
0x3e: {  	_ =	shalt  }
0x3f: {  	_ =	shalt  }
0x40: {  	_ =	shalt  }
0x41: {  	_ =	shalt  }
0x42: {  	_ =	shalt  }
0x43: {  	_ =	shalt  }
0x44: {  	_ =	shalt  }
0x45: {  	_ =	shalt  }
0x46: {  	_ =	shalt  }
0x47: {  	_ =	shalt  }
0x48: {  	_ =	shalt  }
0x49: {  	_ =	shalt  }
0x4a: {  	_ =	shalt  }
0x4b: {  	_ =	shalt  }
0x4c: {  	_ =	shalt  }
0x4d: {  	_ =	shalt  }
0x4e: {  	_ =	shalt  }
0x4f: {  	_ =	shalt  }
0x50: {  	_ =	shalt  }
0x51: {  	_ =	shalt  }
0x52: {  	_ =	shalt  }
0x53: {  	_ =	shalt  }
0x54: {  	_ =	shalt  }
0x55: {  	_ =	shalt  }
0x56: {  	_ =	shalt  }
0x57: {  	_ =	shalt  }
0x58: {  	_ =	shalt  }
0x59: {  	_ =	shalt  }
0x5a: {  	_ =	shalt  }
0x5b: {  	_ =	shalt  }
0x5c: {  	_ =	shalt  }
0x5d: {  	_ =	shalt  }
0x5e: {  	_ =	shalt  }
0x5f: {  	_ =	shalt  }
0x60: {  	_ =	shalt  }
0x61: {  	_ =	shalt  }
0x62: {  	_ =	shalt  }
0x63: {  	_ =	shalt  }
0x64: {  	_ =	shalt  }
0x65: {  	_ =	shalt  }
0x66: {  	_ =	shalt  }
0x67: {  	_ =	shalt  }
0x68: {  	_ =	shalt  }
0x69: {  	_ =	shalt  }
0x6a: {  	_ =	shalt  }
0x6b: {  	_ =	shalt  }
0x6c: {  	_ =	shalt  }
0x6d: {  	_ =	shalt  }
0x6e: {  	_ =	shalt  }
0x6f: {  	_ =	shalt  }
0x70: {  	_ =	shalt  }
0x71: {  	_ =	shalt  }
0x72: {  	_ =	shalt  }
0x73: {  	_ =	shalt  }
0x74: {  	_ =	shalt  }
0x75: {  	_ =	shalt  }
0x76: {  	_ =	shalt  }
0x77: {  	_ =	shalt  }
0x78: {  	_ =	shalt  }
0x79: {  	_ =	shalt  }
0x7a: {  	_ =	shalt  }
0x7b: {  	_ =	shalt  }
0x7c: {  	_ =	shalt  }
0x7d: {  	_ =	shalt  }
0x7e: {  	_ =	shalt  }
0x7f: {  	_ =	shalt  }
0x80: {  	_ =	shalt  }
0x81: {  	_ =	shalt  }
0x82: {  	_ =	shalt  }
0x83: {  	_ =	shalt  }
0x84: {  	_ =	shalt  }
0x85: {  	_ =	shalt  }
0x86: {  	_ =	shalt  }
0x87: {  	_ =	shalt  }
.Lfunc_end0:
.L_simem_size_0:
called_computation_lowered:
.L_overlay_start_0:
0x88: {  	s2 =	sld [smem:$0x3FD9]  }
0x89: {  	s3 =	sld [smem:$0x3FFE];
	_ =	sdelay $0x1  }
0x8a: {  	s1 =	srdreg.scid  }
0x8b: {  	s0 =	sand.u32 $0x1, s1  }
0x8c: {  	s18 =	sshll.u32 s0, $0xA;
	s2 =	sadd.s32 s3, s2  }
0x8d: {  	s2 =	sadd.s32 s2, s18  }
0x8e: {  	[smem:$0x3FC5] =	sst s2  }
0x8f: {  	_ = 	snop  }
0x90: {  	s2 =	sld [smem:$0x3FC9]  }
0x91: {  	s19 =	sld [smem:$0x3FC8]  }
0x92: {  	s4 =	sld [smem:$0x3FC7]  }
0x93: {  	s5 =	sld [smem:$0x3FD0];
	(tm) =	ssettm $0x1  }
0x94: {  	s6 =	sld [smem:$0x3FFB];
	_ =	sdelay $0x3  }
0x95: {  	_ =	strace s6  }
0x96: {  	s6 =	sld [smem:$0x3FFC];
	_ =	sdelay $0x3  }
0x97: {  	_ =	strace s6  }
0x98: {  	s6 =	sld [smem:$0x3FFD];
	_ =	sdelay $0x3  }
0x99: {  	_ =	strace s6  }
0x9a: {  	_ =	strace $0x8FFFFFFF  }
0x9b: {  	s20 =	sld [smem:$0x3FDB];
	_ =	sdelay $0x1  }
0x9c: {  	s7 =	simm.s32 $_scs_section_size  }
0x9d: {  	s8 =	simm.s32 $_size__tile_overlayer_lowered;
	s9 =	simm.s32 $_tile_overlayer_lowered  }
0x9e: {  	s23 =	simm.s32 $0x1BFF;
	s22 =	sshll.u32 s9, $0x1;
	s6 =	sadd.s32 s7, s20  }
0x9f: {  	s10 =	simm.s32 $0x0;
	s21 =	sshll.u32 s8, $0x1;
	s8 =	sadd.s32 s22, s6  }
0xa0: {  	[timem:s10], [sflag:s23] =	dma.local [hbm:s8], s21  }
0xa1: {  	_ =	swait.ge [sflag:s23], s21  }
0xa2: {  	s7 =	ssub.s32 $0x0, s21;
	[sflag:s23] =	ssyncset.done $0x0  }
0xa3: {  	[sflag:s23] =	ssyncadd.s32 s7;
	_ =	sdelay $0x1  }
0xa4: {  	s24 =	simm.s32 $0x1B8B  }
0xa5: {  	_ =	swait.ge [sflag:s24], $0x1  }
0xa6: {  	[sflag:s24] =	ssyncset.done $0x0  }
0xa7: {  	s25 =	simm.s32 $0x1B8E;
	[sflag:s24] =	ssyncadd.s32 $0xFFFFFFFF  }
0xa8: {  	s26 =	simm.s32 $execute0_lowered;
	[smem:$0x3FD2] =	sst s25  }
0xa9: {  	s7 =	sshll.u32 s26, $0x1;
	_ =	strace $0x80000046;
	[dreg:$0x1] =	wrdreg $0xFFFFFFFF  }
0xaa: {  	s28 =	simm.s32 $_size_execute0_lowered;
	s6 =	sadd.s32 s6, s7;
	[dreg:$0x0] =	wrdreg $0x0  }
0xab: {  	s7 =	sshll.u32 s28, $0x1;
	[dreg:$0x2] =	wrdreg s6  }
0xac: {  	[dreg:$0x3] =	wrdreg s7  }
0xad: {  	[dreg:$0x4] =	wrdreg $0xC0  }
0xae: {  	_ =	task [dreg:s10], $0x5FFFF  }
0xaf: {  	[dreg:$0x1] =	wrdreg $0xFFFFFFFF  }
0xb0: {  	[dreg:$0x0] =	wrdreg $0x60  }
0xb1: {  	[dreg:$0x2] =	wrdreg s2  }
0xb2: {  	[dreg:$0x3] =	wrdreg s19  }
0xb3: {  	[dreg:$0x4] =	wrdreg s4  }
0xb4: {  	[dreg:$0x5] =	wrdreg s5  }
0xb5: {  	[dreg:$0x6] =	wrdreg $0x9  }
0xb6: {  	_ =	task.clear_ibuf [dreg:s10], $0x7FFFF;
	_ =	strace $0x90000046  }
0xb7: {  	s29 =	simm.s32 $0x9;
	_ =	strace $0x80000048  }
0xb8: {  	_ =	swait.ge [sflag:s29], $0x1  }
0xb9: {  	[sflag:s29] =	ssyncadd.s32 $0xFFFFFFFF  }
0xba: {  	_ =	strace $0x90000048  }
0xbb: {  	_ =	sfence  }
0xbc: {  	s30 =	sld [smem:$0x0];
	_ =	sdelay $0x2  }
0xbd: {  	s31 =	sshll.u32 s1, $0xD;
	s1 =	sshrl.u32 s1, $0x2  }
0xbe: {  	s3 =	sand.u32 $0x4000, s31;
	s1 =	sadd.s32 s1, s30  }
0xbf: {  	s0 =	sor.u32 s3, s0;
	s1 =	sshll.u32 s1, $0x11  }
0xc0: {  	s0 =	sor.u32 s1, s0  }
0xc1: {  	s0 =	sadd.s32 $0x8F2B, s0  }
0xc2: {  	[sflag:s0] =	ssyncadd.remote.s32 $0x1  }
0xc3: {  	_ =	sfence.sel $0xFFFF  }
0xc4: {  	[dreg:$0x0] =	wrdreg $0xFFFFFFFF;
	(pc) =	sbr.abs _section_cstart, $3  }
0xc5: {  	[dreg:$0x1] =	wrdreg $0xFFFFFFFF  }
0xc6: {  	_ =	task.clear_ibuf [dreg:s10], $0x2FFFF;
	_ =	strace $0x9FFFFFFF  }
0xc7: {  	(tm) =	ssettm $0x7FFFFFFF  }
tec
execute0_lowered:
.L_overlay_start_1:
0x0: {  	(tag) =	ssettag $0x1  }
0x1: {  	s6 =	rddreg [dreg:$0x0];
	v0 =	vimm.s32 $0xFEDCBA98;
	s0 =	srdreg.scid  }
0x2: {  	v1 =	vimm.s32 $0x76543210;
	s1 =	stileid.u32;
	s7 =	rddreg [dreg:$0x3];
	v0 =	vunpack.c.l.s4.s8 v0  }
0x3: {  	s2 =	simm.s32 $0x0;
	v3 =	vimm.s32 $0x32107654;
	v4 =	vimm.s32 $0xDCFE98BA;
	v1 =	vunpack.c.l.s4.s8 v1;
	s0 =	sand.u32 $0x1, s0;
	s1 =	sshll.u32 s1, $0x1  }
0x4: {  	v5 =	vimm.s32 $0x54761032;
	v6 =	vimm.s32 $0xEFCDAB89;
	[smem:$0x7FF] =	sst s2;
	s8 =	sor.u32 s0, s1;
	v0 =	vunpack.c.0.s8.s32 v0  }
0x5: {  	v7 =	vimm.s32 $0x67452301;
	v3 =	vunpack.c.l.s4.s8 v3;
	_ =	strace $0x80000047;
	s0 =	ssub.s32 $0x2, s0;
	v1 =	vunpack.c.0.s8.s32 v1;
	s1 =	sadd.s32 $0x2, s8  }
0x6: {  	v4 =	vunpack.c.l.s4.s8 v4;
	v5 =	vunpack.c.l.s4.s8 v5;
	s26 =	sshrl.u32 s0, $0x1;
	s3 =	sshll.u32 s8, $0xA;
	s28 =	sshll.u32 s8, $0x4;
	v2 =	vand.u32 $0xF, v0  }
0x7: {  	v6 =	vunpack.c.l.s4.s8 v6;
	[dreg:$0x5] =	wrdreg s8;
	s1 =	sand.u32 $0x1F, s1;
	s0 =	ssub.s32 s0, s26;
	v1 =	vcombine.low v2, v1;
	v2 =	vimm.s32 $0xBA98FEDC  }
.Ltmp0:
0x8: {  	v7 =	vunpack.c.l.s4.s8 v7;
	v3 =	vunpack.c.0.s8.s32 v3;
	[dreg:$0x6] =	wrdreg s28;
	s29 =	sadd.s32 s6, s3;
	v2 =	vunpack.c.l.s4.s8 v2;
	(pc) =	sbr.rel .LBB2_1-.Ltmp0, $4  }
0x9: {  	v9 =	vunpack.c.0.s8.s32 v4;
	v5 =	vunpack.c.0.s8.s32 v5;
	v10 =	vunpack.c.0.s8.s32 v6;
	s4 =	sshll.u32 s1, $0xA;
	[dreg:$0x7] =	wrdreg s29;
	s1 =	sshll.u32 s1, $0x4  }
0xa: {  	v7 =	vunpack.c.0.s8.s32 v7;
	v4 =	vimm.s32 $0x1;
	s0 =	smax.u32 s0, $0x1;
	s30 =	sadd.s32 s4, s6;
	[dreg:$0x8] =	wrdreg s1;
	v8 =	vunpack.c.0.s8.s32 v2  }
0xb: {  	v6 =	vlaneseq.u32;
	v0 =	vimm.f32 $0.0e+00;
	v5 =	vcombine.low v5, v9;
	[dreg:$0xa] =	wrdreg s0;
	s31 =	sadd.s32 $0x8000, s30  }
0xc: {  	s17 =	simm.s32 $0x5;
	v7 =	vcombine.low v7, v10;
	s1 =	simm.s32 $0x0;
	[dreg:$0x9] =	wrdreg s31;
	v2 =	vimm.s32 $0x0;
	v3 =	vcombine.low v3, v8  }
.LBB2_144:
0xd: {  	[sflag:s17] =	ssyncadd.s32 $0xFFFFE000  }
.LBB2_145:
0xe: {  	s1 =	sadd.s32 $0x1, s1;
	s0 =	rddreg [dreg:$0xa]  }
0xf: {  	p0 =	sne.s32 s1, s0  }
.Ltmp1:
0x10: {  	_ = 	snop;
	(pc) =	sbr.rel @!p0 .LBB2_146-.Ltmp1, $1  }
0x11: {  	_ =	sdelay $0x3  }
.LBB2_1:
0x12: {  	[dreg:$0xb] =	wrdreg s1  }
0x13: {  	s0 =	rddreg [dreg:$0x1]  }
0x14: {  	s3 =	simm.s32 $0x0;
	s25 =	simm.s32 $0xA000;
	s4 =	simm.s32 $0x6  }
0x15: {  	[tilespmem:s25], [sflag:$0x6] =	stream.linear.gather [hbm4b:s0+s3], $0x80, $0x38;
	[tilespmem:$0xA100] =	vst v63  }
0x16: {  	_ =	swait.ge [sflag:s4], $0x80  }
0x17: {  	s28 =	simm.s32 $0xA080;
	[sflag:s4] =	ssyncset.done $0x0  }
0x18: {  	s29 =	simm.s32 $0x0;
	s2 =	simm.s32 $0x0;
	[sflag:s4] =	ssyncadd.s32 $0xFFFFFF80  }
0x19: {  	s0 =	sand.u32 $0x1000, s29;
	s30 =	sand.u32 $0xC00, s3;
	s26 =	rddreg [dreg:$0x2]  }
0x1a: {  	[tilespmem:s28], [sflag:$0x6] =	stream.linear.gather [hbm4b:s26+s3], $0x80, $0x38;
	[tilespmem:$0xA100] =	vst v63  }
0x1b: {  	s2 =	sand.u32 $0x380, s2;
	s0 =	sor.u32 s30, s0;
	_ =	swait.ge [sflag:s4], $0x80  }
0x1c: {  	s31 =	sand.u32 $0x70, s3;
	s0 =	sor.u32 s2, s0;
	[sflag:s4] =	ssyncset.done $0x0  }
0x1d: {  	s1 =	sor.u32 s31, s0;
	[sflag:s4] =	ssyncadd.s32 $0xFFFFFF80  }
0x1e: {  	s2 =	simm.s32 $0x0;
	s0 =	simm.s32 $0x1;
	[tilespmem:s1+$0x8000] =	vst v0;
	s1 =	simm.s32 $0x80  }
.LBB2_2:
0x1f: {  	s3 =	sshll.u32 s0, $0x4;
	p0 =	sne.s32 s0, $0x1FF  }
0x20: {  	s4 =	smov.u32 s0;
	s0 =	sadd.s32 $0x1, s0;
	s5 =	sand.u32 $0xC00, s1  }
.Ltmp2:
0x21: {  	s3 =	sand.u32 $0x1000, s3;
	s4 =	sshll.u32 s4, $0x2;
	(pc) =	sbr.rel @p0 .LBB2_2-.Ltmp2, $4  }
0x22: {  	s2 =	sadd.s32 $0x10, s2;
	s4 =	sand.u32 $0x380, s4;
	s3 =	sor.u32 s5, s3  }
0x23: {  	s5 =	sand.u32 $0x70, s2;
	s3 =	sor.u32 s4, s3  }
0x24: {  	s3 =	sor.u32 s5, s3  }
0x25: {  	s1 =	sadd.s32 $0x80, s1;
	[tilespmem:s3+$0x8000] =	vst v0  }
0x26: {  	v8 =	vld [tilespmem:$0xA000];
	_ =	sdelay $0x4  }
0x27: {  	v9 =	vperm.xlane v8, v2;
	_ =	sdelay $0x1  }
0x28: {  	(v2sf) =	vpush v9, $0x0;
	v9 =	vperm.xlane v8, v4;
	_ =	sdelay $0x1  }
0x29: {  	(v2sf) =	vpush v9, $0x0;
	_ =	sdelay $0xa  }
0x2a: {  	s1 =	rddreg [dreg:$0x6]  }
0x2b: {  	s31 =	rddreg [dreg:$0x8]  }
0x2c: {  	s2 =	rddreg [dreg:$0x9];
	s0 =	spop (v2sf)  }
0x2d: {  	s22 =	simm.s32 $0x0;
	p0 =	sge.s32 s1, s0;
	s1 =	rddreg [dreg:$0x7]  }
.Ltmp3:
0x2e: {  	s0 =	simm.s32 @!p0 $0x0;
	s30 =	spop (v2sf);
	(pc) =	sbr.rel .LBB2_4-.Ltmp3, $4  }
0x2f: {  	v9 =	vld [tilespmem:$0xA080];
	[tilespmem:s0], [sflag:$0x1] =	stream.linear.gather @!p0 [hbm4b:s1+s0], $0x2000, $0x38  }
0x30: {  	s23 =	simm.s32 $0x0;
	s24 =	simm.s32 $0x0;
	p0 =	sge.s32 s31, s30  }
0x31: {  	s25 =	simm.s32 $0x0;
	s0 =	simm.s32 @!p0 $0x0;
	s1 =	simm.s32 @!p0 $0x2000  }
0x32: {  	[tilespmem:s1], [sflag:$0x2] =	stream.linear.gather @!p0 [hbm4b:s2+s0], $0x2000, $0x38;
	[tilespmem:$0xA100] =	vst v63  }
.LBB2_139:
0x33: {  	s7 =	rddreg [dreg:$0x3]  }
0x34: {  	s6 =	rddreg [dreg:$0x0]  }
0x35: {  	s8 =	rddreg [dreg:$0x5]  }
0x36: {  	s19 =	sld [smem:$0x7FD]  }
0x37: {  	s0 =	sshll.u32 s28, $0xF;
	s1 =	sshll.u32 s29, $0xA;
	s20 =	sld [smem:$0x7F4]  }
0x38: {  	s18 =	simm.s32 $0x0;
	s21 =	sld [smem:$0x7F3];
	s0 =	sadd.s32 s7, s0  }
0x39: {  	s2 =	simm.s32 $0x6000;
	s26 =	rddreg [dreg:$0xc];
	s0 =	sadd.s32 s1, s0  }
0x3a: {  	[hbm4b:s0+s18] =	stream.linear.scatter [tilespmem:s2], [sflag:$0x4], $0x2000, $0x38;
	[tilespmem:$0xA100] =	vst v63  }
0x3b: {  	p1 =	seq.s32 s19, $0x1;
	p2 =	seq.s32 s20, $0x1;
	p3 =	seq.s32 s21, $0x1  }
.LBB2_140:
0x3c: {  	s0 =	smin.u32 s26, $0xC  }
0x3d: {  	s0 =	sadd.s32 $0x3, s0  }
0x3e: {  	v10 =	vmov s0  }
0x3f: {  	v10 =	vperm.xlane v8, v10;
	_ =	sdelay $0x1  }
0x40: {  	(v2sf) =	vpush v10, $0x0;
	_ =	sdelay $0x7  }
0x41: {  	p0 =	slt.s32 s31, s30  }
0x42: {  	s1 =	sshll.u32 @!p0 s28, $0xF  }
0x43: {  	s2 =	sshll.u32 @!p0 s29, $0xA;
	s3 =	simm.s32 @!p0 $0x8000;
	s1 =	sadd.s32 @!p0 s7, s1  }
0x44: {  	s30 =	sshll.u32 s0, $0x1;
	s1 =	sadd.s32 @!p0 s2, s1;
	s2 =	simm.s32 @!p0 $0x0  }
0x45: {  	[hbm4b:s1+s2] =	stream.linear.scatter @!p0 [tilespmem:s3], [sflag:$0x5], $0x2000, $0x38;
	[tilespmem:$0xA100] =	vst v63  }
0x46: {  	s1 =	sadd.s32 s8, s30  }
0x47: {  	s1 =	sand.u32 $0x1F, s1  }
0x48: {  	s3 =	sshll.u32 s1, $0x4;
	s2 =	spop (v2sf)  }
0x49: {  	p0 =	sge.s32 @!p3 s3, s2  }
0x4a: {  	p0 =	por p0, p3  }
0x4b: {  	s0 =	sshll.u32 @!p0 s0, $0xF  }
0x4c: {  	s25 =	sadd.s32 $0x1, s25;
	s1 =	sshll.u32 @!p0 s1, $0xA;
	s0 =	sadd.s32 @!p0 s6, s0  }
0x4d: {  	s3 =	simm.s32 @!p0 $0x2000;
	s0 =	sadd.s32 @!p0 s1, s0;
	s1 =	simm.s32 @!p0 $0x0  }
0x4e: {  	[tilespmem:s3], [sflag:$0x2] =	stream.linear.gather @!p0 [hbm4b:s0+s1], $0x2000, $0x38;
	[tilespmem:$0xA100] =	vst v63  }
0x4f: {  	p0 =	sne.s32 s25, $0x8  }
.Ltmp4:
0x50: {  	_ = 	snop;
	(pc) =	sbr.rel @!p0 .LBB2_141-.Ltmp4, $4  }
0x51: {  	s2 =	simm.s32 $0x1  }
0x52: {  	s2 =	simm.s32 @!p1 $0x0;
	s0 =	simm.s32 $0x1  }
0x53: {  	s31 =	sadd.s32 s2, s22;
	s0 =	simm.s32 @!p2 $0x0  }
0x54: {  	s24 =	simm.s32 @!p1 $0x1;
	s23 =	simm.s32 @!p2 $0x1;
	s22 =	sadd.s32 s0, s31  }
.LBB2_4:
0x55: {  	s26 =	sshll.u32 s25, $0x1  }
0x56: {  	v11 =	vmov s26  }
0x57: {  	v10 =	vperm.xlane v8, v11;
	_ =	sdelay $0x1  }
0x58: {  	(v2sf) =	vpush v10, $0x0;
	_ =	sdelay $0x3  }
0x59: {  	v11 =	vperm.xlane v9, v11;
	_ =	sdelay $0x1  }
0x5a: {  	(v2sf) =	vpush v11, $0x0;
	_ =	sdelay $0x5  }
0x5b: {  	s0 =	sshll.u32 s25, $0x2  }
0x5c: {  	s0 =	sadd.s32 s8, s0  }
0x5d: {  	s1 =	sand.u32 $0x1F, s0  }
0x5e: {  	s3 =	sshll.u32 s1, $0x4;
	s2 =	spop (v2sf)  }
0x5f: {  	p1 =	sge.s32 s3, s2  }
.Ltmp5:
0x60: {  	_ = 	snop;
	(pc) =	sbr.rel @p1 .LBB2_69-.Ltmp5, $4  }
0x61: {  	_ = 	snop  }
0x62: {  	s4 =	simm.s32 @!p1 $0x0  }
0x63: {  	s4 =	simm.s32 @p1 $0x1  }
0x64: {  	s0 =	spop (v2sf);
	[smem:$0x7FD] =	sst s4  }
0x65: {  	s4 =	sand.u32 $0xF, s0  }
0x66: {  	s5 =	sshra.s32 s0, $0x1F;
	p0 =	slt.s32 s0, $0x1;
	s8 =	simm.s32 $0xFFFFFFFF  }
0x67: {  	s7 =	simm.s32 $0x1;
	s29 =	simm.s32 $0x0;
	p1 =	sne.s32 s4, $0x0  }
0x68: {  	s21 =	sshrl.u32 s5, $0x1C;
	s5 =	simm.s32 $0x1;
	p0 =	por !p0, !p1  }
0x69: {  	_ =	swait.ge [sflag:s7], $0x2000;
	s4 =	sadd.s32 s21, s0;
	p0 =	por !p0, !p0  }
0x6a: {  	[sflag:s7] =	ssyncset.done $0x0;
	s6 =	sshra.s32 s4, $0x4;
	s5 =	simm.s32 @!p0 $0x0  }
0x6b: {  	s4 =	simm.s32 $0x1;
	s8 =	simm.s32 @!p0 $0x0;
	s5 =	ssub.s32 s6, s5  }
0x6c: {  	[sflag:s7] =	ssyncadd.s32 $0xFFFFE000;
	s6 =	sadd.s32 s8, s6;
	s12 =	sshll.u32 s5, $0x4  }
0x6d: {  	s9 =	sand.u32 $0x3, s5;
	p5 =	slt.s32 s5, $0x1;
	s30 =	ssub.s32 s0, s12  }
0x6e: {  	s31 =	sshrl.u32 s5, $0x1E;
	p6 =	sne.s32 s9, $0x0;
	p0 =	sgt.s32 s30, $0x0  }
0x6f: {  	s9 =	simm.s32 $0x1;
	s4 =	simm.s32 @!p0 $0x0;
	p0 =	por !p5, !p6  }
0x70: {  	s14 =	sadd.s32 s4, s5;
	s4 =	sadd.s32 s31, s5;
	p0 =	por !p0, !p0  }
0x71: {  	p1 =	slt.s32 s5, $0x1F;
	s4 =	sshra.s32 s4, $0x2;
	s9 =	simm.s32 @!p0 $0x0  }
0x72: {  	p0 =	seq.s32 s24, $0x0;
	s13 =	ssub.s32 $0x20, s14;
	s28 =	sshll.u32 s14, $0x4  }
0x73: {  	s4 =	ssub.s32 s4, s9;
	s9 =	smov.u32 s5;
	s10 =	simm.s32 @!p0 $0x3  }
0x74: {  	s16 =	sshll.u32 s4, $0x2;
	s9 =	simm.s32 @!p1 $0x1F;
	_ =	swait.ge @!p0 [sflag:s10], $0x2000  }
0x75: {  	p6 =	slt.s32 s4, $0x1;
	p2 =	sgt.s32 s4, $0x0;
	s15 =	sshll.u32 s9, $0x4  }
0x76: {  	[sflag:s10] =	ssyncset.done @!p0 $0x0;
	s9 =	sshll.u32 s9, $0x7;
	s0 =	simm.s32 @!p2 $0x0  }
0x77: {  	p1 =	sge.s32 s16, s5;
	s0 =	simm.s32 @p2 $0x1;
	p2 =	slt.s32 s16, s5  }
0x78: {  	s11 =	sand.u32 $0x70, s15;
	[smem:$0x7F9] =	sst s0;
	s0 =	simm.s32 @!p2 $0x0  }
0x79: {  	v11 =	vbroadcast v11, $0x0;
	[sflag:s10] =	ssyncadd.s32 @!p0 $0xFFFFE000;
	p0 =	slt.s32 s30, $0x1;
	s0 =	simm.s32 @p2 $0x1  }
.Ltmp6:
0x7a: {  	v12 =	vor.u32 s15, v6;
	[smem:$0x7FA] =	sst s0;
	s0 =	simm.s32 @!p0 $0x0;
	(pc) =	sbr.rel .LBB2_6-.Ltmp6, $4  }
0x7b: {  	s9 =	sand.u32 $0xFFFFFC00, s9;
	vm2 =	vlt.s32 @!p0 v12, v11;
	s0 =	simm.s32 @p0 $0x1;
	p0 =	sgt.s32 s14, $0x1F  }
0x7c: {  	s10 =	sshll.u32 s4, $0x9;
	[smem:$0x7FB] =	sst s0;
	s0 =	simm.s32 @!p0 $0x0  }
0x7d: {  	s15 =	sshll.u32 s14, $0x7;
	s8 =	sor.u32 s11, s9;
	vm1 =	vge.s32 v12, s12;
	vm0 =	vlt.s32 v12, v11;
	s0 =	simm.s32 @p0 $0x1  }
0x7e: {  	s9 =	ssub.s32 s6, s16;
	s11 =	sshll.u32 s4, $0x6;
	vm1 =	vmand vm1, vm0;
	[smem:$0x7FC] =	sst s0  }
.LBB2_66:
0x7f: {  	_ =	sdelay $0x3  }
0x80: {  	[tilespmem:v11+s14+$0x0 ss:$0x1] =	vst.idx.msk $0xffff, v0  }
.LBB2_67:
0x81: {  	s29 =	sadd.s32 $0x1, s29  }
0x82: {  	p0 =	sne.s32 s29, $0x10  }
.Ltmp7:
0x83: {  	_ = 	snop;
	(pc) =	sbr.rel @!p0 .LBB2_68-.Ltmp7, $1  }
0x84: {  	_ =	sdelay $0x3  }
.LBB2_6:
.Ltmp8:
0x85: {  	(pc) =	sbr.rel @p6 .LBB2_7-.Ltmp8, $3  }
0x86: {  	_ =	sdelay $0x1  }
0x87: {  	s0 =	sshll.u32 s29, $0x9;
	s5 =	sshll.u32 s29, $0x7  }
0x88: {  	s12 =	sand.u32 $0x1000, s0;
	s14 =	sand.u32 $0x380, s5  }
0x89: {  	v11 =	vmov s14  }
0x8a: {  	s0 =	simm.s32 $0x0  }
0x8b: {  	p0 =	sne.s32 s4, $0x1;
	s5 =	sand.u32 $0xFFFFFC00, s0  }
.Ltmp9:
0x8c: {  	s0 =	sand.u32 $0x40, s0;
	s5 =	sadd.s32 s5, s12;
	(pc) =	sbr.rel @!p0 .LBB2_9-.Ltmp9, $4  }
0x8d: {  	s0 =	sadd.s32 s0, s5  }
0x8e: {  	v18 =	vld.idx.msk [tilespmem:v11+s0+$0x30 ss:$0x1], $0xffff  }
0x8f: {  	s16 =	simm.s32 $0x200;
	v23 =	vld.idx.msk [tilespmem:v11+s0+$0x0 ss:$0x1], $0xffff  }
0x90: {  	v12 =	vimm.f32 $-3.000000010e+38;
	s6 =	simm.s32 $0x40;
	p3 =	por $0x0, $0x0;
	s5 =	sadd.s32 $0xFFFFFFFF, s4;
	v22 =	vld.idx.msk [tilespmem:v11+s0+$0x10 ss:$0x1], $0xffff  }
0x91: {  	_ =	sdelay $0x2  }
0x92: {  	s16 =	sand.u32 $0xFFFFFC00, s16;
	p0 =	sne.s32 s5, $0x1  }
.Ltmp10:
0x93: {  	v13 =	vld.idx.msk [tilespmem:v11+s0+$0x20 ss:$0x1], $0xffff;
	s30 =	sand.u32 $0x40, s6;
	s31 =	sadd.s32 s16, s12;
	(pc) =	sbr.rel @!p0 .LBB2_11-.Ltmp10, $4  }
0x94: {  	s0 =	sadd.s32 s30, s31  }
0x95: {  	v19 =	vld.idx.msk [tilespmem:v11+s0+$0x30 ss:$0x1], $0xffff  }
0x96: {  	s5 =	sadd.s32 $0xFFFFFFFF, s5;
	v17 =	vimm.f32 $-3.000000010e+38;
	v20 =	vld.idx.msk [tilespmem:v11+s0+$0x0 ss:$0x1], $0xffff  }
0x97: {  	s6 =	simm.s32 $0x400;
	p3 =	por $0x1, $0x1;
	s16 =	simm.s32 $0x80;
	v14 =	vmax.f32 v12, v18;
	v15 =	vmax.f32 v12, v23;
	v21 =	vld.idx.msk [tilespmem:v11+s0+$0x10 ss:$0x1], $0xffff;
	v16 =	vmax.f32 v12, v22  }
.LBB2_12:
0x98: {  	s18 =	sand.u32 $0xFFFFFC00, s6;
	p0 =	sne.s32 s5, $0x1;
	s5 =	sadd.s32 $0xFFFFFFFF, s5;
	v17 =	vmax.f32 v17, v13;
	v13 =	vld.idx.msk [tilespmem:v11+s0+$0x20 ss:$0x1], $0xffff  }
.Ltmp11:
0x99: {  	s0 =	sand.u32 $0x40, s16;
	s18 =	sadd.s32 s18, s12;
	(pc) =	sbr.rel @p0 .LBB2_12-.Ltmp11, $4  }
0x9a: {  	s0 =	sadd.s32 s0, s18  }
0x9b: {  	v14 =	vmax.f32 v14, v19;
	v19 =	vld.idx.msk [tilespmem:v11+s0+$0x30 ss:$0x1], $0xffff  }
0x9c: {  	v15 =	vmax.f32 v15, v20;
	v20 =	vld.idx.msk [tilespmem:v11+s0+$0x0 ss:$0x1], $0xffff  }
0x9d: {  	s6 =	sadd.s32 $0x200, s6;
	s16 =	sadd.s32 $0x40, s16;
	v16 =	vmax.f32 v16, v21;
	v21 =	vld.idx.msk [tilespmem:v11+s0+$0x10 ss:$0x1], $0xffff  }
0x9e: {  	_ =	sdelay $0x3  }
0x9f: {  	v18 =	vmov v19;
	v23 =	vmov v20;
	v22 =	vmov v21  }
.LBB2_14:
0xa0: {  	_ =	sdelay $0x3  }
0xa1: {  	v11 =	vld.idx.msk [tilespmem:v11+s0+$0x20 ss:$0x1], $0xffff;
	_ =	sdelay $0x2  }
.Ltmp12:
0xa2: {  	v13 =	vmax.f32 @p3 v17, v13;
	(pc) =	sbr.rel .LBB2_15-.Ltmp12, $4  }
0xa3: {  	v15 =	vmax.f32 v15, v23;
	v16 =	vmax.f32 v16, v22;
	v12 =	vpsel p3, v13, v12  }
0xa4: {  	v62 =	vmax.f32 v15, v16;
	v11 =	vmax.f32 v12, v11  }
0xa5: {  	v63 =	vmax.f32 v14, v18;
	v11 =	vmax.f32 v62, v11  }
0xa6: {  	v11 =	vmax.f32 v11, v63  }
.LBB2_7:
0xa7: {  	v11 =	vimm.f32 $-3.000000010e+38  }
.LBB2_15:
.Ltmp13:
0xa8: {  	(pc) =	sbr.rel @p1 .LBB2_19-.Ltmp13, $1  }
0xa9: {  	_ =	sdelay $0x3  }
0xaa: {  	s0 =	sadd.s32 s14, s12;
	s5 =	sand.u32 $0xFFFFFC00, s10;
	p0 =	sne.s32 s9, $0x1  }
.Ltmp14:
0xab: {  	s6 =	sand.u32 $0x70, s11;
	s5 =	sadd.s32 s5, s0;
	(pc) =	sbr.rel @!p0 .LBB2_18-.Ltmp14, $3  }
0xac: {  	s6 =	sadd.s32 s6, s5  }
0xad: {  	v12 =	vld [tilespmem:s6+$0x0];
	_ =	sdelay $0x1  }
0xae: {  	s16 =	sadd.s32 $0x10, s11;
	s5 =	sadd.s32 $0xFFFFFFFF, s9;
	s6 =	sadd.s32 $0x80, s10  }
.LBB2_17:
0xaf: {  	s18 =	sand.u32 $0xFFFFFC00, s6;
	p0 =	sne.s32 s5, $0x1;
	s5 =	sadd.s32 $0xFFFFFFFF, s5  }
.Ltmp15:
0xb0: {  	s19 =	sand.u32 $0x70, s16;
	s18 =	sadd.s32 s18, s0;
	(pc) =	sbr.rel @p0 .LBB2_17-.Ltmp15, $3  }
0xb1: {  	s18 =	sadd.s32 s19, s18;
	v11 =	vmax.f32 v11, v12  }
0xb2: {  	v12 =	vld [tilespmem:s18+$0x0];
	_ =	sdelay $0x1  }
0xb3: {  	s6 =	sadd.s32 $0x80, s6;
	s16 =	sadd.s32 $0x10, s16  }
.LBB2_18:
0xb4: {  	_ =	sdelay $0x1  }
0xb5: {  	v11 =	vmax.f32 v11, v12  }
.LBB2_19:
0xb6: {  	s0 =	sadd.s32 s8, s12  }
0xb7: {  	s30 =	sor.u32 s14, s0  }
0xb8: {  	v13 =	vld [tilespmem:s30+$0x0];
	_ =	sdelay $0x4  }
0xb9: {  	v12 =	vnsel vm0, $0xFF61B1E6, v13  }
0xba: {  	v11 =	vmax.f32 v11, v12  }
0xbb: {  	v12 =	vperm.xlane v11, v1;
	_ =	sdelay $0x1  }
0xbc: {  	v11 =	vmax.f32 v11, v12  }
0xbd: {  	v12 =	vperm.xlane v11, v3;
	_ =	sdelay $0x1  }
0xbe: {  	v11 =	vmax.f32 v11, v12  }
0xbf: {  	v12 =	vperm.xlane v11, v5;
	_ =	sdelay $0x1  }
0xc0: {  	v11 =	vmax.f32 v11, v12  }
0xc1: {  	v12 =	vperm.xlane v11, v7;
	_ =	sdelay $0x1  }
.Ltmp16:
0xc2: {  	v12 =	vmax.f32 v11, v12;
	v11 =	vmov s14;
	(pc) =	sbr.rel @p6 .LBB2_20-.Ltmp16, $1  }
0xc3: {  	_ =	sdelay $0x3  }
0xc4: {  	p0 =	sne.s32 s4, $0x1  }
.Ltmp17:
0xc5: {  	_ = 	snop;
	(pc) =	sbr.rel @!p0 .LBB2_22-.Ltmp17, $4  }
0xc6: {  	_ = 	snop  }
0xc7: {  	p2 =	por p1, p1;
	p1 =	por p6, p6;
	s19 =	simm.s32 $0x0  }
0xc8: {  	s0 =	sadd.s32 $0xFFFFFFFF, s4;
	p6 =	por $0x0, $0x0;
	p3 =	por $0x0, $0x0  }
0xc9: {  	v14 =	vimm.f32 $0.0e+00;
	p4 =	por $0x0, $0x0;
	p5 =	por $0x0, $0x0;
	s21 =	sand.u32 $0xFFFFFC00, s19  }
0xca: {  	_ =	sdelay $0x1  }
0xcb: {  	s5 =	sand.u32 $0x40, s19;
	s6 =	sadd.s32 s21, s12;
	p0 =	sne.s32 s0, $0x1  }
.Ltmp18:
0xcc: {  	s5 =	sadd.s32 s5, s6;
	(pc) =	sbr.rel @!p0 .LBB2_24-.Ltmp18, $4  }
0xcd: {  	v15 =	vld.idx.msk [tilespmem:v11+s5+$0x30 ss:$0x1], $0xffff  }
0xce: {  	v16 =	vld.idx.msk [tilespmem:v11+s5+$0x0 ss:$0x1], $0xffff  }
0xcf: {  	s31 =	simm.s32 $0x200;
	s0 =	sadd.s32 $0xFFFFFFFF, s0;
	v18 =	vld.idx.msk [tilespmem:v11+s5+$0x10 ss:$0x1], $0xffff  }
0xd0: {  	s19 =	simm.s32 $0x40;
	p6 =	por $0x1, $0x1;
	s21 =	sand.u32 $0xFFFFFC00, s31;
	v17 =	vld.idx.msk [tilespmem:v11+s5+$0x20 ss:$0x1], $0xffff  }
0xd1: {  	_ =	sdelay $0x1  }
0xd2: {  	s5 =	sand.u32 $0x40, s19;
	s6 =	sadd.s32 s21, s12;
	p0 =	sne.s32 s0, $0x1;
	v19 =	vsub.f32 v15, v12  }
.Ltmp19:
0xd3: {  	s5 =	sadd.s32 s5, s6;
	v20 =	vsub.f32 v16, v12;
	(pc) =	sbr.rel @!p0 .LBB2_26-.Ltmp19, $4  }
0xd4: {  	v15 =	vld.idx.msk [tilespmem:v11+s5+$0x30 ss:$0x1], $0xffff;
	v21 =	vsub.f32 v18, v12;
	v19 =	vmul.f32 $2.000000000e+02, v19  }
0xd5: {  	v16 =	vld.idx.msk [tilespmem:v11+s5+$0x0 ss:$0x1], $0xffff;
	v20 =	vmul.f32 $2.000000000e+02, v20;
	v22 =	vsub.f32 v17, v12  }
0xd6: {  	s31 =	simm.s32 $0x400;
	s0 =	sadd.s32 $0xFFFFFFFF, s0;
	v18 =	vld.idx.msk [tilespmem:v11+s5+$0x10 ss:$0x1], $0xffff;
	v28 =	vmul.f32 $2.000000000e+02, v21;
	v29 =	vmul.f32 $1.442695020e+00, v19  }
0xd7: {  	s19 =	simm.s32 $0x80;
	p3 =	por $0x1, $0x1;
	s21 =	sand.u32 $0xFFFFFC00, s31;
	v17 =	vld.idx.msk [tilespmem:v11+s5+$0x20 ss:$0x1], $0xffff;
	v30 =	vmul.f32 $1.442695020e+00, v20;
	v31 =	vmul.f32 $2.000000000e+02, v22  }
0xd8: {  	_ =	sdelay $0x1  }
0xd9: {  	s5 =	sand.u32 $0x40, s19;
	s6 =	sadd.s32 s21, s12;
	v19 =	vmul.f32 $1.442695020e+00, v28;
	(erf) = vpow2.f32 v29;
	p0 =	sne.s32 s0, $0x1;
	v20 =	vsub.f32 v15, v12  }
.Ltmp20:
0xda: {  	s5 =	sadd.s32 s5, s6;
	v21 =	vmul.f32 $1.442695020e+00, v31;
	(erf) = vpow2.f32 v30;
	v22 =	vsub.f32 v16, v12;
	(pc) =	sbr.rel @!p0 .LBB2_28-.Ltmp20, $4  }
0xdb: {  	v15 =	vld.idx.msk [tilespmem:v11+s5+$0x30 ss:$0x1], $0xffff;
	(erf) = vpow2.f32 v19;
	v19 =	vsub.f32 v18, v12;
	v20 =	vmul.f32 $2.000000000e+02, v20  }
0xdc: {  	v16 =	vld.idx.msk [tilespmem:v11+s5+$0x0 ss:$0x1], $0xffff;
	(erf) = vpow2.f32 v21;
	v23 =	vmul.f32 $2.000000000e+02, v22;
	v24 =	vsub.f32 v17, v12  }
0xdd: {  	s31 =	simm.s32 $0x600;
	s19 =	simm.s32 $0xC0;
	v18 =	vld.idx.msk [tilespmem:v11+s5+$0x10 ss:$0x1], $0xffff;
	v21 =	vmul.f32 $2.000000000e+02, v19;
	v22 =	vmul.f32 $1.442695020e+00, v20  }
0xde: {  	p4 =	por $0x1, $0x1;
	s21 =	sand.u32 $0xFFFFFC00, s31;
	v17 =	vld.idx.msk [tilespmem:v11+s5+$0x20 ss:$0x1], $0xffff;
	s5 =	sadd.s32 $0xFFFFFFFF, s0;
	v25 =	vmul.f32 $1.442695020e+00, v23;
	v24 =	vmul.f32 $2.000000000e+02, v24  }
0xdf: {  	v19 =	vmul.f32 $1.442695020e+00, v21  }
0xe0: {  	(erf) = vpow2.f32 v22;
	v20 =	vsub.f32 v15, v12  }
0xe1: {  	s0 =	sand.u32 $0x40, s19;
	s6 =	sadd.s32 s21, s12;
	p0 =	sne.s32 s5, $0x1;
	(erf) = vpow2.f32 v25;
	v23 =	vmul.f32 $1.442695020e+00, v24;
	v16 =	vsub.f32 v16, v12  }
.Ltmp21:
0xe2: {  	s6 =	sadd.s32 s0, s6;
	(erf) = vpow2.f32 v19;
	v18 =	vsub.f32 v18, v12;
	v20 =	vmul.f32 $2.000000000e+02, v20;
	(pc) =	sbr.rel @!p0 .LBB2_30-.Ltmp21, $4  }
0xe3: {  	v15 =	vld.idx.msk [tilespmem:v11+s6+$0x30 ss:$0x1], $0xffff;
	(erf) = vpow2.f32 v23;
	v19 =	vpop (erf);
	v26 =	vmul.f32 $2.000000000e+02, v16  }
0xe4: {  	v16 =	vld.idx.msk [tilespmem:v11+s6+$0x0 ss:$0x1], $0xffff;
	v31 =	vsub.f32 v17, v12;
	v19 =	vadd.f32 v19, v14;
	v27 =	vpop (erf);
	v28 =	vmul.f32 $2.000000000e+02, v18  }
0xe5: {  	s5 =	sadd.s32 $0xFFFFFFFF, s5;
	s0 =	simm.s32 $0x800;
	v18 =	vld.idx.msk [tilespmem:v11+s6+$0x10 ss:$0x1], $0xffff;
	v29 =	vmul.f32 $1.442695020e+00, v20;
	v20 =	vimm.f32 $0.0e+00;
	v32 =	vpop (erf);
	v23 =	vadd.f32 v27, v14  }
0xe6: {  	s19 =	simm.s32 $0x100;
	p5 =	por $0x1, $0x1;
	s21 =	sand.u32 $0xFFFFFC00, s0;
	v17 =	vld.idx.msk [tilespmem:v11+s6+$0x20 ss:$0x1], $0xffff;
	v30 =	vmul.f32 $1.442695020e+00, v26;
	v31 =	vmul.f32 $2.000000000e+02, v31;
	v26 =	vadd.f32 v32, v14;
	v27 =	vpop (erf)  }
.LBB2_31:
0xe7: {  	p0 =	sne.s32 s5, $0x1;
	s6 =	sand.u32 $0x40, s19;
	s16 =	sadd.s32 s21, s12;
	v33 =	vmul.f32 $1.442695020e+00, v28;
	(erf) = vpow2.f32 v29;
	v20 =	vadd.f32 v27, v20  }
0xe8: {  	v27 =	vsub.f32 v15, v12;
	s6 =	sadd.s32 s6, s16;
	v29 =	vmul.f32 $1.442695020e+00, v31;
	(erf) = vpow2.f32 v30  }
.Ltmp22:
0xe9: {  	v30 =	vsub.f32 v16, v12;
	v15 =	vld.idx.msk [tilespmem:v11+s6+$0x30 ss:$0x1], $0xffff;
	(erf) = vpow2.f32 v33;
	v28 =	vpop (erf);
	(pc) =	sbr.rel @p0 .LBB2_31-.Ltmp22, $4  }
0xea: {  	v31 =	vsub.f32 v18, v12;
	v35 =	vmul.f32 $2.000000000e+02, v27;
	v16 =	vld.idx.msk [tilespmem:v11+s6+$0x0 ss:$0x1], $0xffff;
	v19 =	vadd.f32 v28, v19;
	v32 =	vpop (erf)  }
0xeb: {  	v30 =	vmul.f32 $2.000000000e+02, v30;
	v33 =	vsub.f32 v17, v12;
	v18 =	vld.idx.msk [tilespmem:v11+s6+$0x10 ss:$0x1], $0xffff;
	(erf) = vpow2.f32 v29;
	v34 =	vpop (erf)  }
0xec: {  	s0 =	sadd.s32 $0x200, s0;
	v28 =	vmul.f32 $2.000000000e+02, v31;
	v29 =	vmul.f32 $1.442695020e+00, v35;
	v23 =	vadd.f32 v32, v23;
	v17 =	vld.idx.msk [tilespmem:v11+s6+$0x20 ss:$0x1], $0xffff  }
0xed: {  	s5 =	sadd.s32 $0xFFFFFFFF, s5;
	s19 =	sadd.s32 $0x40, s19;
	s21 =	sand.u32 $0xFFFFFC00, s0;
	v30 =	vmul.f32 $1.442695020e+00, v30;
	v31 =	vmul.f32 $2.000000000e+02, v33;
	v26 =	vadd.f32 v34, v26;
	v27 =	vpop (erf)  }
0xee: {  	_ = 	snop  }
.LBB2_33:
0xef: {  	_ = 	snop  }
0xf0: {  	v28 =	vmul.f32 @p3 $1.442695020e+00, v28  }
0xf1: {  	v15 =	vsub.f32 @p6 v15, v12;
	s0 =	sand.u32 $0x40, s19;
	s5 =	sadd.s32 s21, s12;
	(erf) = vpow2.f32 @p3 v29;
	v29 =	vmul.f32 @p3 $1.442695020e+00, v31  }
0xf2: {  	v16 =	vsub.f32 @p6 v16, v12;
	s0 =	sadd.s32 s0, s5;
	(erf) = vpow2.f32 @p3 v30;
	v18 =	vsub.f32 @p6 v18, v12  }
0xf3: {  	v15 =	vmul.f32 @p6 $2.000000000e+02, v15;
	v53 =	vld.idx.msk [tilespmem:v11+s0+$0x30 ss:$0x1], $0xffff;
	(erf) = vpow2.f32 @p3 v28;
	v17 =	vsub.f32 @p6 v17, v12  }
0xf4: {  	v16 =	vmul.f32 @p6 $2.000000000e+02, v16;
	v54 =	vld.idx.msk [tilespmem:v11+s0+$0x0 ss:$0x1], $0xffff;
	v18 =	vmul.f32 @p6 $2.000000000e+02, v18  }
0xf5: {  	v55 =	vld.idx.msk [tilespmem:v11+s0+$0x10 ss:$0x1], $0xffff;
	v15 =	vmul.f32 @p6 $1.442695020e+00, v15;
	v17 =	vmul.f32 @p6 $2.000000000e+02, v17  }
0xf6: {  	v56 =	vld.idx.msk [tilespmem:v11+s0+$0x20 ss:$0x1], $0xffff;
	(erf) = vpow2.f32 @p3 v29;
	v16 =	vmul.f32 @p6 $1.442695020e+00, v16  }
0xf7: {  	v18 =	vpsel p6, v18, v21;
	v15 =	vpsel p6, v15, v22;
	v17 =	vpsel p6, v17, v24  }
0xf8: {  	v16 =	vpsel p6, v16, v25;
	(erf) = vpow2.f32 @p6 v15;
	v15 =	vsub.f32 v53, v12  }
0xf9: {  	v18 =	vmul.f32 @p6 $1.442695020e+00, v18;
	v17 =	vmul.f32 @p6 $1.442695020e+00, v17;
	v57 =	vsub.f32 v54, v12  }
0xfa: {  	v58 =	vsub.f32 v55, v12;
	(erf) = vpow2.f32 @p6 v16;
	v15 =	vmul.f32 $2.000000000e+02, v15  }
0xfb: {  	v59 =	vsub.f32 v56, v12;
	(erf) = vpow2.f32 @p6 v18;
	v16 =	vmul.f32 $2.000000000e+02, v57  }
0xfc: {  	v21 =	vpop @p4 (erf);
	v18 =	vmul.f32 $2.000000000e+02, v58;
	v15 =	vmul.f32 $1.442695020e+00, v15  }
0xfd: {  	v22 =	vmul.f32 $2.000000000e+02, v59;
	(erf) = vpow2.f32 @p6 v17;
	v17 =	vpop @p4 (erf)  }
0xfe: {  	v16 =	vmul.f32 $1.442695020e+00, v16;
	v18 =	vmul.f32 $1.442695020e+00, v18;
	v24 =	vpop @p4 (erf)  }
0xff: {  	v25 =	vpop @p4 (erf);
	(erf) = vpow2.f32 v15  }
0x100: {  	v22 =	vmul.f32 $1.442695020e+00, v22;
	v17 =	vadd.f32 @p4 v17, v23;
	(erf) = vpow2.f32 v16;
	v15 =	vpop @p3 (erf)  }
0x101: {  	v23 =	vadd.f32 @p4 v24, v26;
	v16 =	vadd.f32 @p5 v27, v20;
	(erf) = vpow2.f32 v18;
	v20 =	vpop @p3 (erf)  }
0x102: {  	v19 =	vadd.f32 @p4 v21, v19;
	v24 =	vpsel p4, v25, v0;
	v18 =	vpop @p3 (erf)  }
0x103: {  	v23 =	vpsel p4, v23, v14;
	v16 =	vpsel p5, v16, v14;
	(erf) = vpow2.f32 v22;
	v25 =	vpop @p3 (erf)  }
0x104: {  	v17 =	vpsel p4, v17, v14;
	v16 =	vadd.f32 @p4 v24, v16;
	v22 =	vpop @p6 (erf);
	v21 =	vpsel p3, v25, v0  }
0x105: {  	v17 =	vadd.f32 @p3 v20, v17;
	v18 =	vadd.f32 @p3 v18, v23;
	v20 =	vpop @p6 (erf)  }
0x106: {  	v16 =	vpsel p4, v16, v14;
	v23 =	vpop @p6 (erf)  }
0x107: {  	v17 =	vpsel p3, v17, v14;
	v18 =	vpsel p3, v18, v14;
	v16 =	vadd.f32 @p3 v21, v16;
	v21 =	vpop @p6 (erf)  }
0x108: {  	v19 =	vpsel p4, v19, v14;
	v17 =	vadd.f32 @p6 v20, v17;
	v18 =	vadd.f32 @p6 v23, v18;
	v60 =	vpop (erf)  }
0x109: {  	v15 =	vadd.f32 @p3 v15, v19;
	v16 =	vpsel p3, v16, v14;
	v19 =	vpsel p6, v21, v0;
	v61 =	vpop (erf)  }
0x10a: {  	v17 =	vpsel p6, v17, v14;
	v18 =	vpsel p6, v18, v14;
	v16 =	vadd.f32 @p6 v19, v16;
	v62 =	vpop (erf)  }
0x10b: {  	v15 =	vpsel p3, v15, v14;
	v17 =	vadd.f32 v61, v17;
	v18 =	vadd.f32 v62, v18  }
0x10c: {  	v15 =	vadd.f32 @p6 v22, v15;
	v63 =	vpop (erf);
	v16 =	vpsel p6, v16, v14  }
.Ltmp23:
0x10d: {  	v16 =	vadd.f32 v63, v16;
	v17 =	vadd.f32 v18, v17;
	(pc) =	sbr.rel .LBB2_34-.Ltmp23, $3  }
0x10e: {  	v14 =	vpsel p6, v15, v14  }
0x10f: {  	v14 =	vadd.f32 v60, v14;
	v15 =	vadd.f32 v16, v17;
	_ =	sdelay $0x1  }
0x110: {  	p6 =	por p1, p1;
	p1 =	por p2, p2;
	v14 =	vadd.f32 v14, v15  }
.LBB2_20:
0x111: {  	v14 =	vimm.f32 $0.0e+00  }
.LBB2_34:
.Ltmp24:
0x112: {  	(pc) =	sbr.rel @p1 .LBB2_45-.Ltmp24, $1  }
0x113: {  	_ =	sdelay $0x3  }
0x114: {  	p0 =	sne.s32 s9, $0x1  }
.Ltmp25:
0x115: {  	_ = 	snop;
	(pc) =	sbr.rel @!p0 .LBB2_36-.Ltmp25, $4  }
0x116: {  	s5 =	sand.u32 $0xFFFFFC00, s10  }
0x117: {  	s0 =	sadd.s32 $0xFFFFFFFF, s9;
	s6 =	sand.u32 $0x70, s11;
	s5 =	sadd.s32 s5, s12  }
0x118: {  	p3 =	por $0x0, $0x0;
	p4 =	por $0x0, $0x0;
	s16 =	sadd.s32 s6, s5  }
0x119: {  	p5 =	por $0x0, $0x0;
	s5 =	sadd.s32 $0x80, s10;
	s6 =	sadd.s32 $0x10, s11;
	v17 =	vld.idx.msk [tilespmem:v11+s16+$0x0 ss:$0x1], $0xffff  }
0x11a: {  	_ = 	snop  }
0x11b: {  	p0 =	sne.s32 s0, $0x1  }
.Ltmp26:
0x11c: {  	_ = 	snop;
	(pc) =	sbr.rel @!p0 .LBB2_38-.Ltmp26, $4  }
0x11d: {  	s16 =	sand.u32 $0xFFFFFC00, s5  }
0x11e: {  	s18 =	sand.u32 $0x70, s6;
	s19 =	sadd.s32 s16, s12;
	v15 =	vsub.f32 v17, v12  }
0x11f: {  	p3 =	por $0x1, $0x1;
	s31 =	sadd.s32 s18, s19  }
0x120: {  	s16 =	sadd.s32 $0xFFFFFFFF, s0;
	s0 =	sadd.s32 $0x80, s5;
	s5 =	sadd.s32 $0x10, s6;
	v17 =	vld.idx.msk [tilespmem:v11+s31+$0x0 ss:$0x1], $0xffff;
	v15 =	vmul.f32 $2.000000000e+02, v15  }
0x121: {  	_ = 	snop  }
0x122: {  	v15 =	vmul.f32 $1.442695020e+00, v15;
	_ =	sdelay $0x1  }
0x123: {  	(erf) = vpow2.f32 v15;
	_ =	sdelay $0x2  }
0x124: {  	p0 =	sne.s32 s16, $0x1  }
.Ltmp27:
0x125: {  	_ = 	snop;
	(pc) =	sbr.rel @!p0 .LBB2_40-.Ltmp27, $4  }
0x126: {  	s6 =	sand.u32 $0xFFFFFC00, s0  }
0x127: {  	s18 =	sand.u32 $0x70, s5;
	s19 =	sadd.s32 s6, s12;
	v16 =	vsub.f32 v17, v12  }
0x128: {  	p4 =	por $0x1, $0x1;
	s31 =	sadd.s32 s18, s19  }
0x129: {  	s6 =	sadd.s32 $0xFFFFFFFF, s16;
	s16 =	sadd.s32 $0x80, s0;
	s18 =	sadd.s32 $0x10, s5;
	v17 =	vld.idx.msk [tilespmem:v11+s31+$0x0 ss:$0x1], $0xffff;
	v15 =	vmul.f32 $2.000000000e+02, v16  }
0x12a: {  	_ =	sdelay $0x2  }
0x12b: {  	p0 =	sne.s32 s6, $0x1;
	v15 =	vmul.f32 $1.442695020e+00, v15  }
.Ltmp28:
0x12c: {  	s0 =	sand.u32 $0xFFFFFC00, s16;
	v16 =	vsub.f32 v17, v12;
	(pc) =	sbr.rel @!p0 .LBB2_42-.Ltmp28, $4  }
0x12d: {  	s5 =	sand.u32 $0x70, s18;
	s19 =	sadd.s32 s0, s12;
	(erf) = vpow2.f32 v15  }
0x12e: {  	s5 =	sadd.s32 s5, s19  }
0x12f: {  	p5 =	por $0x1, $0x1;
	v17 =	vld.idx.msk [tilespmem:v11+s5+$0x0 ss:$0x1], $0xffff  }
0x130: {  	s0 =	sadd.s32 $0xFFFFFFFF, s6;
	s6 =	sadd.s32 $0x10, s18;
	s5 =	sadd.s32 $0x80, s16;
	v15 =	vmul.f32 $2.000000000e+02, v16;
	v16 =	vmov v14  }
.LBB2_43:
0x131: {  	s16 =	sand.u32 $0xFFFFFC00, s5;
	p0 =	sne.s32 s0, $0x1;
	s0 =	sadd.s32 $0xFFFFFFFF, s0;
	v18 =	vpop (erf)  }
.Ltmp29:
0x132: {  	s18 =	sand.u32 $0x70, s6;
	s16 =	sadd.s32 s16, s12;
	v15 =	vmul.f32 $1.442695020e+00, v15;
	v16 =	vadd.f32 v18, v16;
	(pc) =	sbr.rel @p0 .LBB2_43-.Ltmp29, $3  }
0x133: {  	s16 =	sadd.s32 s18, s16  }
0x134: {  	v18 =	vsub.f32 v17, v12;
	v17 =	vld.idx.msk [tilespmem:v11+s16+$0x0 ss:$0x1], $0xffff;
	(erf) = vpow2.f32 v15;
	_ =	sdelay $0x1  }
0x135: {  	s5 =	sadd.s32 $0x80, s5;
	s6 =	sadd.s32 $0x10, s6;
	v15 =	vmul.f32 $2.000000000e+02, v18  }
.LBB2_44:
0x136: {  	_ =	sdelay $0x1  }
0x137: {  	v17 =	vsub.f32 v17, v12  }
0x138: {  	v15 =	vmul.f32 @p3 $1.442695020e+00, v15  }
0x139: {  	v17 =	vmul.f32 $2.000000000e+02, v17  }
0x13a: {  	(erf) = vpow2.f32 @p3 v15;
	_ =	sdelay $0x1  }
0x13b: {  	v15 =	vmul.f32 $1.442695020e+00, v17  }
0x13c: {  	v17 =	vpop @p5 (erf)  }
0x13d: {  	(erf) = vpow2.f32 v15;
	v15 =	vadd.f32 @p5 v17, v16;
	_ =	sdelay $0x1  }
0x13e: {  	v16 =	vpop @p4 (erf);
	v15 =	vpsel p5, v15, v14  }
0x13f: {  	v15 =	vadd.f32 @p4 v16, v15;
	_ =	sdelay $0x1  }
0x140: {  	v16 =	vpop @p3 (erf);
	v15 =	vpsel p4, v15, v14  }
0x141: {  	v15 =	vadd.f32 @p3 v16, v15;
	_ =	sdelay $0x3  }
0x142: {  	v14 =	vpsel p3, v15, v14;
	v15 =	vpop (erf)  }
0x143: {  	v14 =	vadd.f32 v15, v14  }
.LBB2_45:
0x144: {  	v13 =	vsub.f32 v13, v12;
	_ =	sdelay $0x1  }
0x145: {  	v13 =	vmul.f32 $2.000000000e+02, v13;
	_ =	sdelay $0x1  }
0x146: {  	v13 =	vmul.f32 $1.442695020e+00, v13;
	_ =	sdelay $0x1  }
0x147: {  	(erf) = vpow2.f32 v13;
	_ =	sdelay $0x8  }
0x148: {  	v13 =	vpop (erf)  }
0x149: {  	v15 =	vnsel vm1, $0x0, v13  }
0x14a: {  	v14 =	vadd.f32 v14, v15;
	_ =	sdelay $0x1  }
0x14b: {  	v15 =	vperm.xlane v14, v1;
	_ =	sdelay $0x1  }
0x14c: {  	v14 =	vadd.f32 v15, v14;
	_ =	sdelay $0x1  }
0x14d: {  	v15 =	vperm.xlane v14, v3;
	_ =	sdelay $0x1  }
0x14e: {  	v14 =	vadd.f32 v15, v14;
	_ =	sdelay $0x1  }
0x14f: {  	v15 =	vperm.xlane v14, v5;
	_ =	sdelay $0x1  }
0x150: {  	v14 =	vadd.f32 v15, v14;
	_ =	sdelay $0x1  }
0x151: {  	v15 =	vperm.xlane v14, v7;
	_ =	sdelay $0x1  }
0x152: {  	v14 =	vadd.f32 v15, v14;
	_ =	sdelay $0x1  }
0x153: {  	s0 =	sor.u32 s3, s29;
	(erf) = vrcp.f32 v14  }
0x154: {  	v14 =	vmov s0  }
0x155: {  	s5 =	sld [smem:$0x7F9];
	vm3 =	vlt.s32 v14, v10  }
0x156: {  	v14 =	vsel vm3, $0x1, v2  }
0x157: {  	v14 =	vbroadcast v14, $0x0  }
0x158: {  	p0 =	seq.s32 s5, $0x1  }
.Ltmp30:
0x159: {  	v14 =	vand.u32 $0x1, v14;
	(pc) =	sbr.rel @!p0 .LBB2_46-.Ltmp30, $3  }
0x15a: {  	_ =	sdelay $0x1  }
0x15b: {  	vm3 =	veq.s32 v14, $0x1;
	v14 =	vpop (erf)  }
0x15c: {  	s0 =	simm.s32 $0x0;
	v14 =	vnsel vm3, $0x0, v14  }
0x15d: {  	p0 =	seq.s32 s4, $0x1  }
.Ltmp31:
0x15e: {  	_ = 	snop;
	(pc) =	sbr.rel @p0 .LBB2_50-.Ltmp31, $3  }
0x15f: {  	_ =	sdelay $0x1  }
0x160: {  	s6 =	sand.u32 $0xFFFFFC00, s0;
	s5 =	sand.u32 $0x40, s0  }
0x161: {  	s0 =	sadd.s32 $0xFFFFFFFF, s4;
	p3 =	por $0x0, $0x0;
	s6 =	sadd.s32 s12, s6  }
0x162: {  	s5 =	sor.u32 s6, s5  }
0x163: {  	s19 =	sor.u32 s14, s5  }
0x164: {  	v15 =	vld [tilespmem:s19+$0x0];
	_ =	sdelay $0x4  }
0x165: {  	v15 =	vsub.f32 v15, v12;
	_ =	sdelay $0x1  }
0x166: {  	v15 =	vmul.f32 $2.000000000e+02, v15;
	_ =	sdelay $0x1  }
0x167: {  	v15 =	vmul.f32 $1.442695020e+00, v15;
	_ =	sdelay $0x1  }
0x168: {  	(erf) = vpow2.f32 v15;
	_ =	sdelay $0x8  }
0x169: {  	v15 =	vpop (erf)  }
0x16a: {  	v15 =	vmul.f32 v15, v14;
	_ =	sdelay $0x1  }
0x16b: {  	s5 =	sor.u32 $0x10, s19;
	[tilespmem:s19+$0x4000] =	vst v15  }
0x16c: {  	v15 =	vld [tilespmem:s5+$0x0];
	_ =	sdelay $0x4  }
0x16d: {  	v15 =	vsub.f32 v15, v12;
	_ =	sdelay $0x1  }
0x16e: {  	v15 =	vmul.f32 $2.000000000e+02, v15;
	_ =	sdelay $0x1  }
0x16f: {  	v15 =	vmul.f32 $1.442695020e+00, v15;
	_ =	sdelay $0x1  }
0x170: {  	(erf) = vpow2.f32 v15;
	_ =	sdelay $0x8  }
0x171: {  	v15 =	vpop (erf)  }
0x172: {  	v15 =	vmul.f32 v15, v14;
	_ =	sdelay $0x1  }
0x173: {  	s16 =	sor.u32 $0x20, s19;
	[tilespmem:s19+$0x4010] =	vst v15  }
0x174: {  	v15 =	vld [tilespmem:s16+$0x0];
	_ =	sdelay $0x4  }
0x175: {  	v15 =	vsub.f32 v15, v12;
	_ =	sdelay $0x1  }
0x176: {  	v15 =	vmul.f32 $2.000000000e+02, v15;
	_ =	sdelay $0x1  }
0x177: {  	v15 =	vmul.f32 $1.442695020e+00, v15;
	_ =	sdelay $0x1  }
0x178: {  	(erf) = vpow2.f32 v15;
	_ =	sdelay $0x3  }
0x179: {  	p0 =	seq.s32 s0, $0x1  }
.Ltmp32:
0x17a: {  	_ = 	snop;
	(pc) =	sbr.rel @p0 .LBB2_53-.Ltmp32, $4  }
0x17b: {  	_ = 	snop  }
0x17c: {  	s20 =	simm.s32 $0x200  }
0x17d: {  	s21 =	simm.s32 $0x40;
	s31 =	sadd.s32 $0xFFFFFFFF, s0;
	s18 =	sand.u32 $0xFFFFFC00, s20  }
0x17e: {  	p3 =	por $0x1, $0x1;
	s6 =	sadd.s32 s12, s18;
	s5 =	sand.u32 $0x40, s21;
	v15 =	vpop (erf)  }
.LBB2_52:
0x17f: {  	p4 =	seq.s32 s31, $0x1;
	s0 =	sor.u32 s6, s5;
	v15 =	vmul.f32 v15, v14  }
0x180: {  	s0 =	sor.u32 s14, s0  }
0x181: {  	s5 =	sor.u32 $0x30, s19;
	v16 =	vld [tilespmem:s0+$0x0];
	[tilespmem:s19+$0x4020] =	vst v15  }
0x182: {  	v15 =	vld [tilespmem:s5+$0x0];
	_ =	sdelay $0x3  }
0x183: {  	v16 =	vsub.f32 v16, v12  }
0x184: {  	v15 =	vsub.f32 v15, v12  }
0x185: {  	v16 =	vmul.f32 $2.000000000e+02, v16  }
0x186: {  	v15 =	vmul.f32 $2.000000000e+02, v15  }
0x187: {  	v16 =	vmul.f32 $1.442695020e+00, v16  }
0x188: {  	v15 =	vmul.f32 $1.442695020e+00, v15  }
0x189: {  	(erf) = vpow2.f32 v16  }
0x18a: {  	(erf) = vpow2.f32 v15;
	_ =	sdelay $0x7  }
0x18b: {  	v15 =	vpop (erf)  }
0x18c: {  	v15 =	vmul.f32 v15, v14;
	v16 =	vpop (erf)  }
0x18d: {  	v16 =	vmul.f32 v16, v14  }
0x18e: {  	[tilespmem:s0+$0x4000] =	vst v15  }
0x18f: {  	s5 =	sor.u32 $0x10, s0;
	[tilespmem:s19+$0x4030] =	vst v16;
	s19 =	smov.u32 s0  }
0x190: {  	v15 =	vld [tilespmem:s5+$0x0];
	_ =	sdelay $0x4  }
0x191: {  	v15 =	vsub.f32 v15, v12;
	_ =	sdelay $0x1  }
0x192: {  	v15 =	vmul.f32 $2.000000000e+02, v15;
	_ =	sdelay $0x1  }
0x193: {  	v15 =	vmul.f32 $1.442695020e+00, v15;
	_ =	sdelay $0x1  }
0x194: {  	(erf) = vpow2.f32 v15;
	_ =	sdelay $0x8  }
0x195: {  	v15 =	vpop (erf)  }
0x196: {  	v15 =	vmul.f32 v15, v14;
	_ =	sdelay $0x1  }
0x197: {  	s0 =	sor.u32 $0x20, s19;
	[tilespmem:s19+$0x4010] =	vst v15  }
0x198: {  	v15 =	vld [tilespmem:s0+$0x0];
	_ =	sdelay $0x4  }
0x199: {  	v15 =	vsub.f32 v15, v12;
	_ =	sdelay $0x1  }
0x19a: {  	v15 =	vmul.f32 $2.000000000e+02, v15;
	_ =	sdelay $0x1  }
0x19b: {  	v15 =	vmul.f32 $1.442695020e+00, v15;
	_ =	sdelay $0x1  }
0x19c: {  	(erf) = vpow2.f32 v15;
	_ =	sdelay $0x4  }
.Ltmp33:
0x19d: {  	(pc) =	sbr.rel @!p4 .LBB2_52-.Ltmp33, $4  }
0x19e: {  	_ = 	snop  }
0x19f: {  	s20 =	sadd.s32 $0x200, s20  }
0x1a0: {  	s21 =	sadd.s32 $0x40, s21;
	s0 =	sand.u32 $0xFFFFFC00, s20  }
0x1a1: {  	s31 =	sadd.s32 $0xFFFFFFFF, s31;
	s5 =	sand.u32 $0x40, s21;
	s6 =	sadd.s32 s12, s0;
	v15 =	vpop (erf)  }
.LBB2_53:
0x1a2: {  	s0 =	sor.u32 s6, s5;
	v15 =	vmul.f32 @p3 v15, v14  }
0x1a3: {  	s0 =	sor.u32 s14, s0  }
0x1a4: {  	s5 =	sor.u32 @p3 $0x30, s19;
	v16 =	vld [tilespmem:s0+$0x0];
	[tilespmem:s19+$0x4020] =	vst @p3 v15  }
0x1a5: {  	v15 =	vld @p3 [tilespmem:s5+$0x0];
	_ =	sdelay $0x3  }
0x1a6: {  	v16 =	vsub.f32 v16, v12  }
0x1a7: {  	v15 =	vsub.f32 @p3 v15, v12  }
0x1a8: {  	v16 =	vmul.f32 $2.000000000e+02, v16  }
0x1a9: {  	v15 =	vmul.f32 @p3 $2.000000000e+02, v15  }
0x1aa: {  	v16 =	vmul.f32 $1.442695020e+00, v16  }
0x1ab: {  	v15 =	vmul.f32 @p3 $1.442695020e+00, v15  }
0x1ac: {  	(erf) = vpow2.f32 v16  }
0x1ad: {  	(erf) = vpow2.f32 @p3 v15;
	_ =	sdelay $0x7  }
0x1ae: {  	v15 =	vpop (erf)  }
0x1af: {  	v15 =	vmul.f32 v15, v14;
	v16 =	vpop @p3 (erf)  }
0x1b0: {  	v16 =	vmul.f32 @p3 v16, v14  }
0x1b1: {  	[tilespmem:s0+$0x4000] =	vst v15  }
0x1b2: {  	s20 =	sor.u32 $0x10, s0;
	[tilespmem:s19+$0x4030] =	vst @p3 v16  }
0x1b3: {  	v15 =	vld [tilespmem:s20+$0x0];
	_ =	sdelay $0x4  }
0x1b4: {  	v15 =	vsub.f32 v15, v12;
	_ =	sdelay $0x1  }
0x1b5: {  	v15 =	vmul.f32 $2.000000000e+02, v15;
	_ =	sdelay $0x1  }
0x1b6: {  	v15 =	vmul.f32 $1.442695020e+00, v15;
	_ =	sdelay $0x1  }
0x1b7: {  	(erf) = vpow2.f32 v15;
	_ =	sdelay $0x8  }
0x1b8: {  	v15 =	vpop (erf)  }
0x1b9: {  	v15 =	vmul.f32 v15, v14;
	_ =	sdelay $0x1  }
0x1ba: {  	s21 =	sor.u32 $0x20, s0;
	[tilespmem:s0+$0x4010] =	vst v15  }
0x1bb: {  	v15 =	vld [tilespmem:s21+$0x0];
	_ =	sdelay $0x4  }
0x1bc: {  	v15 =	vsub.f32 v15, v12;
	_ =	sdelay $0x1  }
0x1bd: {  	v15 =	vmul.f32 $2.000000000e+02, v15;
	_ =	sdelay $0x1  }
0x1be: {  	v15 =	vmul.f32 $1.442695020e+00, v15;
	_ =	sdelay $0x1  }
0x1bf: {  	(erf) = vpow2.f32 v15;
	_ =	sdelay $0x8  }
0x1c0: {  	v15 =	vpop (erf)  }
0x1c1: {  	v15 =	vmul.f32 v15, v14;
	_ =	sdelay $0x1  }
0x1c2: {  	s31 =	sor.u32 $0x30, s0;
	[tilespmem:s0+$0x4020] =	vst v15  }
0x1c3: {  	v15 =	vld [tilespmem:s31+$0x0];
	_ =	sdelay $0x4  }
0x1c4: {  	v15 =	vsub.f32 v15, v12;
	_ =	sdelay $0x1  }
0x1c5: {  	v15 =	vmul.f32 $2.000000000e+02, v15;
	_ =	sdelay $0x1  }
0x1c6: {  	v15 =	vmul.f32 $1.442695020e+00, v15;
	_ =	sdelay $0x1  }
0x1c7: {  	(erf) = vpow2.f32 v15;
	_ =	sdelay $0x8  }
0x1c8: {  	v15 =	vpop (erf)  }
0x1c9: {  	v15 =	vmul.f32 v15, v14;
	_ =	sdelay $0x1  }
0x1ca: {  	[tilespmem:s0+$0x4030] =	vst v15  }
.LBB2_46:
0x1cb: {  	s0 =	sld [smem:$0x7FA];
	_ =	sdelay $0x2  }
0x1cc: {  	p0 =	seq.s32 s0, $0x1  }
.Ltmp34:
0x1cd: {  	_ = 	snop;
	(pc) =	sbr.rel @!p0 .LBB2_63-.Ltmp34, $1  }
0x1ce: {  	_ =	sdelay $0x3  }
0x1cf: {  	p0 =	sne.s32 s9, $0x1  }
.Ltmp35:
0x1d0: {  	s0 =	sand.u32 $0xFFFFFC00, s10;
	(pc) =	sbr.rel @!p0 .LBB2_48-.Ltmp35, $4  }
0x1d1: {  	s5 =	sand.u32 $0x70, s11;
	s6 =	sadd.s32 s12, s0  }
0x1d2: {  	p3 =	por $0x0, $0x0;
	s5 =	sor.u32 s5, s6  }
0x1d3: {  	p4 =	por $0x0, $0x0;
	p5 =	por $0x0, $0x0;
	s19 =	sor.u32 s14, s5  }
0x1d4: {  	s0 =	sadd.s32 $0xFFFFFFFF, s9;
	s6 =	sadd.s32 $0x10, s11;
	s5 =	sadd.s32 $0x80, s10;
	v15 =	vld [tilespmem:s19+$0x0]  }
0x1d5: {  	_ = 	snop  }
0x1d6: {  	p0 =	sne.s32 s0, $0x1  }
.Ltmp36:
0x1d7: {  	s16 =	sand.u32 $0xFFFFFC00, s5;
	(pc) =	sbr.rel @!p0 .LBB2_55-.Ltmp36, $4  }
0x1d8: {  	s18 =	sand.u32 $0x70, s6;
	s16 =	sadd.s32 s12, s16  }
0x1d9: {  	s16 =	sor.u32 s18, s16;
	v16 =	vsub.f32 v15, v12  }
0x1da: {  	p3 =	por $0x1, $0x1;
	s16 =	sor.u32 s14, s16  }
0x1db: {  	s18 =	sadd.s32 $0xFFFFFFFF, s0;
	s0 =	sadd.s32 $0x80, s5;
	s5 =	sadd.s32 $0x10, s6;
	v15 =	vld [tilespmem:s16+$0x0];
	v16 =	vmul.f32 $2.000000000e+02, v16  }
0x1dc: {  	_ = 	snop  }
0x1dd: {  	v16 =	vmul.f32 $1.442695020e+00, v16;
	_ =	sdelay $0x1  }
0x1de: {  	(erf) = vpow2.f32 v16;
	_ =	sdelay $0x2  }
0x1df: {  	p0 =	sne.s32 s18, $0x1  }
.Ltmp37:
0x1e0: {  	s6 =	sand.u32 $0xFFFFFC00, s0;
	(pc) =	sbr.rel @!p0 .LBB2_57-.Ltmp37, $4  }
0x1e1: {  	s20 =	sand.u32 $0x70, s5;
	s6 =	sadd.s32 s12, s6  }
0x1e2: {  	s6 =	sor.u32 s20, s6;
	v17 =	vsub.f32 v15, v12  }
0x1e3: {  	s18 =	sadd.s32 $0xFFFFFFFF, s18;
	s6 =	sor.u32 s14, s6  }
0x1e4: {  	s0 =	sadd.s32 $0x80, s0;
	s21 =	sadd.s32 $0x10, s5;
	p4 =	por $0x1, $0x1;
	v15 =	vld [tilespmem:s6+$0x0];
	v16 =	vmul.f32 $2.000000000e+02, v17  }
0x1e5: {  	_ = 	snop  }
0x1e6: {  	s5 =	sand.u32 $0xFFFFFC00, s0;
	p0 =	sne.s32 s18, $0x1;
	v16 =	vmul.f32 $1.442695020e+00, v16  }
.Ltmp38:
0x1e7: {  	s20 =	sand.u32 $0x70, s21;
	s5 =	sadd.s32 s12, s5;
	(pc) =	sbr.rel @!p0 .LBB2_59-.Ltmp38, $4  }
0x1e8: {  	s5 =	sor.u32 s20, s5;
	(erf) = vpow2.f32 v16  }
0x1e9: {  	s5 =	sor.u32 s14, s5;
	v17 =	vsub.f32 v15, v12  }
0x1ea: {  	s18 =	sadd.s32 $0xFFFFFFFF, s18;
	s21 =	sadd.s32 $0x10, s21;
	v15 =	vld [tilespmem:s5+$0x0]  }
0x1eb: {  	p5 =	por $0x1, $0x1;
	s20 =	sadd.s32 $0x80, s0;
	s0 =	smov.u32 s19;
	v16 =	vmul.f32 $2.000000000e+02, v17  }
.LBB2_60:
0x1ec: {  	s31 =	sand.u32 $0xFFFFFC00, s20;
	p0 =	sne.s32 s18, $0x1;
	s18 =	sadd.s32 $0xFFFFFFFF, s18;
	v17 =	vpop (erf)  }
.Ltmp39:
0x1ed: {  	s7 =	sand.u32 $0x70, s21;
	s31 =	sadd.s32 s12, s31;
	v16 =	vmul.f32 $1.442695020e+00, v16;
	v17 =	vmul.f32 v17, v14;
	(pc) =	sbr.rel @p0 .LBB2_60-.Ltmp39, $4  }
0x1ee: {  	s7 =	sor.u32 s7, s31  }
0x1ef: {  	s7 =	sor.u32 s14, s7;
	v18 =	vsub.f32 v15, v12;
	(erf) = vpow2.f32 v16;
	[tilespmem:s0+$0x4000] =	vst v17;
	s0 =	smov.u32 s16;
	s16 =	smov.u32 s6  }
0x1f0: {  	s6 =	smov.u32 s5;
	v15 =	vld [tilespmem:s7+$0x0];
	s5 =	smov.u32 s7  }
0x1f1: {  	s20 =	sadd.s32 $0x80, s20;
	s21 =	sadd.s32 $0x10, s21;
	v16 =	vmul.f32 $2.000000000e+02, v18  }
0x1f2: {  	s14 =	smov.u32 s6;
	s18 =	smov.u32 s16;
	s6 =	smov.u32 s5  }
.LBB2_62:
0x1f3: {  	_ =	sdelay $0x1  }
0x1f4: {  	v12 =	vsub.f32 v15, v12;
	_ =	sdelay $0x1  }
0x1f5: {  	v12 =	vmul.f32 $2.000000000e+02, v12  }
0x1f6: {  	v15 =	vmul.f32 @p3 $1.442695020e+00, v16  }
0x1f7: {  	v12 =	vmul.f32 $1.442695020e+00, v12  }
0x1f8: {  	(erf) = vpow2.f32 @p3 v15  }
0x1f9: {  	(erf) = vpow2.f32 v12;
	_ =	sdelay $0x5  }
0x1fa: {  	v12 =	vpop @p5 (erf)  }
0x1fb: {  	s5 =	smov.u32 @p3 s14;
	v15 =	vpop @p4 (erf);
	v12 =	vmul.f32 @p5 v12, v14  }
0x1fc: {  	s7 =	smov.u32 @p4 s18;
	s19 =	smov.u32 @p3 s5;
	v15 =	vmul.f32 @p4 v15, v14;
	v16 =	vpop @p3 (erf)  }
0x1fd: {  	s5 =	smov.u32 @p3 s19;
	[tilespmem:s0+$0x4000] =	vst @p5 v12;
	s0 =	smov.u32 @p4 s7;
	v12 =	vmul.f32 @p3 v16, v14;
	v63 =	vpop (erf)  }
0x1fe: {  	[tilespmem:s0+$0x4000] =	vst @p4 v15;
	s0 =	smov.u32 @p3 s5;
	v15 =	vmul.f32 v63, v14  }
0x1ff: {  	[tilespmem:s0+$0x4000] =	vst @p3 v12  }
0x200: {  	[tilespmem:s6+$0x4000] =	vst v15  }
.LBB2_63:
0x201: {  	s0 =	sld [smem:$0x7FB];
	_ =	sdelay $0x2  }
0x202: {  	p0 =	seq.s32 s0, $0x1  }
0x203: {  	s31 =	sld [smem:$0x7FC];
	v12 =	vmul.f32 @!p0 v14, v13;
	_ =	sdelay $0x1  }
0x204: {  	v12 =	vnsel @!p0 vm2, $0x0, v12  }
0x205: {  	[tilespmem:s30+$0x4000] =	vst @!p0 v12;
	p0 =	seq.s32 s31, $0x1  }
.Ltmp40:
0x206: {  	_ = 	snop;
	(pc) =	sbr.rel @p0 .LBB2_67-.Ltmp40, $1  }
0x207: {  	_ =	sdelay $0x3  }
0x208: {  	p0 =	sne.s32 s13, $0x1  }
.Ltmp41:
0x209: {  	_ = 	snop;
	(pc) =	sbr.rel @!p0 .LBB2_66-.Ltmp41, $4  }
0x20a: {  	_ = 	snop  }
0x20b: {  	s0 =	sor.u32 $0x4000, s12;
	s5 =	sand.u32 $0xFFFFFC00, s15  }
0x20c: {  	s6 =	sand.u32 $0x70, s28;
	s12 =	smov.u32 s28;
	s7 =	sadd.s32 s5, s0  }
0x20d: {  	s5 =	sadd.s32 $0xFFFFFFFF, s13;
	s14 =	sadd.s32 s6, s7;
	s6 =	smov.u32 s15  }
.LBB2_65:
0x20e: {  	p0 =	sne.s32 s5, $0x1;
	[tilespmem:v11+s14+$0x0 ss:$0x1] =	vst.idx.msk $0xffff, v0;
	s6 =	sadd.s32 $0x80, s6;
	s12 =	sadd.s32 $0x10, s12  }
.Ltmp42:
0x20f: {  	s5 =	sadd.s32 $0xFFFFFFFF, s5;
	(pc) =	sbr.rel @p0 .LBB2_65-.Ltmp42, $4  }
0x210: {  	_ = 	snop  }
0x211: {  	s7 =	sand.u32 $0xFFFFFC00, s6  }
0x212: {  	s14 =	sand.u32 $0x70, s12;
	s7 =	sadd.s32 s7, s0  }
0x213: {  	s14 =	sadd.s32 s14, s7  }
.Ltmp43:
0x214: {  	_ = 	snop;
	(pc) =	sbr.rel .LBB2_66-.Ltmp43, $1  }
0x215: {  	_ =	sdelay $0x3  }
.LBB2_9:
.Ltmp44:
0x216: {  	(pc) =	sbr.rel .LBB2_14-.Ltmp44, $3  }
0x217: {  	_ =	sdelay $0x1  }
0x218: {  	v17 =	vimm.f32 $-3.000000010e+38  }
0x219: {  	v14 =	vimm.f32 $-3.000000010e+38;
	v15 =	vimm.f32 $-3.000000010e+38;
	v16 =	vimm.f32 $-3.000000010e+38  }
.LBB2_22:
.Ltmp45:
0x21a: {  	(pc) =	sbr.rel .LBB2_33-.Ltmp45, $3  }
0x21b: {  	_ =	sdelay $0x1  }
0x21c: {  	v20 =	vimm.f32 $0.0e+00  }
0x21d: {  	v19 =	vimm.f32 $0.0e+00;
	v23 =	vimm.f32 $0.0e+00;
	v26 =	vimm.f32 $0.0e+00  }
.LBB2_50:
.Ltmp46:
0x21e: {  	(pc) =	sbr.rel .LBB2_53-.Ltmp46, $2  }
0x21f: {  	_ =	sdelay $0x2  }
0x220: {  	_ = 	snop  }
.LBB2_11:
.Ltmp47:
0x221: {  	_ = 	snop;
	(pc) =	sbr.rel .LBB2_14-.Ltmp47, $2  }
0x222: {  	_ =	sdelay $0x2  }
0x223: {  	v17 =	vimm.f32 $-3.000000010e+38;
	v18 =	vmovc v19;
	v23 =	vmov v20;
	v22 =	vmov v21  }
.LBB2_24:
.Ltmp48:
0x224: {  	(pc) =	sbr.rel .LBB2_33-.Ltmp48, $3  }
0x225: {  	_ =	sdelay $0x1  }
0x226: {  	v20 =	vimm.f32 $0.0e+00  }
0x227: {  	v19 =	vimm.f32 $0.0e+00;
	v23 =	vimm.f32 $0.0e+00;
	v26 =	vimm.f32 $0.0e+00  }
.LBB2_26:
.Ltmp49:
0x228: {  	(pc) =	sbr.rel .LBB2_33-.Ltmp49, $3  }
0x229: {  	_ =	sdelay $0x1  }
0x22a: {  	v20 =	vimm.f32 $0.0e+00  }
0x22b: {  	v19 =	vimm.f32 $0.0e+00;
	v23 =	vimm.f32 $0.0e+00;
	v26 =	vimm.f32 $0.0e+00  }
.LBB2_28:
.Ltmp50:
0x22c: {  	(pc) =	sbr.rel .LBB2_33-.Ltmp50, $3  }
0x22d: {  	_ =	sdelay $0x1  }
0x22e: {  	v20 =	vimm.f32 $0.0e+00;
	v28 =	vmov v21;
	v29 =	vmov v22  }
0x22f: {  	v19 =	vimm.f32 $0.0e+00;
	v23 =	vimm.f32 $0.0e+00;
	v26 =	vimm.f32 $0.0e+00;
	v31 =	vmovc v24;
	v30 =	vmovc v25  }
.LBB2_30:
.Ltmp51:
0x230: {  	(pc) =	sbr.rel .LBB2_33-.Ltmp51, $2  }
0x231: {  	_ =	sdelay $0x2  }
0x232: {  	v20 =	vimm.f32 $0.0e+00  }
.LBB2_36:
.Ltmp52:
0x233: {  	(pc) =	sbr.rel .LBB2_44-.Ltmp52, $2  }
0x234: {  	_ =	sdelay $0x2  }
0x235: {  	v16 =	vmov v14  }
.LBB2_48:
.Ltmp53:
0x236: {  	(pc) =	sbr.rel .LBB2_62-.Ltmp53, $2  }
0x237: {  	_ =	sdelay $0x2  }
0x238: {  	s6 =	smov.u32 s19  }
.LBB2_38:
.Ltmp54:
0x239: {  	(pc) =	sbr.rel .LBB2_44-.Ltmp54, $2  }
0x23a: {  	_ =	sdelay $0x2  }
0x23b: {  	v16 =	vmov v14  }
.LBB2_55:
.Ltmp55:
0x23c: {  	(pc) =	sbr.rel .LBB2_62-.Ltmp55, $2  }
0x23d: {  	_ =	sdelay $0x2  }
0x23e: {  	s14 =	smov.u32 s19;
	s6 =	smov.u32 s16  }
.LBB2_40:
.Ltmp56:
0x23f: {  	(pc) =	sbr.rel .LBB2_44-.Ltmp56, $2  }
0x240: {  	_ =	sdelay $0x2  }
0x241: {  	v16 =	vmov v14  }
.LBB2_57:
.Ltmp57:
0x242: {  	(pc) =	sbr.rel .LBB2_62-.Ltmp57, $2  }
0x243: {  	_ =	sdelay $0x2  }
0x244: {  	s18 =	smov.u32 s19;
	s14 =	smov.u32 s16  }
.LBB2_42:
.Ltmp58:
0x245: {  	(pc) =	sbr.rel .LBB2_44-.Ltmp58, $2  }
0x246: {  	_ =	sdelay $0x2  }
0x247: {  	v16 =	vmov v14  }
.LBB2_59:
.Ltmp59:
0x248: {  	(pc) =	sbr.rel .LBB2_62-.Ltmp59, $3  }
0x249: {  	_ =	sdelay $0x1  }
0x24a: {  	s14 =	smov.u32 s6  }
0x24b: {  	s0 =	smov.u32 s19;
	s18 =	smov.u32 s16;
	s6 =	smov.u32 s5  }
.LBB2_68:
0x24c: {  	s0 =	sshll.u32 s25, $0x10;
	s4 =	sshll.u32 s1, $0xA;
	s7 =	rddreg [dreg:$0x3]  }
0x24d: {  	s30 =	simm.s32 $0x0;
	s31 =	sld [smem:$0x7FD];
	s0 =	sadd.s32 s7, s0  }
0x24e: {  	s5 =	simm.s32 $0x4000;
	s6 =	rddreg [dreg:$0x0];
	s0 =	sadd.s32 s4, s0  }
0x24f: {  	[hbm4b:s0+s30] =	stream.linear.scatter [tilespmem:s5], [sflag:$0x3], $0x2000, $0x38;
	[tilespmem:$0xA100] =	vst v63  }
0x250: {  	s8 =	rddreg [dreg:$0x5];
	p1 =	seq.s32 s31, $0x1  }
.LBB2_69:
0x251: {  	s0 =	smin.u32 s26, $0xD  }
0x252: {  	s0 =	sadd.s32 $0x2, s0  }
0x253: {  	v10 =	vmov s0  }
0x254: {  	v10 =	vperm.xlane v8, v10;
	_ =	sdelay $0x1  }
0x255: {  	(v2sf) =	vpush v10, $0x0;
	_ =	sdelay $0x4  }
0x256: {  	s28 =	sor.u32 $0x1, s26  }
0x257: {  	v11 =	vmov s28  }
0x258: {  	v10 =	vperm.xlane v8, v11  }
0x259: {  	p0 =	slt.s32 s3, s2  }
0x25a: {  	s2 =	sshll.u32 @!p0 s25, $0x10;
	(v2sf) =	vpush v10, $0x0  }
0x25b: {  	s1 =	sshll.u32 @!p0 s1, $0xA;
	s3 =	simm.s32 @!p0 $0x8000;
	s2 =	sadd.s32 @!p0 s7, s2  }
0x25c: {  	s20 =	sshll.u32 s0, $0x1;
	s1 =	sadd.s32 @!p0 s1, s2;
	s2 =	simm.s32 @!p0 $0x0  }
0x25d: {  	[hbm4b:s1+s2] =	stream.linear.scatter @!p0 [tilespmem:s3], [sflag:$0x5], $0x2000, $0x38;
	[tilespmem:$0xA100] =	vst v63  }
0x25e: {  	s1 =	sadd.s32 s8, s20;
	v11 =	vperm.xlane v9, v11  }
0x25f: {  	s1 =	sand.u32 $0x1F, s1  }
0x260: {  	p3 =	seq.s32 s25, $0x7;
	s3 =	sshll.u32 s1, $0x4;
	(v2sf) =	vpush v11, $0x0;
	s2 =	spop (v2sf)  }
0x261: {  	p0 =	sge.s32 @!p3 s3, s2  }
0x262: {  	p0 =	por p0, p3  }
0x263: {  	s0 =	sshll.u32 @!p0 s0, $0xF  }
0x264: {  	s1 =	sshll.u32 @!p0 s1, $0xA;
	s0 =	sadd.s32 @!p0 s6, s0  }
0x265: {  	s21 =	sshll.u32 s28, $0x1;
	s0 =	sadd.s32 @!p0 s1, s0;
	s1 =	simm.s32 @!p0 $0x0  }
0x266: {  	[tilespmem:s1], [sflag:$0x1] =	stream.linear.gather @!p0 [hbm4b:s0+s1], $0x2000, $0x38;
	[tilespmem:$0xA100] =	vst v63  }
0x267: {  	s0 =	sadd.s32 s8, s21  }
0x268: {  	s29 =	sand.u32 $0x1F, s0  }
0x269: {  	s30 =	spop (v2sf);
	s31 =	sshll.u32 s29, $0x4  }
0x26a: {  	p2 =	sge.s32 s31, s30  }
.Ltmp60:
0x26b: {  	_ = 	snop;
	(pc) =	sbr.rel @p2 .LBB2_140-.Ltmp60, $2  }
0x26c: {  	_ =	sdelay $0x2  }
0x26d: {  	s0 =	spop (v2sf)  }
0x26e: {  	s1 =	simm.s32 @!p3 $0x0;
	[dreg:$0xc] =	wrdreg s26  }
0x26f: {  	s19 =	sand.u32 $0xF, s0;
	s2 =	sshra.s32 s0, $0x1F;
	p0 =	slt.s32 s0, $0x1  }
0x270: {  	s3 =	simm.s32 $0x1;
	s1 =	simm.s32 @p3 $0x1;
	p1 =	sne.s32 s19, $0x0  }
0x271: {  	s20 =	sshrl.u32 s2, $0x1C;
	[smem:$0x7F3] =	sst s1;
	s1 =	simm.s32 @!p2 $0x0  }
0x272: {  	s2 =	simm.s32 $0x1;
	p0 =	por !p0, !p1;
	s1 =	simm.s32 @p2 $0x1  }
0x273: {  	p0 =	por !p0, !p0;
	[smem:$0x7F4] =	sst s1;
	s1 =	sadd.s32 s20, s0  }
0x274: {  	s8 =	simm.s32 $0x2;
	s2 =	simm.s32 @!p0 $0x0;
	s1 =	sshra.s32 s1, $0x4  }
0x275: {  	_ =	swait.ge [sflag:s8], $0x2000;
	s5 =	ssub.s32 s1, s2;
	s2 =	simm.s32 $0xFFFFFFFF  }
0x276: {  	[sflag:s8] =	ssyncset.done $0x0;
	s6 =	sshll.u32 s5, $0x4;
	s2 =	simm.s32 @!p0 $0x0  }
0x277: {  	s4 =	sand.u32 $0x3, s5;
	p5 =	slt.s32 s5, $0x1;
	s26 =	sshrl.u32 s5, $0x1E  }
0x278: {  	p1 =	slt.s32 s5, $0x1F;
	[sflag:s8] =	ssyncadd.s32 $0xFFFFE000;
	s21 =	ssub.s32 s0, s6  }
0x279: {  	p6 =	sne.s32 s4, $0x0;
	s4 =	simm.s32 $0x1;
	p0 =	sgt.s32 s21, $0x0  }
0x27a: {  	s1 =	sadd.s32 s2, s1;
	s3 =	simm.s32 @!p0 $0x0;
	p0 =	por !p5, !p6  }
0x27b: {  	s7 =	sadd.s32 s3, s5;
	s3 =	sadd.s32 s26, s5;
	p0 =	por !p0, !p0  }
0x27c: {  	s3 =	sshra.s32 s3, $0x2;
	s4 =	simm.s32 @!p0 $0x0;
	p0 =	seq.s32 s23, $0x0  }
0x27d: {  	s4 =	ssub.s32 s3, s4;
	s3 =	smov.u32 s5;
	s8 =	simm.s32 @!p0 $0x4  }
0x27e: {  	p5 =	slt.s32 s21, $0x1;
	s3 =	simm.s32 @!p1 $0x1F;
	_ =	swait.ge @!p0 [sflag:s8], $0x2000  }
0x27f: {  	s15 =	ssub.s32 $0x20, s7;
	s9 =	sshll.u32 s3, $0x4;
	[sflag:s8] =	ssyncset.done @!p0 $0x0  }
0x280: {  	s11 =	sshll.u32 s4, $0x2;
	[sflag:s8] =	ssyncadd.s32 @!p0 $0xFFFFE000;
	v12 =	vor.u32 s9, v6;
	p0 =	slt.s32 s4, $0x1  }
0x281: {  	s13 =	sshll.u32 s4, $0x6;
	s3 =	sshll.u32 s3, $0x7;
	vm1 =	vge.s32 v12, s6;
	s6 =	simm.s32 @!p0 $0x0  }
0x282: {  	s1 =	ssub.s32 s1, s11;
	s6 =	simm.s32 @p0 $0x1;
	p0 =	sgt.s32 s4, $0x0  }
0x283: {  	p4 =	sge.s32 s11, s5;
	s10 =	sand.u32 $0x70, s9;
	s0 =	simm.s32 @!p0 $0x0  }
0x284: {  	s3 =	sand.u32 $0xFFFFFC00, s3;
	s0 =	simm.s32 @p0 $0x1;
	p0 =	slt.s32 s11, s5  }
.Ltmp61:
0x285: {  	[smem:$0x7F6] =	sst s0;
	s0 =	simm.s32 @!p0 $0x0;
	(pc) =	sbr.rel .LBB2_71-.Ltmp61, $4  }
0x286: {  	v11 =	vbroadcast v11, $0x0;
	s8 =	sshll.u32 s7, $0x7;
	s0 =	simm.s32 @p0 $0x1;
	p0 =	sgt.s32 s7, $0x1F  }
0x287: {  	s9 =	sshll.u32 s7, $0x4;
	[smem:$0x7F7] =	sst s0;
	s0 =	simm.s32 @!p0 $0x0  }
0x288: {  	s2 =	sor.u32 s10, s3;
	vm0 =	vlt.s32 v12, v11;
	[smem:$0x7F5] =	sst s6;
	s0 =	simm.s32 @p0 $0x1  }
0x289: {  	s3 =	sshll.u32 s4, $0x9;
	s10 =	simm.s32 $0x0;
	vm2 =	vlt.s32 @!p5 v12, v11;
	vm1 =	vmand vm1, vm0;
	[smem:$0x7F8] =	sst s0  }
.LBB2_137:
0x28a: {  	_ =	sdelay $0x3  }
0x28b: {  	[tilespmem:v11+s12+$0x0 ss:$0x1] =	vst.idx.msk $0xffff, v0  }
.LBB2_138:
0x28c: {  	s10 =	sadd.s32 $0x1, s10  }
0x28d: {  	p0 =	sne.s32 s10, $0x10  }
.Ltmp62:
0x28e: {  	_ = 	snop;
	(pc) =	sbr.rel @!p0 .LBB2_139-.Ltmp62, $1  }
0x28f: {  	_ =	sdelay $0x3  }
.LBB2_71:
0x290: {  	s26 =	sld [smem:$0x7F5];
	_ =	sdelay $0x2  }
0x291: {  	p0 =	seq.s32 s26, $0x1  }
.Ltmp63:
0x292: {  	_ = 	snop;
	(pc) =	sbr.rel @p0 .LBB2_72-.Ltmp63, $3  }
0x293: {  	_ =	sdelay $0x1  }
0x294: {  	s0 =	sshll.u32 s10, $0x9;
	s5 =	sshll.u32 s10, $0x7  }
0x295: {  	s11 =	sand.u32 $0x1000, s0;
	s12 =	sand.u32 $0x380, s5  }
0x296: {  	v11 =	vmov s12  }
0x297: {  	s0 =	simm.s32 $0x0  }
0x298: {  	s5 =	sor.u32 $0x2000, s11;
	p1 =	sne.s32 s4, $0x1;
	s6 =	sand.u32 $0xFFFFFC00, s0  }
.Ltmp64:
0x299: {  	s0 =	sand.u32 $0x40, s0;
	s6 =	sadd.s32 s6, s5;
	(pc) =	sbr.rel @!p1 .LBB2_74-.Ltmp64, $4  }
0x29a: {  	s0 =	sadd.s32 s0, s6  }
0x29b: {  	v18 =	vld.idx.msk [tilespmem:v11+s0+$0x30 ss:$0x1], $0xffff  }
0x29c: {  	s16 =	simm.s32 $0x200;
	v23 =	vld.idx.msk [tilespmem:v11+s0+$0x0 ss:$0x1], $0xffff  }
0x29d: {  	v12 =	vimm.f32 $-3.000000010e+38;
	s14 =	simm.s32 $0x40;
	p0 =	por $0x0, $0x0;
	s6 =	sadd.s32 $0xFFFFFFFF, s4;
	v22 =	vld.idx.msk [tilespmem:v11+s0+$0x10 ss:$0x1], $0xffff  }
0x29e: {  	_ =	sdelay $0x2  }
0x29f: {  	s7 =	sand.u32 $0xFFFFFC00, s16;
	p1 =	sne.s32 s6, $0x1  }
.Ltmp65:
0x2a0: {  	v13 =	vld.idx.msk [tilespmem:v11+s0+$0x20 ss:$0x1], $0xffff;
	s26 =	sand.u32 $0x40, s14;
	s7 =	sadd.s32 s7, s5;
	(pc) =	sbr.rel @!p1 .LBB2_76-.Ltmp65, $4  }
0x2a1: {  	s0 =	sadd.s32 s26, s7  }
0x2a2: {  	v19 =	vld.idx.msk [tilespmem:v11+s0+$0x30 ss:$0x1], $0xffff  }
0x2a3: {  	s6 =	sadd.s32 $0xFFFFFFFF, s6;
	v17 =	vimm.f32 $-3.000000010e+38;
	v20 =	vld.idx.msk [tilespmem:v11+s0+$0x0 ss:$0x1], $0xffff  }
0x2a4: {  	s14 =	simm.s32 $0x400;
	s16 =	simm.s32 $0x80;
	p0 =	por $0x1, $0x1;
	v14 =	vmax.f32 v12, v18;
	v15 =	vmax.f32 v12, v23;
	v21 =	vld.idx.msk [tilespmem:v11+s0+$0x10 ss:$0x1], $0xffff;
	v16 =	vmax.f32 v12, v22  }
.LBB2_77:
0x2a5: {  	s7 =	sand.u32 $0xFFFFFC00, s14;
	p1 =	sne.s32 s6, $0x1;
	s6 =	sadd.s32 $0xFFFFFFFF, s6;
	v17 =	vmax.f32 v17, v13;
	v13 =	vld.idx.msk [tilespmem:v11+s0+$0x20 ss:$0x1], $0xffff  }
.Ltmp66:
0x2a6: {  	s0 =	sand.u32 $0x40, s16;
	s7 =	sadd.s32 s7, s5;
	(pc) =	sbr.rel @p1 .LBB2_77-.Ltmp66, $4  }
0x2a7: {  	s0 =	sadd.s32 s0, s7  }
0x2a8: {  	v14 =	vmax.f32 v14, v19;
	v19 =	vld.idx.msk [tilespmem:v11+s0+$0x30 ss:$0x1], $0xffff  }
0x2a9: {  	v15 =	vmax.f32 v15, v20;
	v20 =	vld.idx.msk [tilespmem:v11+s0+$0x0 ss:$0x1], $0xffff  }
0x2aa: {  	s14 =	sadd.s32 $0x200, s14;
	s16 =	sadd.s32 $0x40, s16;
	v16 =	vmax.f32 v16, v21;
	v21 =	vld.idx.msk [tilespmem:v11+s0+$0x10 ss:$0x1], $0xffff  }
0x2ab: {  	_ =	sdelay $0x3  }
0x2ac: {  	v18 =	vmov v19;
	v23 =	vmov v20;
	v22 =	vmov v21  }
.LBB2_79:
0x2ad: {  	_ =	sdelay $0x3  }
0x2ae: {  	v11 =	vld.idx.msk [tilespmem:v11+s0+$0x20 ss:$0x1], $0xffff;
	_ =	sdelay $0x2  }
.Ltmp67:
0x2af: {  	v13 =	vmax.f32 @p0 v17, v13;
	(pc) =	sbr.rel .LBB2_80-.Ltmp67, $4  }
0x2b0: {  	v15 =	vmax.f32 v15, v23;
	v16 =	vmax.f32 v16, v22;
	v12 =	vpsel p0, v13, v12  }
0x2b1: {  	v62 =	vmax.f32 v15, v16;
	v11 =	vmax.f32 v12, v11  }
0x2b2: {  	v63 =	vmax.f32 v14, v18;
	v11 =	vmax.f32 v62, v11  }
0x2b3: {  	v11 =	vmax.f32 v11, v63  }
.LBB2_72:
0x2b4: {  	v11 =	vimm.f32 $-3.000000010e+38  }
.LBB2_80:
.Ltmp68:
0x2b5: {  	(pc) =	sbr.rel @p4 .LBB2_84-.Ltmp68, $1  }
0x2b6: {  	_ =	sdelay $0x3  }
0x2b7: {  	s0 =	sadd.s32 s12, s11  }
0x2b8: {  	s5 =	sand.u32 $0xFFFFFC00, s3;
	p0 =	sne.s32 s1, $0x1;
	s0 =	sadd.s32 $0x2000, s0  }
.Ltmp69:
0x2b9: {  	s6 =	sand.u32 $0x70, s13;
	s5 =	sadd.s32 s5, s0;
	(pc) =	sbr.rel @!p0 .LBB2_83-.Ltmp69, $3  }
0x2ba: {  	s6 =	sadd.s32 s6, s5  }
0x2bb: {  	v12 =	vld [tilespmem:s6+$0x0];
	_ =	sdelay $0x1  }
0x2bc: {  	s14 =	sadd.s32 $0x10, s13;
	s5 =	sadd.s32 $0xFFFFFFFF, s1;
	s6 =	sadd.s32 $0x80, s3  }
.LBB2_82:
0x2bd: {  	s7 =	sand.u32 $0xFFFFFC00, s6;
	p0 =	sne.s32 s5, $0x1;
	s5 =	sadd.s32 $0xFFFFFFFF, s5  }
.Ltmp70:
0x2be: {  	s16 =	sand.u32 $0x70, s14;
	s7 =	sadd.s32 s7, s0;
	(pc) =	sbr.rel @p0 .LBB2_82-.Ltmp70, $3  }
0x2bf: {  	s7 =	sadd.s32 s16, s7;
	v11 =	vmax.f32 v11, v12  }
0x2c0: {  	v12 =	vld [tilespmem:s7+$0x0];
	_ =	sdelay $0x1  }
0x2c1: {  	s6 =	sadd.s32 $0x80, s6;
	s14 =	sadd.s32 $0x10, s14  }
.LBB2_83:
0x2c2: {  	_ =	sdelay $0x1  }
0x2c3: {  	v11 =	vmax.f32 v11, v12  }
.LBB2_84:
0x2c4: {  	s0 =	sadd.s32 s2, s11  }
0x2c5: {  	s14 =	sor.u32 s12, s0  }
0x2c6: {  	v13 =	vld [tilespmem:s14+$0x2000];
	_ =	sdelay $0x4  }
0x2c7: {  	v12 =	vnsel vm0, $0xFF61B1E6, v13  }
0x2c8: {  	v11 =	vmax.f32 v11, v12  }
0x2c9: {  	v12 =	vperm.xlane v11, v1;
	_ =	sdelay $0x1  }
0x2ca: {  	v11 =	vmax.f32 v11, v12  }
0x2cb: {  	v12 =	vperm.xlane v11, v3;
	_ =	sdelay $0x1  }
0x2cc: {  	v11 =	vmax.f32 v11, v12  }
0x2cd: {  	v12 =	vperm.xlane v11, v5  }
0x2ce: {  	s26 =	sld [smem:$0x7F5]  }
0x2cf: {  	v11 =	vmax.f32 v11, v12  }
0x2d0: {  	v12 =	vperm.xlane v11, v7  }
0x2d1: {  	p0 =	seq.s32 s26, $0x1  }
.Ltmp71:
0x2d2: {  	v12 =	vmax.f32 v11, v12;
	v11 =	vmov s12;
	(pc) =	sbr.rel @p0 .LBB2_85-.Ltmp71, $2  }
0x2d3: {  	_ =	sdelay $0x2  }
0x2d4: {  	s21 =	sor.u32 $0x2000, s11  }
0x2d5: {  	p3 =	sne.s32 s4, $0x1  }
.Ltmp72:
0x2d6: {  	_ = 	snop;
	(pc) =	sbr.rel @!p3 .LBB2_87-.Ltmp72, $4  }
0x2d7: {  	_ = 	snop  }
0x2d8: {  	s19 =	simm.s32 $0x0  }
0x2d9: {  	s0 =	sadd.s32 $0xFFFFFFFF, s4;
	p2 =	por $0x0, $0x0;
	p6 =	por $0x0, $0x0  }
0x2da: {  	v14 =	vimm.f32 $0.0e+00;
	p0 =	por $0x0, $0x0;
	p1 =	por $0x0, $0x0;
	s20 =	sand.u32 $0xFFFFFC00, s19  }
0x2db: {  	_ =	sdelay $0x1  }
0x2dc: {  	s5 =	sand.u32 $0x40, s19;
	s6 =	sadd.s32 s20, s21;
	p3 =	sne.s32 s0, $0x1  }
.Ltmp73:
0x2dd: {  	s5 =	sadd.s32 s5, s6;
	(pc) =	sbr.rel @!p3 .LBB2_89-.Ltmp73, $4  }
0x2de: {  	v15 =	vld.idx.msk [tilespmem:v11+s5+$0x30 ss:$0x1], $0xffff  }
0x2df: {  	v16 =	vld.idx.msk [tilespmem:v11+s5+$0x0 ss:$0x1], $0xffff  }
0x2e0: {  	s26 =	simm.s32 $0x200;
	s0 =	sadd.s32 $0xFFFFFFFF, s0;
	v18 =	vld.idx.msk [tilespmem:v11+s5+$0x10 ss:$0x1], $0xffff  }
0x2e1: {  	s19 =	simm.s32 $0x40;
	p2 =	por $0x1, $0x1;
	s20 =	sand.u32 $0xFFFFFC00, s26;
	v17 =	vld.idx.msk [tilespmem:v11+s5+$0x20 ss:$0x1], $0xffff  }
0x2e2: {  	_ =	sdelay $0x1  }
0x2e3: {  	s5 =	sand.u32 $0x40, s19;
	s6 =	sadd.s32 s20, s21;
	p3 =	sne.s32 s0, $0x1;
	v19 =	vsub.f32 v15, v12  }
.Ltmp74:
0x2e4: {  	s5 =	sadd.s32 s5, s6;
	v20 =	vsub.f32 v16, v12;
	(pc) =	sbr.rel @!p3 .LBB2_91-.Ltmp74, $4  }
0x2e5: {  	v15 =	vld.idx.msk [tilespmem:v11+s5+$0x30 ss:$0x1], $0xffff;
	v21 =	vsub.f32 v18, v12;
	v19 =	vmul.f32 $2.000000000e+02, v19  }
0x2e6: {  	v16 =	vld.idx.msk [tilespmem:v11+s5+$0x0 ss:$0x1], $0xffff;
	v20 =	vmul.f32 $2.000000000e+02, v20;
	v22 =	vsub.f32 v17, v12  }
0x2e7: {  	s26 =	simm.s32 $0x400;
	s0 =	sadd.s32 $0xFFFFFFFF, s0;
	v18 =	vld.idx.msk [tilespmem:v11+s5+$0x10 ss:$0x1], $0xffff;
	v28 =	vmul.f32 $2.000000000e+02, v21;
	v29 =	vmul.f32 $1.442695020e+00, v19  }
0x2e8: {  	s19 =	simm.s32 $0x80;
	p6 =	por $0x1, $0x1;
	s20 =	sand.u32 $0xFFFFFC00, s26;
	v17 =	vld.idx.msk [tilespmem:v11+s5+$0x20 ss:$0x1], $0xffff;
	v30 =	vmul.f32 $1.442695020e+00, v20;
	v31 =	vmul.f32 $2.000000000e+02, v22  }
0x2e9: {  	_ =	sdelay $0x1  }
0x2ea: {  	s5 =	sand.u32 $0x40, s19;
	s6 =	sadd.s32 s20, s21;
	v19 =	vmul.f32 $1.442695020e+00, v28;
	(erf) = vpow2.f32 v29;
	p3 =	sne.s32 s0, $0x1;
	v20 =	vsub.f32 v15, v12  }
.Ltmp75:
0x2eb: {  	s5 =	sadd.s32 s5, s6;
	v21 =	vmul.f32 $1.442695020e+00, v31;
	(erf) = vpow2.f32 v30;
	v22 =	vsub.f32 v16, v12;
	(pc) =	sbr.rel @!p3 .LBB2_93-.Ltmp75, $4  }
0x2ec: {  	v15 =	vld.idx.msk [tilespmem:v11+s5+$0x30 ss:$0x1], $0xffff;
	(erf) = vpow2.f32 v19;
	v19 =	vsub.f32 v18, v12;
	v20 =	vmul.f32 $2.000000000e+02, v20  }
0x2ed: {  	v16 =	vld.idx.msk [tilespmem:v11+s5+$0x0 ss:$0x1], $0xffff;
	(erf) = vpow2.f32 v21;
	v23 =	vmul.f32 $2.000000000e+02, v22;
	v24 =	vsub.f32 v17, v12  }
0x2ee: {  	s26 =	simm.s32 $0x600;
	s19 =	simm.s32 $0xC0;
	v18 =	vld.idx.msk [tilespmem:v11+s5+$0x10 ss:$0x1], $0xffff;
	v21 =	vmul.f32 $2.000000000e+02, v19;
	v22 =	vmul.f32 $1.442695020e+00, v20  }
0x2ef: {  	p0 =	por $0x1, $0x1;
	s20 =	sand.u32 $0xFFFFFC00, s26;
	v17 =	vld.idx.msk [tilespmem:v11+s5+$0x20 ss:$0x1], $0xffff;
	s5 =	sadd.s32 $0xFFFFFFFF, s0;
	v25 =	vmul.f32 $1.442695020e+00, v23;
	v24 =	vmul.f32 $2.000000000e+02, v24  }
0x2f0: {  	v19 =	vmul.f32 $1.442695020e+00, v21  }
0x2f1: {  	(erf) = vpow2.f32 v22;
	v20 =	vsub.f32 v15, v12  }
0x2f2: {  	s0 =	sand.u32 $0x40, s19;
	s6 =	sadd.s32 s20, s21;
	p3 =	sne.s32 s5, $0x1;
	(erf) = vpow2.f32 v25;
	v23 =	vmul.f32 $1.442695020e+00, v24;
	v16 =	vsub.f32 v16, v12  }
.Ltmp76:
0x2f3: {  	s6 =	sadd.s32 s0, s6;
	(erf) = vpow2.f32 v19;
	v18 =	vsub.f32 v18, v12;
	v20 =	vmul.f32 $2.000000000e+02, v20;
	(pc) =	sbr.rel @!p3 .LBB2_95-.Ltmp76, $4  }
0x2f4: {  	v15 =	vld.idx.msk [tilespmem:v11+s6+$0x30 ss:$0x1], $0xffff;
	(erf) = vpow2.f32 v23;
	v19 =	vpop (erf);
	v26 =	vmul.f32 $2.000000000e+02, v16  }
0x2f5: {  	v16 =	vld.idx.msk [tilespmem:v11+s6+$0x0 ss:$0x1], $0xffff;
	v31 =	vsub.f32 v17, v12;
	v19 =	vadd.f32 v19, v14;
	v27 =	vpop (erf);
	v28 =	vmul.f32 $2.000000000e+02, v18  }
0x2f6: {  	s5 =	sadd.s32 $0xFFFFFFFF, s5;
	s0 =	simm.s32 $0x800;
	v18 =	vld.idx.msk [tilespmem:v11+s6+$0x10 ss:$0x1], $0xffff;
	v29 =	vmul.f32 $1.442695020e+00, v20;
	v20 =	vimm.f32 $0.0e+00;
	v32 =	vpop (erf);
	v23 =	vadd.f32 v27, v14  }
0x2f7: {  	s19 =	simm.s32 $0x100;
	p1 =	por $0x1, $0x1;
	s20 =	sand.u32 $0xFFFFFC00, s0;
	v17 =	vld.idx.msk [tilespmem:v11+s6+$0x20 ss:$0x1], $0xffff;
	v30 =	vmul.f32 $1.442695020e+00, v26;
	v31 =	vmul.f32 $2.000000000e+02, v31;
	v26 =	vadd.f32 v32, v14;
	v27 =	vpop (erf)  }
.LBB2_96:
0x2f8: {  	p3 =	sne.s32 s5, $0x1;
	s6 =	sand.u32 $0x40, s19;
	s7 =	sadd.s32 s20, s21;
	v33 =	vmul.f32 $1.442695020e+00, v28;
	(erf) = vpow2.f32 v29;
	v20 =	vadd.f32 v27, v20  }
0x2f9: {  	v27 =	vsub.f32 v15, v12;
	s6 =	sadd.s32 s6, s7;
	v29 =	vmul.f32 $1.442695020e+00, v31;
	(erf) = vpow2.f32 v30  }
.Ltmp77:
0x2fa: {  	v30 =	vsub.f32 v16, v12;
	v15 =	vld.idx.msk [tilespmem:v11+s6+$0x30 ss:$0x1], $0xffff;
	(erf) = vpow2.f32 v33;
	v28 =	vpop (erf);
	(pc) =	sbr.rel @p3 .LBB2_96-.Ltmp77, $4  }
0x2fb: {  	v31 =	vsub.f32 v18, v12;
	v35 =	vmul.f32 $2.000000000e+02, v27;
	v16 =	vld.idx.msk [tilespmem:v11+s6+$0x0 ss:$0x1], $0xffff;
	v19 =	vadd.f32 v28, v19;
	v32 =	vpop (erf)  }
0x2fc: {  	v30 =	vmul.f32 $2.000000000e+02, v30;
	v33 =	vsub.f32 v17, v12;
	v18 =	vld.idx.msk [tilespmem:v11+s6+$0x10 ss:$0x1], $0xffff;
	(erf) = vpow2.f32 v29;
	v34 =	vpop (erf)  }
0x2fd: {  	s0 =	sadd.s32 $0x200, s0;
	v28 =	vmul.f32 $2.000000000e+02, v31;
	v29 =	vmul.f32 $1.442695020e+00, v35;
	v23 =	vadd.f32 v32, v23;
	v17 =	vld.idx.msk [tilespmem:v11+s6+$0x20 ss:$0x1], $0xffff  }
0x2fe: {  	s5 =	sadd.s32 $0xFFFFFFFF, s5;
	s19 =	sadd.s32 $0x40, s19;
	s20 =	sand.u32 $0xFFFFFC00, s0;
	v30 =	vmul.f32 $1.442695020e+00, v30;
	v31 =	vmul.f32 $2.000000000e+02, v33;
	v26 =	vadd.f32 v34, v26;
	v27 =	vpop (erf)  }
0x2ff: {  	_ = 	snop  }
.LBB2_98:
0x300: {  	_ = 	snop  }
0x301: {  	v28 =	vmul.f32 @p6 $1.442695020e+00, v28  }
0x302: {  	v15 =	vsub.f32 @p2 v15, v12;
	s0 =	sand.u32 $0x40, s19;
	s5 =	sadd.s32 s20, s21;
	(erf) = vpow2.f32 @p6 v29;
	v29 =	vmul.f32 @p6 $1.442695020e+00, v31  }
0x303: {  	v16 =	vsub.f32 @p2 v16, v12;
	s0 =	sadd.s32 s0, s5;
	(erf) = vpow2.f32 @p6 v30;
	v18 =	vsub.f32 @p2 v18, v12  }
0x304: {  	v15 =	vmul.f32 @p2 $2.000000000e+02, v15;
	v53 =	vld.idx.msk [tilespmem:v11+s0+$0x30 ss:$0x1], $0xffff;
	(erf) = vpow2.f32 @p6 v28;
	v17 =	vsub.f32 @p2 v17, v12  }
0x305: {  	v16 =	vmul.f32 @p2 $2.000000000e+02, v16;
	v54 =	vld.idx.msk [tilespmem:v11+s0+$0x0 ss:$0x1], $0xffff;
	v18 =	vmul.f32 @p2 $2.000000000e+02, v18  }
0x306: {  	v55 =	vld.idx.msk [tilespmem:v11+s0+$0x10 ss:$0x1], $0xffff;
	v15 =	vmul.f32 @p2 $1.442695020e+00, v15;
	v17 =	vmul.f32 @p2 $2.000000000e+02, v17  }
0x307: {  	v56 =	vld.idx.msk [tilespmem:v11+s0+$0x20 ss:$0x1], $0xffff;
	(erf) = vpow2.f32 @p6 v29;
	v16 =	vmul.f32 @p2 $1.442695020e+00, v16  }
0x308: {  	v18 =	vpsel p2, v18, v21;
	v15 =	vpsel p2, v15, v22;
	v17 =	vpsel p2, v17, v24  }
0x309: {  	v16 =	vpsel p2, v16, v25;
	(erf) = vpow2.f32 @p2 v15;
	v15 =	vsub.f32 v53, v12  }
0x30a: {  	v18 =	vmul.f32 @p2 $1.442695020e+00, v18;
	v17 =	vmul.f32 @p2 $1.442695020e+00, v17;
	v57 =	vsub.f32 v54, v12  }
0x30b: {  	v58 =	vsub.f32 v55, v12;
	(erf) = vpow2.f32 @p2 v16;
	v15 =	vmul.f32 $2.000000000e+02, v15  }
0x30c: {  	v59 =	vsub.f32 v56, v12;
	(erf) = vpow2.f32 @p2 v18;
	v16 =	vmul.f32 $2.000000000e+02, v57  }
0x30d: {  	v21 =	vpop @p0 (erf);
	v18 =	vmul.f32 $2.000000000e+02, v58;
	v15 =	vmul.f32 $1.442695020e+00, v15  }
0x30e: {  	v22 =	vmul.f32 $2.000000000e+02, v59;
	(erf) = vpow2.f32 @p2 v17;
	v17 =	vpop @p0 (erf)  }
0x30f: {  	v16 =	vmul.f32 $1.442695020e+00, v16;
	v18 =	vmul.f32 $1.442695020e+00, v18;
	v24 =	vpop @p0 (erf)  }
0x310: {  	v25 =	vpop @p0 (erf);
	(erf) = vpow2.f32 v15  }
0x311: {  	v22 =	vmul.f32 $1.442695020e+00, v22;
	v17 =	vadd.f32 @p0 v17, v23;
	(erf) = vpow2.f32 v16;
	v15 =	vpop @p6 (erf)  }
0x312: {  	v23 =	vadd.f32 @p0 v24, v26;
	v16 =	vadd.f32 @p1 v27, v20;
	(erf) = vpow2.f32 v18;
	v20 =	vpop @p6 (erf)  }
0x313: {  	v19 =	vadd.f32 @p0 v21, v19;
	v24 =	vpsel p0, v25, v0;
	v18 =	vpop @p6 (erf)  }
0x314: {  	v23 =	vpsel p0, v23, v14;
	v16 =	vpsel p1, v16, v14;
	(erf) = vpow2.f32 v22;
	v25 =	vpop @p6 (erf)  }
0x315: {  	v17 =	vpsel p0, v17, v14;
	v16 =	vadd.f32 @p0 v24, v16;
	v22 =	vpop @p2 (erf);
	v21 =	vpsel p6, v25, v0  }
0x316: {  	v17 =	vadd.f32 @p6 v20, v17;
	v18 =	vadd.f32 @p6 v18, v23;
	v20 =	vpop @p2 (erf)  }
0x317: {  	v16 =	vpsel p0, v16, v14;
	v23 =	vpop @p2 (erf)  }
0x318: {  	v17 =	vpsel p6, v17, v14;
	v18 =	vpsel p6, v18, v14;
	v16 =	vadd.f32 @p6 v21, v16;
	v21 =	vpop @p2 (erf)  }
0x319: {  	v19 =	vpsel p0, v19, v14;
	v17 =	vadd.f32 @p2 v20, v17;
	v18 =	vadd.f32 @p2 v23, v18;
	v60 =	vpop (erf)  }
0x31a: {  	v15 =	vadd.f32 @p6 v15, v19;
	v16 =	vpsel p6, v16, v14;
	v19 =	vpsel p2, v21, v0;
	v61 =	vpop (erf)  }
0x31b: {  	v17 =	vpsel p2, v17, v14;
	v18 =	vpsel p2, v18, v14;
	v16 =	vadd.f32 @p2 v19, v16;
	v62 =	vpop (erf)  }
0x31c: {  	v15 =	vpsel p6, v15, v14;
	v17 =	vadd.f32 v61, v17;
	v18 =	vadd.f32 v62, v18  }
0x31d: {  	v15 =	vadd.f32 @p2 v22, v15;
	v63 =	vpop (erf);
	v16 =	vpsel p2, v16, v14  }
.Ltmp78:
0x31e: {  	v16 =	vadd.f32 v63, v16;
	v17 =	vadd.f32 v18, v17;
	(pc) =	sbr.rel .LBB2_99-.Ltmp78, $3  }
0x31f: {  	v14 =	vpsel p2, v15, v14  }
0x320: {  	v14 =	vadd.f32 v60, v14;
	v15 =	vadd.f32 v16, v17;
	_ =	sdelay $0x1  }
0x321: {  	v14 =	vadd.f32 v14, v15  }
.LBB2_85:
0x322: {  	v14 =	vimm.f32 $0.0e+00  }
.LBB2_99:
.Ltmp79:
0x323: {  	(pc) =	sbr.rel @p4 .LBB2_110-.Ltmp79, $1  }
0x324: {  	_ =	sdelay $0x3  }
0x325: {  	p3 =	sne.s32 s1, $0x1  }
.Ltmp80:
0x326: {  	_ = 	snop;
	(pc) =	sbr.rel @!p3 .LBB2_101-.Ltmp80, $4  }
0x327: {  	s5 =	sand.u32 $0xFFFFFC00, s3  }
0x328: {  	s0 =	sadd.s32 $0xFFFFFFFF, s1;
	s6 =	sand.u32 $0x70, s13;
	s5 =	sadd.s32 s5, s21  }
0x329: {  	p0 =	por $0x0, $0x0;
	p1 =	por $0x0, $0x0;
	s7 =	sadd.s32 s6, s5  }
0x32a: {  	p2 =	por $0x0, $0x0;
	s5 =	sadd.s32 $0x80, s3;
	s6 =	sadd.s32 $0x10, s13;
	v17 =	vld.idx.msk [tilespmem:v11+s7+$0x0 ss:$0x1], $0xffff  }
0x32b: {  	_ = 	snop  }
0x32c: {  	p3 =	sne.s32 s0, $0x1  }
.Ltmp81:
0x32d: {  	_ = 	snop;
	(pc) =	sbr.rel @!p3 .LBB2_103-.Ltmp81, $4  }
0x32e: {  	s7 =	sand.u32 $0xFFFFFC00, s5  }
0x32f: {  	s18 =	sand.u32 $0x70, s6;
	s7 =	sadd.s32 s7, s21;
	v15 =	vsub.f32 v17, v12  }
0x330: {  	s16 =	sadd.s32 $0xFFFFFFFF, s0;
	s26 =	sadd.s32 s18, s7  }
0x331: {  	s0 =	sadd.s32 $0x80, s5;
	s5 =	sadd.s32 $0x10, s6;
	p0 =	por $0x1, $0x1;
	v17 =	vld.idx.msk [tilespmem:v11+s26+$0x0 ss:$0x1], $0xffff;
	v15 =	vmul.f32 $2.000000000e+02, v15  }
0x332: {  	_ = 	snop  }
0x333: {  	v15 =	vmul.f32 $1.442695020e+00, v15;
	_ =	sdelay $0x1  }
0x334: {  	(erf) = vpow2.f32 v15;
	_ =	sdelay $0x2  }
0x335: {  	p3 =	sne.s32 s16, $0x1  }
.Ltmp82:
0x336: {  	_ = 	snop;
	(pc) =	sbr.rel @!p3 .LBB2_105-.Ltmp82, $4  }
0x337: {  	s6 =	sand.u32 $0xFFFFFC00, s0  }
0x338: {  	s7 =	sand.u32 $0x70, s5;
	s18 =	sadd.s32 s6, s21;
	v16 =	vsub.f32 v17, v12  }
0x339: {  	p1 =	por $0x1, $0x1;
	s7 =	sadd.s32 s7, s18  }
0x33a: {  	s6 =	sadd.s32 $0xFFFFFFFF, s16;
	s16 =	sadd.s32 $0x80, s0;
	s18 =	sadd.s32 $0x10, s5;
	v17 =	vld.idx.msk [tilespmem:v11+s7+$0x0 ss:$0x1], $0xffff;
	v15 =	vmul.f32 $2.000000000e+02, v16  }
0x33b: {  	_ =	sdelay $0x2  }
0x33c: {  	p3 =	sne.s32 s6, $0x1;
	v15 =	vmul.f32 $1.442695020e+00, v15  }
.Ltmp83:
0x33d: {  	s0 =	sand.u32 $0xFFFFFC00, s16;
	v16 =	vsub.f32 v17, v12;
	(pc) =	sbr.rel @!p3 .LBB2_107-.Ltmp83, $4  }
0x33e: {  	s5 =	sand.u32 $0x70, s18;
	s7 =	sadd.s32 s0, s21;
	(erf) = vpow2.f32 v15  }
0x33f: {  	s5 =	sadd.s32 s5, s7  }
0x340: {  	p2 =	por $0x1, $0x1;
	v17 =	vld.idx.msk [tilespmem:v11+s5+$0x0 ss:$0x1], $0xffff  }
0x341: {  	s0 =	sadd.s32 $0xFFFFFFFF, s6;
	s6 =	sadd.s32 $0x10, s18;
	s5 =	sadd.s32 $0x80, s16;
	v15 =	vmul.f32 $2.000000000e+02, v16;
	v16 =	vmov v14  }
.LBB2_108:
0x342: {  	s7 =	sand.u32 $0xFFFFFC00, s5;
	p3 =	sne.s32 s0, $0x1;
	s0 =	sadd.s32 $0xFFFFFFFF, s0;
	v18 =	vpop (erf)  }
.Ltmp84:
0x343: {  	s16 =	sand.u32 $0x70, s6;
	s7 =	sadd.s32 s7, s21;
	v15 =	vmul.f32 $1.442695020e+00, v15;
	v16 =	vadd.f32 v18, v16;
	(pc) =	sbr.rel @p3 .LBB2_108-.Ltmp84, $3  }
0x344: {  	s7 =	sadd.s32 s16, s7  }
0x345: {  	v18 =	vsub.f32 v17, v12;
	v17 =	vld.idx.msk [tilespmem:v11+s7+$0x0 ss:$0x1], $0xffff;
	(erf) = vpow2.f32 v15;
	_ =	sdelay $0x1  }
0x346: {  	s5 =	sadd.s32 $0x80, s5;
	s6 =	sadd.s32 $0x10, s6;
	v15 =	vmul.f32 $2.000000000e+02, v18  }
.LBB2_109:
0x347: {  	_ =	sdelay $0x1  }
0x348: {  	v17 =	vsub.f32 v17, v12  }
0x349: {  	v15 =	vmul.f32 @p0 $1.442695020e+00, v15  }
0x34a: {  	v17 =	vmul.f32 $2.000000000e+02, v17  }
0x34b: {  	(erf) = vpow2.f32 @p0 v15;
	_ =	sdelay $0x1  }
0x34c: {  	v15 =	vmul.f32 $1.442695020e+00, v17  }
0x34d: {  	v17 =	vpop @p2 (erf)  }
0x34e: {  	(erf) = vpow2.f32 v15;
	v15 =	vadd.f32 @p2 v17, v16;
	_ =	sdelay $0x1  }
0x34f: {  	v16 =	vpop @p1 (erf);
	v15 =	vpsel p2, v15, v14  }
0x350: {  	v15 =	vadd.f32 @p1 v16, v15;
	_ =	sdelay $0x1  }
0x351: {  	v16 =	vpop @p0 (erf);
	v15 =	vpsel p1, v15, v14  }
0x352: {  	v15 =	vadd.f32 @p0 v16, v15;
	_ =	sdelay $0x3  }
0x353: {  	v14 =	vpsel p0, v15, v14;
	v15 =	vpop (erf)  }
0x354: {  	v14 =	vadd.f32 v15, v14  }
.LBB2_110:
0x355: {  	v13 =	vsub.f32 v13, v12;
	_ =	sdelay $0x1  }
0x356: {  	v13 =	vmul.f32 $2.000000000e+02, v13;
	_ =	sdelay $0x1  }
0x357: {  	v13 =	vmul.f32 $1.442695020e+00, v13;
	_ =	sdelay $0x1  }
0x358: {  	(erf) = vpow2.f32 v13;
	_ =	sdelay $0x8  }
0x359: {  	v13 =	vpop (erf)  }
0x35a: {  	v15 =	vnsel vm1, $0x0, v13  }
0x35b: {  	v14 =	vadd.f32 v14, v15;
	_ =	sdelay $0x1  }
0x35c: {  	v15 =	vperm.xlane v14, v1;
	_ =	sdelay $0x1  }
0x35d: {  	v14 =	vadd.f32 v15, v14;
	_ =	sdelay $0x1  }
0x35e: {  	v15 =	vperm.xlane v14, v3;
	_ =	sdelay $0x1  }
0x35f: {  	v14 =	vadd.f32 v15, v14;
	_ =	sdelay $0x1  }
0x360: {  	v15 =	vperm.xlane v14, v5;
	_ =	sdelay $0x1  }
0x361: {  	v14 =	vadd.f32 v15, v14;
	_ =	sdelay $0x1  }
0x362: {  	v15 =	vperm.xlane v14, v7;
	_ =	sdelay $0x1  }
0x363: {  	v14 =	vadd.f32 v15, v14;
	_ =	sdelay $0x1  }
0x364: {  	s0 =	sor.u32 s31, s10;
	(erf) = vrcp.f32 v14  }
0x365: {  	v14 =	vmov s0  }
0x366: {  	s26 =	sld [smem:$0x7F6];
	vm3 =	vlt.s32 v14, v10  }
0x367: {  	v14 =	vsel vm3, $0x1, v2  }
0x368: {  	v14 =	vbroadcast v14, $0x0  }
0x369: {  	p0 =	seq.s32 s26, $0x1  }
.Ltmp85:
0x36a: {  	v14 =	vand.u32 $0x1, v14;
	(pc) =	sbr.rel @!p0 .LBB2_111-.Ltmp85, $3  }
0x36b: {  	_ =	sdelay $0x1  }
0x36c: {  	vm3 =	veq.s32 v14, $0x1;
	v14 =	vpop (erf)  }
0x36d: {  	s20 =	simm.s32 $0x0;
	v14 =	vnsel vm3, $0x0, v14  }
0x36e: {  	p3 =	seq.s32 s4, $0x1  }
.Ltmp86:
0x36f: {  	_ = 	snop;
	(pc) =	sbr.rel @p3 .LBB2_115-.Ltmp86, $3  }
0x370: {  	_ =	sdelay $0x1  }
0x371: {  	s6 =	sand.u32 $0xFFFFFC00, s20;
	s0 =	sadd.s32 $0xFFFFFFFF, s4  }
0x372: {  	p0 =	por $0x0, $0x0;
	p1 =	por $0x0, $0x0;
	p2 =	por $0x0, $0x0  }
0x373: {  	s5 =	sand.u32 $0x40, s20;
	s6 =	sadd.s32 s11, s6  }
0x374: {  	s5 =	sor.u32 s6, s5  }
0x375: {  	s18 =	sor.u32 s12, s5  }
0x376: {  	p3 =	seq.s32 s0, $0x1;
	v15 =	vld [tilespmem:s18+$0x2030]  }
.Ltmp87:
0x377: {  	_ = 	snop;
	(pc) =	sbr.rel @p3 .LBB2_117-.Ltmp87, $4  }
0x378: {  	_ = 	snop  }
0x379: {  	v16 =	vld [tilespmem:s18+$0x2000]  }
0x37a: {  	s26 =	simm.s32 $0x200;
	s0 =	sadd.s32 $0xFFFFFFFF, s0;
	v18 =	vld [tilespmem:s18+$0x2010]  }
0x37b: {  	s20 =	simm.s32 $0x40;
	p0 =	por $0x1, $0x1;
	s6 =	sand.u32 $0xFFFFFC00, s26;
	v17 =	vld [tilespmem:s18+$0x2020];
	v19 =	vsub.f32 v15, v12  }
0x37c: {  	_ = 	snop  }
0x37d: {  	s5 =	sand.u32 $0x40, s20;
	s6 =	sadd.s32 s11, s6  }
0x37e: {  	s5 =	sor.u32 s6, s5;
	v15 =	vsub.f32 v16, v12  }
0x37f: {  	s16 =	sor.u32 s12, s5;
	v16 =	vsub.f32 v18, v12;
	v18 =	vmul.f32 $2.000000000e+02, v19  }
0x380: {  	p3 =	seq.s32 s0, $0x1;
	v19 =	vld [tilespmem:s16+$0x2030];
	v15 =	vmul.f32 $2.000000000e+02, v15;
	v17 =	vsub.f32 v17, v12  }
.Ltmp88:
0x381: {  	v20 =	vmul.f32 $2.000000000e+02, v16;
	v18 =	vmul.f32 $1.442695020e+00, v18;
	(pc) =	sbr.rel @p3 .LBB2_119-.Ltmp88, $4  }
0x382: {  	v15 =	vmul.f32 $1.442695020e+00, v15;
	v21 =	vmul.f32 $2.000000000e+02, v17  }
0x383: {  	v16 =	vld [tilespmem:s16+$0x2000];
	v20 =	vmul.f32 $1.442695020e+00, v20;
	(erf) = vpow2.f32 v18  }
0x384: {  	s26 =	simm.s32 $0x400;
	s20 =	simm.s32 $0x80;
	v17 =	vld [tilespmem:s16+$0x2020];
	(erf) = vpow2.f32 v15  }
0x385: {  	p1 =	por $0x1, $0x1;
	s6 =	sand.u32 $0xFFFFFC00, s26;
	s5 =	sadd.s32 $0xFFFFFFFF, s0;
	v18 =	vld [tilespmem:s16+$0x2010];
	v15 =	vmul.f32 $1.442695020e+00, v21;
	v19 =	vsub.f32 v19, v12;
	(erf) = vpow2.f32 v20  }
0x386: {  	_ =	sdelay $0x1  }
0x387: {  	v16 =	vsub.f32 v16, v12  }
0x388: {  	s0 =	sand.u32 $0x40, s20;
	s6 =	sadd.s32 s11, s6;
	v19 =	vmul.f32 $2.000000000e+02, v19;
	(erf) = vpow2.f32 v15  }
0x389: {  	s0 =	sor.u32 s6, s0;
	v17 =	vsub.f32 v17, v12;
	v18 =	vsub.f32 v18, v12;
	v16 =	vmul.f32 $2.000000000e+02, v16  }
0x38a: {  	s21 =	sor.u32 s12, s0;
	v19 =	vmul.f32 $1.442695020e+00, v19  }
0x38b: {  	p3 =	seq.s32 s5, $0x1;
	v21 =	vld [tilespmem:s21+$0x2030];
	v18 =	vmul.f32 $2.000000000e+02, v18;
	v22 =	vmul.f32 $1.442695020e+00, v16  }
.Ltmp89:
0x38c: {  	v20 =	vmul.f32 $2.000000000e+02, v17;
	v16 =	vld [tilespmem:s21+$0x2000];
	(pc) =	sbr.rel @p3 .LBB2_121-.Ltmp89, $4  }
0x38d: {  	v17 =	vpop (erf);
	(erf) = vpow2.f32 v19;
	v23 =	vmul.f32 $1.442695020e+00, v18;
	v18 =	vld [tilespmem:s21+$0x2010]  }
0x38e: {  	v24 =	vmul.f32 v17, v14;
	v17 =	vld [tilespmem:s21+$0x2020]  }
0x38f: {  	s5 =	sadd.s32 $0xFFFFFFFF, s5;
	s20 =	simm.s32 $0xC0;
	s0 =	simm.s32 $0x600;
	v20 =	vmul.f32 $1.442695020e+00, v20;
	(erf) = vpow2.f32 v22;
	v22 =	vpop (erf)  }
0x390: {  	p2 =	por $0x1, $0x1;
	s19 =	smov.u32 s18;
	s6 =	sand.u32 $0xFFFFFC00, s0;
	v19 =	vsub.f32 v21, v12;
	(erf) = vpow2.f32 v23;
	[tilespmem:s18+$0x6030] =	vst v24;
	v21 =	vmul.f32 v22, v14;
	v22 =	vpop (erf)  }
.LBB2_122:
0x391: {  	p6 =	seq.s32 s5, $0x1;
	s7 =	sand.u32 $0x40, s20;
	s6 =	sadd.s32 s11, s6;
	v16 =	vsub.f32 v16, v12;
	(erf) = vpow2.f32 v20;
	v20 =	vmul.f32 v22, v14;
	v22 =	vpop (erf)  }
0x392: {  	s6 =	sor.u32 s6, s7;
	v18 =	vsub.f32 v18, v12;
	v19 =	vmul.f32 $2.000000000e+02, v19;
	[tilespmem:s19+$0x6000] =	vst v21;
	v21 =	vmul.f32 v22, v14  }
0x393: {  	s6 =	sor.u32 s12, s6;
	v22 =	vmul.f32 $2.000000000e+02, v16;
	v17 =	vsub.f32 v17, v12;
	[tilespmem:s19+$0x6010] =	vst v20  }
0x394: {  	v23 =	vld [tilespmem:s6+$0x2030];
	v20 =	vmul.f32 $2.000000000e+02, v18;
	v25 =	vmul.f32 $1.442695020e+00, v19;
	[tilespmem:s19+$0x6020] =	vst v21;
	s19 =	smov.u32 s16;
	s16 =	smov.u32 s21;
	s21 =	smov.u32 s6  }
.Ltmp90:
0x395: {  	v16 =	vld [tilespmem:s21+$0x2000];
	v26 =	vmul.f32 $1.442695020e+00, v22;
	v22 =	vmul.f32 $2.000000000e+02, v17;
	(pc) =	sbr.rel @!p6 .LBB2_122-.Ltmp90, $4  }
0x396: {  	v18 =	vld [tilespmem:s21+$0x2010];
	v24 =	vmul.f32 $1.442695020e+00, v20;
	(erf) = vpow2.f32 v25;
	v19 =	vpop (erf)  }
0x397: {  	v17 =	vld [tilespmem:s21+$0x2020];
	v20 =	vmul.f32 $1.442695020e+00, v22;
	v25 =	vmul.f32 v19, v14  }
0x398: {  	s0 =	sadd.s32 $0x200, s0;
	(erf) = vpow2.f32 v26;
	v21 =	vpop (erf)  }
0x399: {  	s5 =	sadd.s32 $0xFFFFFFFF, s5;
	s20 =	sadd.s32 $0x40, s20;
	s6 =	sand.u32 $0xFFFFFC00, s0;
	v19 =	vsub.f32 v23, v12;
	(erf) = vpow2.f32 v24;
	v21 =	vmul.f32 v21, v14;
	[tilespmem:s19+$0x6030] =	vst v25;
	v22 =	vpop (erf)  }
0x39a: {  	s0 =	smov.u32 s16;
	s16 =	smov.u32 s21  }
.LBB2_124:
0x39b: {  	s5 =	sand.u32 $0x40, s20;
	s6 =	sadd.s32 s11, s6;
	v22 =	vmul.f32 @p2 v22, v14;
	v23 =	vpop @p2 (erf)  }
0x39c: {  	[tilespmem:s19+$0x6000] =	vst @p2 v21;
	s5 =	sor.u32 s6, s5;
	v21 =	vmul.f32 @p2 v23, v14  }
0x39d: {  	v16 =	vsub.f32 @p0 v16, v12;
	v19 =	vmul.f32 @p0 $2.000000000e+02, v19;
	s6 =	sor.u32 s12, s5;
	[tilespmem:s19+$0x6010] =	vst @p2 v22  }
0x39e: {  	v18 =	vsub.f32 @p0 v18, v12;
	v22 =	vld [tilespmem:s6+$0x2030];
	[tilespmem:s19+$0x6020] =	vst @p2 v21  }
0x39f: {  	v17 =	vsub.f32 @p0 v17, v12;
	v16 =	vmul.f32 @p0 $2.000000000e+02, v16;
	v19 =	vmul.f32 @p0 $1.442695020e+00, v19;
	v52 =	vld [tilespmem:s6+$0x2000]  }
0x3a0: {  	(erf) = vpow2.f32 @p1 v20;
	v18 =	vmul.f32 @p0 $2.000000000e+02, v18;
	v21 =	vld [tilespmem:s6+$0x2010]  }
0x3a1: {  	v17 =	vmul.f32 @p0 $2.000000000e+02, v17;
	v16 =	vmul.f32 @p0 $1.442695020e+00, v16;
	v53 =	vld [tilespmem:s6+$0x2020]  }
0x3a2: {  	v18 =	vmul.f32 @p0 $1.442695020e+00, v18;
	(erf) = vpow2.f32 @p0 v19  }
0x3a3: {  	v17 =	vmul.f32 @p0 $1.442695020e+00, v17;
	v19 =	vpop @p1 (erf);
	(erf) = vpow2.f32 @p0 v16;
	v54 =	vsub.f32 v22, v12  }
0x3a4: {  	(erf) = vpow2.f32 @p0 v18;
	v55 =	vsub.f32 v52, v12  }
0x3a5: {  	v15 =	vpsel p0, v17, v15;
	v56 =	vsub.f32 v21, v12;
	v16 =	vmul.f32 $2.000000000e+02, v54  }
0x3a6: {  	(erf) = vpow2.f32 @p0 v15;
	v57 =	vsub.f32 v53, v12;
	v15 =	vmul.f32 $2.000000000e+02, v55  }
0x3a7: {  	v17 =	vmul.f32 $2.000000000e+02, v56;
	v16 =	vmul.f32 $1.442695020e+00, v16  }
0x3a8: {  	v18 =	vmul.f32 $2.000000000e+02, v57  }
0x3a9: {  	v15 =	vmul.f32 $1.442695020e+00, v15;
	v17 =	vmul.f32 $1.442695020e+00, v17  }
0x3aa: {  	v18 =	vmul.f32 $1.442695020e+00, v18;
	(erf) = vpow2.f32 v16  }
0x3ab: {  	v19 =	vmul.f32 @p1 v19, v14;
	v16 =	vpop @p1 (erf);
	(erf) = vpow2.f32 v15  }
0x3ac: {  	v15 =	vmul.f32 @p1 v16, v14;
	v16 =	vpop @p1 (erf);
	(erf) = vpow2.f32 v17  }
0x3ad: {  	v16 =	vpsel p1, v16, v0;
	v17 =	vpop @p1 (erf);
	(erf) = vpow2.f32 v18  }
0x3ae: {  	[tilespmem:s0+$0x6030] =	vst @p1 v19;
	s0 =	smov.u32 @p1 s0;
	v18 =	vpop @p0 (erf);
	v15 =	vpsel p1, v15, v0;
	v16 =	vmul.f32 @p1 v16, v14  }
0x3af: {  	s5 =	smov.u32 @p0 s16;
	v19 =	vpop @p0 (erf);
	[tilespmem:s0+$0x6000] =	vst @p1 v15;
	v15 =	vmul.f32 @p1 v17, v14  }
0x3b0: {  	s18 =	smov.u32 @p0 s5;
	v17 =	vpop @p0 (erf);
	[tilespmem:s0+$0x6010] =	vst @p1 v16;
	v16 =	vmul.f32 @p0 v18, v14;
	v18 =	vmul.f32 @p0 v19, v14  }
0x3b1: {  	[tilespmem:s0+$0x6020] =	vst @p1 v15;
	s0 =	smov.u32 @p0 s18;
	v15 =	vpsel p0, v17, v0  }
0x3b2: {  	v17 =	vpop @p0 (erf);
	[tilespmem:s0+$0x6030] =	vst @p0 v16;
	v16 =	vpsel p0, v18, v0;
	s0 =	smov.u32 @p0 s0;
	v15 =	vmul.f32 @p0 v15, v14  }
0x3b3: {  	v58 =	vpop (erf);
	[tilespmem:s0+$0x6000] =	vst @p0 v16;
	v16 =	vmul.f32 @p0 v17, v14  }
0x3b4: {  	[tilespmem:s0+$0x6010] =	vst @p0 v15;
	v15 =	vmul.f32 v58, v14;
	v59 =	vpop (erf)  }
0x3b5: {  	[tilespmem:s0+$0x6020] =	vst @p0 v16;
	v60 =	vmul.f32 v59, v14;
	v61 =	vpop (erf)  }
0x3b6: {  	[tilespmem:s6+$0x6030] =	vst v15;
	v15 =	vmul.f32 v61, v14;
	v62 =	vpop (erf)  }
0x3b7: {  	[tilespmem:s6+$0x6000] =	vst v60;
	v63 =	vmul.f32 v62, v14  }
0x3b8: {  	[tilespmem:s6+$0x6010] =	vst v15  }
0x3b9: {  	[tilespmem:s6+$0x6020] =	vst v63  }
.LBB2_111:
0x3ba: {  	s0 =	sld [smem:$0x7F7];
	_ =	sdelay $0x2  }
0x3bb: {  	p0 =	seq.s32 s0, $0x1  }
.Ltmp91:
0x3bc: {  	_ = 	snop;
	(pc) =	sbr.rel @!p0 .LBB2_134-.Ltmp91, $1  }
0x3bd: {  	_ =	sdelay $0x3  }
0x3be: {  	p3 =	sne.s32 s1, $0x1  }
.Ltmp92:
0x3bf: {  	s0 =	sand.u32 $0xFFFFFC00, s3;
	(pc) =	sbr.rel @!p3 .LBB2_113-.Ltmp92, $4  }
0x3c0: {  	s5 =	sand.u32 $0x70, s13;
	s6 =	sadd.s32 s11, s0  }
0x3c1: {  	p0 =	por $0x0, $0x0;
	s5 =	sor.u32 s5, s6  }
0x3c2: {  	p1 =	por $0x0, $0x0;
	p2 =	por $0x0, $0x0;
	s19 =	sor.u32 s12, s5  }
0x3c3: {  	s0 =	sadd.s32 $0xFFFFFFFF, s1;
	s6 =	sadd.s32 $0x10, s13;
	s5 =	sadd.s32 $0x80, s3;
	v15 =	vld [tilespmem:s19+$0x2000]  }
0x3c4: {  	_ = 	snop  }
0x3c5: {  	p3 =	sne.s32 s0, $0x1  }
.Ltmp93:
0x3c6: {  	s7 =	sand.u32 $0xFFFFFC00, s5;
	(pc) =	sbr.rel @!p3 .LBB2_126-.Ltmp93, $4  }
0x3c7: {  	s16 =	sand.u32 $0x70, s6;
	s7 =	sadd.s32 s11, s7  }
0x3c8: {  	s7 =	sor.u32 s16, s7;
	v16 =	vsub.f32 v15, v12  }
0x3c9: {  	s18 =	sadd.s32 $0xFFFFFFFF, s0;
	s16 =	sor.u32 s12, s7  }
0x3ca: {  	s0 =	sadd.s32 $0x80, s5;
	s5 =	sadd.s32 $0x10, s6;
	p0 =	por $0x1, $0x1;
	v15 =	vld [tilespmem:s16+$0x2000];
	v16 =	vmul.f32 $2.000000000e+02, v16  }
0x3cb: {  	_ = 	snop  }
0x3cc: {  	v16 =	vmul.f32 $1.442695020e+00, v16;
	_ =	sdelay $0x1  }
0x3cd: {  	(erf) = vpow2.f32 v16;
	_ =	sdelay $0x2  }
0x3ce: {  	p3 =	sne.s32 s18, $0x1  }
.Ltmp94:
0x3cf: {  	s6 =	sand.u32 $0xFFFFFC00, s0;
	(pc) =	sbr.rel @!p3 .LBB2_128-.Ltmp94, $4  }
0x3d0: {  	s7 =	sand.u32 $0x70, s5;
	s6 =	sadd.s32 s11, s6  }
0x3d1: {  	s6 =	sor.u32 s7, s6;
	v17 =	vsub.f32 v15, v12  }
0x3d2: {  	s18 =	sadd.s32 $0xFFFFFFFF, s18;
	s6 =	sor.u32 s12, s6  }
0x3d3: {  	s0 =	sadd.s32 $0x80, s0;
	s21 =	sadd.s32 $0x10, s5;
	p1 =	por $0x1, $0x1;
	v15 =	vld [tilespmem:s6+$0x2000];
	v16 =	vmul.f32 $2.000000000e+02, v17  }
0x3d4: {  	_ = 	snop  }
0x3d5: {  	s5 =	sand.u32 $0xFFFFFC00, s0;
	p3 =	sne.s32 s18, $0x1;
	v16 =	vmul.f32 $1.442695020e+00, v16  }
.Ltmp95:
0x3d6: {  	s7 =	sand.u32 $0x70, s21;
	s5 =	sadd.s32 s11, s5;
	(pc) =	sbr.rel @!p3 .LBB2_130-.Ltmp95, $4  }
0x3d7: {  	s5 =	sor.u32 s7, s5;
	(erf) = vpow2.f32 v16  }
0x3d8: {  	s5 =	sor.u32 s12, s5;
	v17 =	vsub.f32 v15, v12  }
0x3d9: {  	s18 =	sadd.s32 $0xFFFFFFFF, s18;
	s20 =	sadd.s32 $0x80, s0;
	v15 =	vld [tilespmem:s5+$0x2000]  }
0x3da: {  	s21 =	sadd.s32 $0x10, s21;
	p2 =	por $0x1, $0x1;
	s0 =	smov.u32 s19;
	v16 =	vmul.f32 $2.000000000e+02, v17  }
.LBB2_131:
0x3db: {  	s7 =	sand.u32 $0xFFFFFC00, s20;
	p3 =	sne.s32 s18, $0x1;
	s18 =	sadd.s32 $0xFFFFFFFF, s18;
	v17 =	vpop (erf)  }
.Ltmp96:
0x3dc: {  	s26 =	sand.u32 $0x70, s21;
	s7 =	sadd.s32 s11, s7;
	v16 =	vmul.f32 $1.442695020e+00, v16;
	v17 =	vmul.f32 v17, v14;
	(pc) =	sbr.rel @p3 .LBB2_131-.Ltmp96, $4  }
0x3dd: {  	s7 =	sor.u32 s26, s7  }
0x3de: {  	s7 =	sor.u32 s12, s7;
	v18 =	vsub.f32 v15, v12;
	(erf) = vpow2.f32 v16;
	[tilespmem:s0+$0x6000] =	vst v17;
	s0 =	smov.u32 s16;
	s16 =	smov.u32 s6  }
0x3df: {  	s6 =	smov.u32 s5;
	v15 =	vld [tilespmem:s7+$0x2000];
	s5 =	smov.u32 s7  }
0x3e0: {  	s20 =	sadd.s32 $0x80, s20;
	s21 =	sadd.s32 $0x10, s21;
	v16 =	vmul.f32 $2.000000000e+02, v18  }
0x3e1: {  	s12 =	smov.u32 s6;
	s18 =	smov.u32 s16;
	s6 =	smov.u32 s5  }
.LBB2_133:
0x3e2: {  	_ =	sdelay $0x1  }
0x3e3: {  	v12 =	vsub.f32 v15, v12;
	_ =	sdelay $0x1  }
0x3e4: {  	v12 =	vmul.f32 $2.000000000e+02, v12  }
0x3e5: {  	v15 =	vmul.f32 @p0 $1.442695020e+00, v16  }
0x3e6: {  	v12 =	vmul.f32 $1.442695020e+00, v12  }
0x3e7: {  	(erf) = vpow2.f32 @p0 v15  }
0x3e8: {  	(erf) = vpow2.f32 v12;
	_ =	sdelay $0x5  }
0x3e9: {  	v12 =	vpop @p2 (erf)  }
0x3ea: {  	s5 =	smov.u32 @p0 s12;
	v15 =	vpop @p1 (erf);
	v12 =	vmul.f32 @p2 v12, v14  }
0x3eb: {  	s7 =	smov.u32 @p1 s18;
	s19 =	smov.u32 @p0 s5;
	v15 =	vmul.f32 @p1 v15, v14;
	v16 =	vpop @p0 (erf)  }
0x3ec: {  	s5 =	smov.u32 @p0 s19;
	[tilespmem:s0+$0x6000] =	vst @p2 v12;
	s0 =	smov.u32 @p1 s7;
	v12 =	vmul.f32 @p0 v16, v14;
	v63 =	vpop (erf)  }
0x3ed: {  	[tilespmem:s0+$0x6000] =	vst @p1 v15;
	s0 =	smov.u32 @p0 s5;
	v15 =	vmul.f32 v63, v14  }
0x3ee: {  	[tilespmem:s0+$0x6000] =	vst @p0 v12  }
0x3ef: {  	[tilespmem:s6+$0x6000] =	vst v15  }
.LBB2_134:
0x3f0: {  	s0 =	sld [smem:$0x7F8];
	_ =	sdelay $0x2  }
0x3f1: {  	p0 =	seq.s32 s0, $0x1  }
.Ltmp97:
0x3f2: {  	_ = 	snop;
	(pc) =	sbr.rel @p0 .LBB2_138-.Ltmp97, $3  }
0x3f3: {  	v12 =	vmul.f32 @!p5 v14, v13;
	_ =	sdelay $0x1  }
0x3f4: {  	v12 =	vnsel @!p5 vm2, $0x0, v12  }
0x3f5: {  	[tilespmem:s14+$0x6000] =	vst @!p5 v12  }
0x3f6: {  	p0 =	sne.s32 s15, $0x1  }
.Ltmp98:
0x3f7: {  	_ = 	snop;
	(pc) =	sbr.rel @!p0 .LBB2_137-.Ltmp98, $4  }
0x3f8: {  	_ = 	snop  }
0x3f9: {  	s0 =	sor.u32 $0x6000, s11;
	s5 =	sand.u32 $0xFFFFFC00, s8  }
0x3fa: {  	s6 =	sand.u32 $0x70, s9;
	s11 =	smov.u32 s9;
	s7 =	sadd.s32 s5, s0  }
0x3fb: {  	s5 =	sadd.s32 $0xFFFFFFFF, s15;
	s12 =	sadd.s32 s6, s7;
	s6 =	smov.u32 s8  }
.LBB2_136:
0x3fc: {  	p0 =	sne.s32 s5, $0x1;
	[tilespmem:v11+s12+$0x0 ss:$0x1] =	vst.idx.msk $0xffff, v0;
	s6 =	sadd.s32 $0x80, s6;
	s11 =	sadd.s32 $0x10, s11  }
.Ltmp99:
0x3fd: {  	s5 =	sadd.s32 $0xFFFFFFFF, s5;
	(pc) =	sbr.rel @p0 .LBB2_136-.Ltmp99, $4  }
0x3fe: {  	_ = 	snop  }
0x3ff: {  	s7 =	sand.u32 $0xFFFFFC00, s6  }
0x400: {  	s12 =	sand.u32 $0x70, s11;
	s7 =	sadd.s32 s7, s0  }
0x401: {  	s12 =	sadd.s32 s12, s7  }
.Ltmp100:
0x402: {  	_ = 	snop;
	(pc) =	sbr.rel .LBB2_137-.Ltmp100, $1  }
0x403: {  	_ =	sdelay $0x3  }
.LBB2_74:
.Ltmp101:
0x404: {  	(pc) =	sbr.rel .LBB2_79-.Ltmp101, $3  }
0x405: {  	_ =	sdelay $0x1  }
0x406: {  	v17 =	vimm.f32 $-3.000000010e+38  }
0x407: {  	v14 =	vimm.f32 $-3.000000010e+38;
	v15 =	vimm.f32 $-3.000000010e+38;
	v16 =	vimm.f32 $-3.000000010e+38  }
.LBB2_87:
.Ltmp102:
0x408: {  	(pc) =	sbr.rel .LBB2_98-.Ltmp102, $3  }
0x409: {  	_ =	sdelay $0x1  }
0x40a: {  	v20 =	vimm.f32 $0.0e+00  }
0x40b: {  	v19 =	vimm.f32 $0.0e+00;
	v23 =	vimm.f32 $0.0e+00;
	v26 =	vimm.f32 $0.0e+00  }
.LBB2_115:
.Ltmp103:
0x40c: {  	(pc) =	sbr.rel .LBB2_124-.Ltmp103, $2  }
0x40d: {  	_ =	sdelay $0x2  }
0x40e: {  	_ = 	snop  }
.LBB2_76:
.Ltmp104:
0x40f: {  	_ = 	snop;
	(pc) =	sbr.rel .LBB2_79-.Ltmp104, $2  }
0x410: {  	_ =	sdelay $0x2  }
0x411: {  	v17 =	vimm.f32 $-3.000000010e+38;
	v18 =	vmovc v19;
	v23 =	vmov v20;
	v22 =	vmov v21  }
.LBB2_89:
.Ltmp105:
0x412: {  	(pc) =	sbr.rel .LBB2_98-.Ltmp105, $3  }
0x413: {  	_ =	sdelay $0x1  }
0x414: {  	v20 =	vimm.f32 $0.0e+00  }
0x415: {  	v19 =	vimm.f32 $0.0e+00;
	v23 =	vimm.f32 $0.0e+00;
	v26 =	vimm.f32 $0.0e+00  }
.LBB2_117:
.Ltmp106:
0x416: {  	(pc) =	sbr.rel .LBB2_124-.Ltmp106, $2  }
0x417: {  	_ =	sdelay $0x2  }
0x418: {  	s16 =	smov.u32 s18  }
.LBB2_91:
.Ltmp107:
0x419: {  	(pc) =	sbr.rel .LBB2_98-.Ltmp107, $3  }
0x41a: {  	_ =	sdelay $0x1  }
0x41b: {  	v20 =	vimm.f32 $0.0e+00  }
0x41c: {  	v19 =	vimm.f32 $0.0e+00;
	v23 =	vimm.f32 $0.0e+00;
	v26 =	vimm.f32 $0.0e+00  }
.LBB2_119:
.Ltmp108:
0x41d: {  	(pc) =	sbr.rel .LBB2_124-.Ltmp108, $2  }
0x41e: {  	_ =	sdelay $0x2  }
0x41f: {  	s0 =	smov.u32 s18;
	v20 =	vmov v15  }
.LBB2_93:
.Ltmp109:
0x420: {  	(pc) =	sbr.rel .LBB2_98-.Ltmp109, $3  }
0x421: {  	_ =	sdelay $0x1  }
0x422: {  	v20 =	vimm.f32 $0.0e+00;
	v28 =	vmov v21;
	v29 =	vmov v22  }
0x423: {  	v19 =	vimm.f32 $0.0e+00;
	v23 =	vimm.f32 $0.0e+00;
	v26 =	vimm.f32 $0.0e+00;
	v31 =	vmovc v24;
	v30 =	vmovc v25  }
.LBB2_121:
.Ltmp110:
0x424: {  	(pc) =	sbr.rel .LBB2_124-.Ltmp110, $2  }
0x425: {  	_ =	sdelay $0x2  }
0x426: {  	s0 =	smov.u32 s16;
	s19 =	smov.u32 s18;
	s16 =	smov.u32 s21  }
.LBB2_95:
.Ltmp111:
0x427: {  	(pc) =	sbr.rel .LBB2_98-.Ltmp111, $2  }
0x428: {  	_ =	sdelay $0x2  }
0x429: {  	v20 =	vimm.f32 $0.0e+00  }
.LBB2_101:
.Ltmp112:
0x42a: {  	(pc) =	sbr.rel .LBB2_109-.Ltmp112, $2  }
0x42b: {  	_ =	sdelay $0x2  }
0x42c: {  	v16 =	vmov v14  }
.LBB2_113:
.Ltmp113:
0x42d: {  	(pc) =	sbr.rel .LBB2_133-.Ltmp113, $2  }
0x42e: {  	_ =	sdelay $0x2  }
0x42f: {  	s6 =	smov.u32 s19  }
.LBB2_103:
.Ltmp114:
0x430: {  	(pc) =	sbr.rel .LBB2_109-.Ltmp114, $2  }
0x431: {  	_ =	sdelay $0x2  }
0x432: {  	v16 =	vmov v14  }
.LBB2_126:
.Ltmp115:
0x433: {  	(pc) =	sbr.rel .LBB2_133-.Ltmp115, $2  }
0x434: {  	_ =	sdelay $0x2  }
0x435: {  	s12 =	smov.u32 s19;
	s6 =	smov.u32 s16  }
.LBB2_105:
.Ltmp116:
0x436: {  	(pc) =	sbr.rel .LBB2_109-.Ltmp116, $2  }
0x437: {  	_ =	sdelay $0x2  }
0x438: {  	v16 =	vmov v14  }
.LBB2_128:
.Ltmp117:
0x439: {  	(pc) =	sbr.rel .LBB2_133-.Ltmp117, $2  }
0x43a: {  	_ =	sdelay $0x2  }
0x43b: {  	s18 =	smov.u32 s19;
	s12 =	smov.u32 s16  }
.LBB2_107:
.Ltmp118:
0x43c: {  	(pc) =	sbr.rel .LBB2_109-.Ltmp118, $2  }
0x43d: {  	_ =	sdelay $0x2  }
0x43e: {  	v16 =	vmov v14  }
.LBB2_130:
.Ltmp119:
0x43f: {  	(pc) =	sbr.rel .LBB2_133-.Ltmp119, $3  }
0x440: {  	_ =	sdelay $0x1  }
0x441: {  	s12 =	smov.u32 s6  }
0x442: {  	s0 =	smov.u32 s19;
	s18 =	smov.u32 s16;
	s6 =	smov.u32 s5  }
.LBB2_141:
0x443: {  	p0 =	seq.s32 s24, $0x0  }
0x444: {  	s0 =	simm.s32 @!p0 $0x3  }
0x445: {  	_ =	swait.ge @!p0 [sflag:s0], $0x2000  }
0x446: {  	[sflag:s0] =	ssyncset.done @!p0 $0x0  }
0x447: {  	[sflag:s0] =	ssyncadd.s32 @!p0 $0xFFFFE000;
	p0 =	slt.s32 s22, $0x1  }
.Ltmp120:
0x448: {  	p1 =	seq.s32 s23, $0x0;
	(pc) =	sbr.rel @p0 .LBB2_145-.Ltmp120, $4  }
0x449: {  	s0 =	simm.s32 @!p1 $0x4  }
0x44a: {  	_ =	swait.ge @!p1 [sflag:s0], $0x2000  }
0x44b: {  	[sflag:s0] =	ssyncset.done @!p1 $0x0  }
0x44c: {  	s1 =	rddreg [dreg:$0xb];
	[sflag:s0] =	ssyncadd.s32 @!p1 $0xFFFFE000;
	s0 =	simm.s32 $0x0  }
0x44d: {  	s0 =	sadd.s32 $0x1, s0  }
0x44e: {  	p0 =	slt.s32 s0, s22  }
.Ltmp121:
0x44f: {  	_ = 	snop;
	(pc) =	sbr.rel @!p0 .LBB2_144-.Ltmp121, $3  }
0x450: {  	_ =	sdelay $0x1  }
0x451: {  	_ =	swait.ge [sflag:s17], $0x2000  }
0x452: {  	[sflag:s17] =	ssyncset.done $0x0  }
.LBB2_143:
0x453: {  	s0 =	sadd.s32 $0x1, s0  }
0x454: {  	[sflag:s17] =	ssyncadd.s32 $0xFFFFE000;
	p0 =	slt.s32 s0, s22  }
.Ltmp122:
0x455: {  	(pc) =	sbr.rel @p0 .LBB2_143-.Ltmp122, $3  }
0x456: {  	_ =	sdelay $0x1  }
0x457: {  	_ =	swait.ge [sflag:s17], $0x2000  }
0x458: {  	[sflag:s17] =	ssyncset.done $0x0  }
.Ltmp123:
0x459: {  	_ = 	snop;
	(pc) =	sbr.rel .LBB2_144-.Ltmp123, $1  }
0x45a: {  	_ =	sdelay $0x3  }
.LBB2_146:
0x45b: {  	_ =	sfence.sel $0x180000  }
0x45c: {  	[bflag:$0x0] =	sbarrier.arrive $0xFFFF  }
0x45d: {  	_ =	strace $0x90000047  }
0x45e: {  	s0 =	stileid.u32;
	[bflag:$0x2] =	sbarrier.arrive $0xFFFF  }
0x45f: {  	p0 =	sne.s32 s0, $0x0;
	s0 =	rddreg [dreg:$0x4]  }
0x460: {  	s0 =	sadd.s32 @!p0 $0x100000, s0  }
0x461: {  	[sflag:s0] =	ssyncadd.tile.s32 @!p0 $0x1;
	_ =	shalt  }
.Lfunc_end2:
_tile_overlayer_lowered:
.L_overlay_start_2:
0x462: {  	(tag) =	ssettag $0x2  }
0x463: {  	s0 =	rddreg [dreg:$0x0];
	s2 =	stileid.u32  }
0x464: {  	s1 =	rddreg [dreg:$0x1];
	p0 =	sne.s32 s2, $0x0  }
0x465: {  	s3 =	rddreg [dreg:$0x2];
	[bflag:$0x3] =	sbarrier.arrive $0xFFFF;
	s2 =	simm.s32 @!p0 $0x1C06  }
0x466: {  	[timem:s3], [sflag:s2] =	dma.local @!p0 [hbm:s0], s1  }
0x467: {  	s0 =	simm.s32 @!p0 $0x6  }
0x468: {  	_ =	swait.ge @!p0 [sflag:s0], s1  }
0x469: {  	s1 =	ssub.s32 @!p0 $0x0, s1;
	[sflag:s0] =	ssyncset.done @!p0 $0x0  }
0x46a: {  	[sflag:s0] =	ssyncadd.s32 @!p0 s1  }
0x46b: {  	[bflag:$0x3] =	sbarrier.arrive $0xFFFF  }
0x46c: {  	_ =	shalt  }

</sc_bundles>
